<compile_context>
chip_gen: v7x
topology: tpu7x:2x2x1
jax: 0.10.2.dev20260603
libtpu: 0.0.44.dev20260713+nightly
codegen_flags: <defaults>
</compile_context>

<pallas_src>
import functools

import jax
import jax.numpy as jnp
from jax import lax
from jax.experimental import pallas as pl
from jax.experimental.pallas import tpu as pltpu
from jax.experimental.pallas import tpu_sc as plsc

MAXLEN = 512
PE_ROWS = 2 * MAXLEN + 1
PAD_ROWS = 1032
NUM_TABLES = 4
CHUNK = 128


def _table_kernel(pe_ref, w_ref, b_ref, out_ref):
    acc = lax.dot_general(
        pe_ref[...], w_ref[...],
        (((1,), (1,)), ((), ())),
        preferred_element_type=jnp.float32,
    )
    out_ref[0] = (acc + 0.25 * b_ref[...]).astype(jnp.bfloat16)


def _idx_kernel(ps_ref, pe_ref, out_ref, *, seq):
    k = pl.program_id(0)
    s = ps_ref[0, 0]
    e = pe_ref[0, 0]
    row = jnp.where(k < 2, s, e)
    col = jnp.where(k % 2 == 0, s, e)
    base = MAXLEN + k * PAD_ROWS
    row2 = lax.broadcast_in_dim(row, (seq, seq), (0,))
    col2 = lax.broadcast_in_dim(col, (seq, seq), (1,))
    out_ref[0, 0] = row2 - col2 + base


def _make_sc_gather(n_rows, hidden, num_workers, num_cores):
    chunks_per_worker = n_rows // (num_workers * CHUNK)
    n_chunks = n_rows // CHUNK
    mesh = plsc.VectorSubcoreMesh(core_axis_name="c", subcore_axis_name="s")

    @functools.partial(
        pl.kernel,
        mesh=mesh,
        compiler_params=pltpu.CompilerParams(use_tc_tiling_on_sc=False),
        out_type=jax.ShapeDtypeStruct((n_chunks, CHUNK, hidden), jnp.float32),
        scratch_types=[
            pltpu.VMEM((NUM_TABLES, CHUNK), jnp.int32),
            pltpu.VMEM((NUM_TABLES, CHUNK), jnp.int32),
            pltpu.VMEM((NUM_TABLES, CHUNK, hidden // 2), jnp.int32),
            pltpu.VMEM((NUM_TABLES, CHUNK, hidden // 2), jnp.int32),
            pltpu.VMEM((CHUNK, hidden), jnp.float32),
            pltpu.VMEM((CHUNK, hidden), jnp.float32),
            pltpu.SemaphoreType.DMA,
            pltpu.SemaphoreType.DMA,
            pltpu.SemaphoreType.DMA,
            pltpu.SemaphoreType.DMA,
            pltpu.SemaphoreType.DMA,
            pltpu.SemaphoreType.DMA,
        ],
    )
    def sc_gather(table_hbm, idx_hbm, out_hbm,
                  ixA, ixB, gbA, gbB, obA, obB,
                  semiA, semiB, semgA, semgB, semoA, semoB):
        wid = lax.axis_index("s") * num_cores + lax.axis_index("c")
        chunk0 = wid * chunks_per_worker
        last = chunks_per_worker - 1

        ix = (ixA, ixB)
        gb = (gbA, gbB)
        ob = (obA, obB)
        semi = (semiA, semiB)
        semg = (semgA, semgB)
        semo = (semoA, semoB)

        def issue_idx(c, p):
            ch = chunk0 + jnp.minimum(c, last)
            pltpu.async_copy(idx_hbm.at[:, ch], ix[p], semi[p])

        def wait_idx(p):
            pltpu.make_async_copy(idx_hbm.at[:, chunk0], ix[p],
                                  semi[p]).wait()

        def issue_gathers(p):
            for k in range(NUM_TABLES):
                pltpu.async_copy(table_hbm.at[ix[p].at[k]], gb[p].at[k],
                                 semg[p])

        def wait_gathers(p):
            for k in range(NUM_TABLES):
                pltpu.make_async_copy(table_hbm.at[ix[p].at[k]], gb[p].at[k],
                                      semg[p]).wait()

        def wait_store(p):
            pltpu.make_async_copy(ob[p], out_hbm.at[chunk0], semo[p]).wait()

        def compute_store(c, p):
            gbp = gb[p]
            obp = ob[p]

            def lo_f32(w):
                return lax.bitcast_convert_type(w << 16, jnp.float32)

            def hi_f32(w):
                return lax.bitcast_convert_type(w & jnp.int32(-65536),
                                                jnp.float32)

            @plsc.parallel_loop(0, CHUNK, unroll=4)
            def row_body(r):
                for g in range(hidden // 32):
                    sl = pl.ds(g * 16, 16)
                    w0 = gbp[0, r, sl]
                    w1 = gbp[1, r, sl]
                    w2 = gbp[2, r, sl]
                    w3 = gbp[3, r, sl]
                    lo = lo_f32(w0) + lo_f32(w1) + lo_f32(w2) + lo_f32(w3)
                    hi = hi_f32(w0) + hi_f32(w1) + hi_f32(w2) + hi_f32(w3)
                    obp[r, pl.ds(g * 32, 16)] = jnp.maximum(lo, 0.0)
                    obp[r, pl.ds(g * 32 + 16, 16)] = jnp.maximum(hi, 0.0)
            pltpu.async_copy(obp, out_hbm.at[chunk0 + c], semo[p])

        issue_idx(0, 0)
        issue_idx(1, 1)
        wait_idx(0)
        issue_gathers(0)

        def pair_body(c2, carry):
            for p in (0, 1):
                c = 2 * c2 + p
                o = 1 - p
                wait_gathers(p)
                issue_idx(c + 2, p)
                wait_idx(o)
                issue_gathers(o)
                @pl.when(c >= 2)
                def _():
                    wait_store(p)
                compute_store(c, p)
            return carry

        lax.fori_loop(0, chunks_per_worker // 2, pair_body, 0)

        wait_gathers(0)
        wait_idx(1)
        wait_store(0)
        wait_store(1)

    return sc_gather


def kernel(pos_start, pos_end, pe, W, b):
    B, S = pos_start.shape
    H = pe.shape[1]
    n_rows = B * S * S

    pe_pad = jnp.pad(pe, ((0, PAD_ROWS - pe.shape[0]), (0, 0)))

    perm = (jnp.arange(H) // 32) * 32 + jnp.where(
        jnp.arange(H) % 2 == 0, (jnp.arange(H) % 32) // 2,
        (jnp.arange(H) % 32) // 2 + 16)
    W_perm = W[perm, :]
    b_perm = b[perm]

    table = pl.pallas_call(
        _table_kernel,
        grid=(NUM_TABLES,),
        in_specs=[
            pl.BlockSpec((PAD_ROWS, H), lambda k: (0, 0)),
            pl.BlockSpec((H, H), lambda k: (0, k)),
            pl.BlockSpec((1, H), lambda k: (0, 0)),
        ],
        out_specs=pl.BlockSpec((1, PAD_ROWS, H), lambda k: (k, 0, 0)),
        out_shape=jax.ShapeDtypeStruct((NUM_TABLES, PAD_ROWS, H),
                                       jnp.bfloat16),
    )(pe_pad, W_perm, b_perm.reshape(1, H))

    idx = pl.pallas_call(
        functools.partial(_idx_kernel, seq=S),
        grid=(NUM_TABLES, B),
        in_specs=[
            pl.BlockSpec((1, 1, S), lambda k, bb: (bb, 0, 0)),
            pl.BlockSpec((1, 1, S), lambda k, bb: (bb, 0, 0)),
        ],
        out_specs=pl.BlockSpec((1, 1, S, S), lambda k, bb: (k, bb, 0, 0)),
        out_shape=jax.ShapeDtypeStruct((NUM_TABLES, B, S, S), jnp.int32),
    )(pos_start.reshape(B, 1, S), pos_end.reshape(B, 1, S))

    info = plsc.get_sparse_core_info()
    num_workers = info.num_cores * info.num_subcores
    sc_gather = _make_sc_gather(n_rows, H, num_workers, info.num_cores)
    table_i32 = jax.lax.bitcast_convert_type(
        table.reshape(NUM_TABLES * PAD_ROWS, H // 2, 2), jnp.int32)

    out = sc_gather(
        table_i32,
        idx.reshape(NUM_TABLES, n_rows // CHUNK, CHUNK),
    )
    return out.reshape(B, S, S, H)

# --- scband reference (transcript-rebuilt; emitter-appended) ---
"""Pipeline reference for scband-relative-position-embedding-37168646979687 (READ-ONLY COPY).

The authoritative reference and input builder live on the scoring server;
editing this copy changes nothing except your own understanding.
"""

import math
import jax, jax.numpy as jnp
import numpy as np

HIDDEN = 128
MAXLEN = 512
BATCH = 4
SEQ = 256

def _make_pe(max_seq_len, embed_dim):
    pe = np.zeros((max_seq_len * 2 + 1, embed_dim), dtype=np.float32)
    position = np.arange(-max_seq_len, max_seq_len + 1, dtype=np.float32)[:, None]
    div_term = np.exp(np.arange(0, embed_dim, 2, dtype=np.float32) * -(math.log(10000.0) / embed_dim))
    pe[:, 0::2] = np.sin(position * div_term)
    pe[:, 1::2] = np.cos(position * div_term)
    return jnp.asarray(pe)

def setup_inputs(seed: int = 0):
    key = jax.random.key(seed)
    k1, k2, k3 = jax.random.split(key, 3)
    pos_start = jax.random.randint(k1, (BATCH, SEQ), 0, MAXLEN, dtype=jnp.int32)
    pos_end = jax.random.randint(k2, (BATCH, SEQ), 0, MAXLEN, dtype=jnp.int32)
    pe = _make_pe(MAXLEN, HIDDEN)
    W = jax.random.normal(k3, (HIDDEN, 4 * HIDDEN), dtype=jnp.float32) * 0.02
    b = jnp.zeros((HIDDEN,), dtype=jnp.float32)
    return {"pos_start": pos_start, "pos_end": pos_end, "pe": pe, "W": W, "b": b}

def reference(pos_start, pos_end, pe, W, b):
    B, S = pos_start.shape
    M = MAXLEN
    pos_ss = pos_start[:, :, None] - pos_start[:, None, :] + M
    pos_se = pos_start[:, :, None] - pos_end[:, None, :] + M
    pos_es = pos_end[:, :, None] - pos_start[:, None, :] + M
    pos_ee = pos_end[:, :, None] - pos_end[:, None, :] + M
    pos_4 = jnp.stack([pos_ss, pos_se, pos_es, pos_ee], axis=-1).reshape(-1, 4)
    pos_unique, inverse_indices = jnp.unique(pos_4, axis=0, return_inverse=True,
                                             size=pos_4.shape[0], fill_value=0)
    inverse_indices = inverse_indices.reshape(-1)
    emb = jnp.take(pe, pos_unique, axis=0)  # [U, 4, H] gather
    emb = emb.reshape(pos_unique.shape[0], -1)
    fused = jax.nn.relu(emb @ W.T + b)
    rel = jnp.take(fused, inverse_indices, axis=0)  # [B*S*S, H] gather
    return rel.reshape(B, S, S, -1)

if __name__ == "__main__":
    import jax
    _d = setup_inputs()
    print(jax.jit(kernel)(*tuple(_d.values())))

</pallas_src>

<mosaic_0001>
#map = affine_map<(d0, d1) -> (0, 0)>
#map1 = affine_map<(d0, d1) -> (0, 0, 0)>
module attributes {stable_mosaic.version = 14 : i64} {
  func.func @sc_gather(%arg0: i32, %arg1: i32, %arg2: memref<4128x64xi32, #tpu.memory_space<hbm>>, %arg3: memref<4x2048x128xi32, #tpu.memory_space<hbm>>, %arg4: memref<2048x128x128xf32, #tpu.memory_space<hbm>>, %arg5: memref<4x128xi32, #tpu.memory_space<vmem>>, %arg6: memref<4x128xi32, #tpu.memory_space<vmem>>, %arg7: memref<4x128x64xi32, #tpu.memory_space<vmem>>, %arg8: memref<4x128x64xi32, #tpu.memory_space<vmem>>, %arg9: memref<128x128xf32, #tpu.memory_space<vmem>>, %arg10: memref<128x128xf32, #tpu.memory_space<vmem>>, %arg11: memref<!tpu.dma_semaphore, #tpu.memory_space<semaphore_mem>>, %arg12: memref<!tpu.dma_semaphore, #tpu.memory_space<semaphore_mem>>, %arg13: memref<!tpu.dma_semaphore, #tpu.memory_space<semaphore_mem>>, %arg14: memref<!tpu.dma_semaphore, #tpu.memory_space<semaphore_mem>>, %arg15: memref<!tpu.dma_semaphore, #tpu.memory_space<semaphore_mem>>, %arg16: memref<!tpu.dma_semaphore, #tpu.memory_space<semaphore_mem>>) attributes {dimension_semantics = [#tpu.dimension_semantics<core_parallel>, #tpu.dimension_semantics<subcore_parallel>], iteration_bounds = array<i64: 2, 16>, scalar_prefetch = 0 : i64, scratch_operands = 12 : i64, tpu.core_type = #tpu.core_type<sc_vector_subcore>, window_params = [{transform_indices = #map}, {transform_indices = #map1}, {transform_indices = #map1}]} {
    %mul3A = arith.constant 2 : i32
    %mul3A_0 = arith.muli %arg1, %mul3A : i32
    %add3A = arith.addi %mul3A_0, %arg0 : i32
    %mul3A_1 = arith.constant 64 : i32
    %mul3A_2 = arith.muli %add3A, %mul3A_1 : i32
    %min3A = arith.constant 0 : i32
    %min3A_3 = arith.constant 63 : i32
    %min3A_4 = arith.minsi %min3A, %min3A_3 : i32
    %add3A_5 = arith.addi %mul3A_2, %min3A_4 : i32
    %dma_start3A = arith.constant 0 : i32
    %dma_start3A_6 = arith.constant 0 : i32
    %dma_start3A_7 = tpu.memref_slice %arg3[%dma_start3A, %add3A_5, %dma_start3A_6] : memref<4x2048x128xi32, #tpu.memory_space<hbm>> -> memref<4x1x128xi32, #tpu.memory_space<hbm>>
    %dma_start3A_8 = tpu.memref_squeeze %dma_start3A_7 : memref<4x1x128xi32, #tpu.memory_space<hbm>> -> memref<4x128xi32, #tpu.memory_space<hbm>>
    %dma_start3A_9 = arith.constant 0 : i32
    %dma_start3A_10 = arith.constant 0 : i32
    %dma_start3A_11 = tpu.memref_slice %arg3[%dma_start3A_9, %add3A_5, %dma_start3A_10] : memref<4x2048x128xi32, #tpu.memory_space<hbm>> -> memref<4x1x128xi32, #tpu.memory_space<hbm>>
    %dma_start3A_12 = tpu.memref_squeeze %dma_start3A_11 : memref<4x1x128xi32, #tpu.memory_space<hbm>> -> memref<4x128xi32, #tpu.memory_space<hbm>>
    tpu.enqueue_dma source(%dma_start3A_12 : memref<4x128xi32, #tpu.memory_space<hbm>>) target(%arg5 : memref<4x128xi32, #tpu.memory_space<vmem>>) target_semaphore(%arg11 : memref<!tpu.dma_semaphore, #tpu.memory_space<semaphore_mem>>)
    %min3A_13 = arith.constant 1 : i32
    %min3A_14 = arith.constant 63 : i32
    %min3A_15 = arith.minsi %min3A_13, %min3A_14 : i32
    %add3A_16 = arith.addi %mul3A_2, %min3A_15 : i32
    %dma_start3A_17 = arith.constant 0 : i32
    %dma_start3A_18 = arith.constant 0 : i32
    %dma_start3A_19 = tpu.memref_slice %arg3[%dma_start3A_17, %add3A_16, %dma_start3A_18] : memref<4x2048x128xi32, #tpu.memory_space<hbm>> -> memref<4x1x128xi32, #tpu.memory_space<hbm>>
    %dma_start3A_20 = tpu.memref_squeeze %dma_start3A_19 : memref<4x1x128xi32, #tpu.memory_space<hbm>> -> memref<4x128xi32, #tpu.memory_space<hbm>>
    %dma_start3A_21 = arith.constant 0 : i32
    %dma_start3A_22 = arith.constant 0 : i32
    %dma_start3A_23 = tpu.memref_slice %arg3[%dma_start3A_21, %add3A_16, %dma_start3A_22] : memref<4x2048x128xi32, #tpu.memory_space<hbm>> -> memref<4x1x128xi32, #tpu.memory_space<hbm>>
    %dma_start3A_24 = tpu.memref_squeeze %dma_start3A_23 : memref<4x1x128xi32, #tpu.memory_space<hbm>> -> memref<4x128xi32, #tpu.memory_space<hbm>>
    tpu.enqueue_dma source(%dma_start3A_24 : memref<4x128xi32, #tpu.memory_space<hbm>>) target(%arg6 : memref<4x128xi32, #tpu.memory_space<vmem>>) target_semaphore(%arg12 : memref<!tpu.dma_semaphore, #tpu.memory_space<semaphore_mem>>)
    %dma_wait3A = arith.constant 0 : i32
    %dma_wait3A_25 = arith.constant 0 : i32
    %dma_wait3A_26 = tpu.memref_slice %arg3[%dma_wait3A, %mul3A_2, %dma_wait3A_25] : memref<4x2048x128xi32, #tpu.memory_space<hbm>> -> memref<4x1x128xi32, #tpu.memory_space<hbm>>
    %dma_wait3A_27 = tpu.memref_squeeze %dma_wait3A_26 : memref<4x1x128xi32, #tpu.memory_space<hbm>> -> memref<4x128xi32, #tpu.memory_space<hbm>>
    %dma_wait3A_28 = arith.constant 0 : i32
    %dma_wait3A_29 = arith.constant 0 : i32
    %dma_wait3A_30 = tpu.memref_slice %arg3[%dma_wait3A_28, %mul3A_2, %dma_wait3A_29] : memref<4x2048x128xi32, #tpu.memory_space<hbm>> -> memref<4x1x128xi32, #tpu.memory_space<hbm>>
    %dma_wait3A_31 = tpu.memref_squeeze %dma_wait3A_30 : memref<4x1x128xi32, #tpu.memory_space<hbm>> -> memref<4x128xi32, #tpu.memory_space<hbm>>
    tpu.wait_dma2 semaphore(%arg11 : memref<!tpu.dma_semaphore, #tpu.memory_space<semaphore_mem>>) src(%dma_wait3A_31 : memref<4x128xi32, #tpu.memory_space<hbm>>) dst(%arg5 : memref<4x128xi32, #tpu.memory_space<vmem>>)
    %dma_start3A_32 = arith.constant 0 : i32
    %dma_start3A_33 = arith.constant 0 : i32
    %dma_start3A_34 = arith.constant 0 : i32
    %dma_start3A_35 = arith.constant 0 : i32
    %dma_start3A_36 = tpu.memref_slice %arg7[%dma_start3A_33, %dma_start3A_34, %dma_start3A_35] : memref<4x128x64xi32, #tpu.memory_space<vmem>> -> memref<1x128x64xi32, #tpu.memory_space<vmem>>
    %dma_start3A_37 = tpu.memref_squeeze %dma_start3A_36 : memref<1x128x64xi32, #tpu.memory_space<vmem>> -> memref<128x64xi32, #tpu.memory_space<vmem>>
    %dma_start3A_38 = arith.constant 0 : i32
    %dma_start3A_39 = tpu.memref_slice %arg5[%dma_start3A_32, %dma_start3A_38] : memref<4x128xi32, #tpu.memory_space<vmem>> -> memref<1x128xi32, #tpu.memory_space<vmem>>
    %dma_start3A_40 = tpu.memref_squeeze %dma_start3A_39 : memref<1x128xi32, #tpu.memory_space<vmem>> -> memref<128xi32, #tpu.memory_space<vmem>>
    %dma_start3A_41 = arith.constant 0 : i32
    %dma_start3A_42 = arith.constant 0 : i32
    %dma_start3A_43 = tpu.memref_slice %arg2[%dma_start3A_41, %dma_start3A_42] : memref<4128x64xi32, #tpu.memory_space<hbm>> -> memref<4128x64xi32, #tpu.memory_space<hbm>>
    tpu.enqueue_indirect_dma source(%dma_start3A_43 : memref<4128x64xi32, #tpu.memory_space<hbm>>) target(%dma_start3A_37 : memref<128x64xi32, #tpu.memory_space<vmem>>) offsets(%dma_start3A_40 : memref<128xi32, #tpu.memory_space<vmem>>) semaphore(%arg13 : memref<!tpu.dma_semaphore, #tpu.memory_space<semaphore_mem>>)
    %dma_start3A_44 = arith.constant 1 : i32
    %dma_start3A_45 = arith.constant 1 : i32
    %dma_start3A_46 = arith.constant 0 : i32
    %dma_start3A_47 = arith.constant 0 : i32
    %dma_start3A_48 = tpu.memref_slice %arg7[%dma_start3A_45, %dma_start3A_46, %dma_start3A_47] : memref<4x128x64xi32, #tpu.memory_space<vmem>> -> memref<1x128x64xi32, #tpu.memory_space<vmem>>
    %dma_start3A_49 = tpu.memref_squeeze %dma_start3A_48 : memref<1x128x64xi32, #tpu.memory_space<vmem>> -> memref<128x64xi32, #tpu.memory_space<vmem>>
    %dma_start3A_50 = arith.constant 0 : i32
    %dma_start3A_51 = tpu.memref_slice %arg5[%dma_start3A_44, %dma_start3A_50] : memref<4x128xi32, #tpu.memory_space<vmem>> -> memref<1x128xi32, #tpu.memory_space<vmem>>
    %dma_start3A_52 = tpu.memref_squeeze %dma_start3A_51 : memref<1x128xi32, #tpu.memory_space<vmem>> -> memref<128xi32, #tpu.memory_space<vmem>>
    %dma_start3A_53 = arith.constant 0 : i32
    %dma_start3A_54 = arith.constant 0 : i32
    %dma_start3A_55 = tpu.memref_slice %arg2[%dma_start3A_53, %dma_start3A_54] : memref<4128x64xi32, #tpu.memory_space<hbm>> -> memref<4128x64xi32, #tpu.memory_space<hbm>>
    tpu.enqueue_indirect_dma source(%dma_start3A_55 : memref<4128x64xi32, #tpu.memory_space<hbm>>) target(%dma_start3A_49 : memref<128x64xi32, #tpu.memory_space<vmem>>) offsets(%dma_start3A_52 : memref<128xi32, #tpu.memory_space<vmem>>) semaphore(%arg13 : memref<!tpu.dma_semaphore, #tpu.memory_space<semaphore_mem>>)
    %dma_start3A_56 = arith.constant 2 : i32
    %dma_start3A_57 = arith.constant 2 : i32
    %dma_start3A_58 = arith.constant 0 : i32
    %dma_start3A_59 = arith.constant 0 : i32
    %dma_start3A_60 = tpu.memref_slice %arg7[%dma_start3A_57, %dma_start3A_58, %dma_start3A_59] : memref<4x128x64xi32, #tpu.memory_space<vmem>> -> memref<1x128x64xi32, #tpu.memory_space<vmem>>
    %dma_start3A_61 = tpu.memref_squeeze %dma_start3A_60 : memref<1x128x64xi32, #tpu.memory_space<vmem>> -> memref<128x64xi32, #tpu.memory_space<vmem>>
    %dma_start3A_62 = arith.constant 0 : i32
    %dma_start3A_63 = tpu.memref_slice %arg5[%dma_start3A_56, %dma_start3A_62] : memref<4x128xi32, #tpu.memory_space<vmem>> -> memref<1x128xi32, #tpu.memory_space<vmem>>
    %dma_start3A_64 = tpu.memref_squeeze %dma_start3A_63 : memref<1x128xi32, #tpu.memory_space<vmem>> -> memref<128xi32, #tpu.memory_space<vmem>>
    %dma_start3A_65 = arith.constant 0 : i32
    %dma_start3A_66 = arith.constant 0 : i32
    %dma_start3A_67 = tpu.memref_slice %arg2[%dma_start3A_65, %dma_start3A_66] : memref<4128x64xi32, #tpu.memory_space<hbm>> -> memref<4128x64xi32, #tpu.memory_space<hbm>>
    tpu.enqueue_indirect_dma source(%dma_start3A_67 : memref<4128x64xi32, #tpu.memory_space<hbm>>) target(%dma_start3A_61 : memref<128x64xi32, #tpu.memory_space<vmem>>) offsets(%dma_start3A_64 : memref<128xi32, #tpu.memory_space<vmem>>) semaphore(%arg13 : memref<!tpu.dma_semaphore, #tpu.memory_space<semaphore_mem>>)
    %dma_start3A_68 = arith.constant 3 : i32
    %dma_start3A_69 = arith.constant 3 : i32
    %dma_start3A_70 = arith.constant 0 : i32
    %dma_start3A_71 = arith.constant 0 : i32
    %dma_start3A_72 = tpu.memref_slice %arg7[%dma_start3A_69, %dma_start3A_70, %dma_start3A_71] : memref<4x128x64xi32, #tpu.memory_space<vmem>> -> memref<1x128x64xi32, #tpu.memory_space<vmem>>
    %dma_start3A_73 = tpu.memref_squeeze %dma_start3A_72 : memref<1x128x64xi32, #tpu.memory_space<vmem>> -> memref<128x64xi32, #tpu.memory_space<vmem>>
    %dma_start3A_74 = arith.constant 0 : i32
    %dma_start3A_75 = tpu.memref_slice %arg5[%dma_start3A_68, %dma_start3A_74] : memref<4x128xi32, #tpu.memory_space<vmem>> -> memref<1x128xi32, #tpu.memory_space<vmem>>
    %dma_start3A_76 = tpu.memref_squeeze %dma_start3A_75 : memref<1x128xi32, #tpu.memory_space<vmem>> -> memref<128xi32, #tpu.memory_space<vmem>>
    %dma_start3A_77 = arith.constant 0 : i32
    %dma_start3A_78 = arith.constant 0 : i32
    %dma_start3A_79 = tpu.memref_slice %arg2[%dma_start3A_77, %dma_start3A_78] : memref<4128x64xi32, #tpu.memory_space<hbm>> -> memref<4128x64xi32, #tpu.memory_space<hbm>>
    tpu.enqueue_indirect_dma source(%dma_start3A_79 : memref<4128x64xi32, #tpu.memory_space<hbm>>) target(%dma_start3A_73 : memref<128x64xi32, #tpu.memory_space<vmem>>) offsets(%dma_start3A_76 : memref<128xi32, #tpu.memory_space<vmem>>) semaphore(%arg13 : memref<!tpu.dma_semaphore, #tpu.memory_space<semaphore_mem>>)
    %scan3A = arith.constant 0 : i32
    %scan3A_80 = arith.constant 0 : i32
    %scan3A_81 = arith.constant 32 : i32
    %scan3A_82 = arith.addi %scan3A_80, %scan3A_81 : i32
    %scan3A_83 = arith.constant 1 : i32
    scf.for %scan3A_157 = %scan3A_80 to %scan3A_82 step %scan3A_83  : i32 {
      %mul3A_158 = arith.constant 2 : i32
      %mul3A_159 = arith.muli %mul3A_158, %scan3A_157 : i32
      %add3A_160 = arith.constant 0 : i32
      %add3A_161 = arith.addi %mul3A_159, %add3A_160 : i32
      %dma_wait3A_162 = arith.constant 0 : i32
      %dma_wait3A_163 = arith.constant 0 : i32
      %dma_wait3A_164 = arith.constant 0 : i32
      %dma_wait3A_165 = arith.constant 0 : i32
      %dma_wait3A_166 = tpu.memref_slice %arg7[%dma_wait3A_163, %dma_wait3A_164, %dma_wait3A_165] : memref<4x128x64xi32, #tpu.memory_space<vmem>> -> memref<1x128x64xi32, #tpu.memory_space<vmem>>
      %dma_wait3A_167 = tpu.memref_squeeze %dma_wait3A_166 : memref<1x128x64xi32, #tpu.memory_space<vmem>> -> memref<128x64xi32, #tpu.memory_space<vmem>>
      %dma_wait3A_168 = arith.constant 0 : i32
      %dma_wait3A_169 = tpu.memref_slice %arg5[%dma_wait3A_162, %dma_wait3A_168] : memref<4x128xi32, #tpu.memory_space<vmem>> -> memref<1x128xi32, #tpu.memory_space<vmem>>
      %dma_wait3A_170 = tpu.memref_squeeze %dma_wait3A_169 : memref<1x128xi32, #tpu.memory_space<vmem>> -> memref<128xi32, #tpu.memory_space<vmem>>
      %dma_wait3A_171 = arith.constant 0 : i32
      %dma_wait3A_172 = arith.constant 0 : i32
      %dma_wait3A_173 = tpu.memref_slice %arg2[%dma_wait3A_171, %dma_wait3A_172] : memref<4128x64xi32, #tpu.memory_space<hbm>> -> memref<4128x64xi32, #tpu.memory_space<hbm>>
      tpu.wait_indirect_dma semaphore(%arg13 : memref<!tpu.dma_semaphore, #tpu.memory_space<semaphore_mem>>) src(%dma_wait3A_173 : memref<4128x64xi32, #tpu.memory_space<hbm>>) dst(%dma_wait3A_167 : memref<128x64xi32, #tpu.memory_space<vmem>>)
      %dma_wait3A_174 = arith.constant 1 : i32
      %dma_wait3A_175 = arith.constant 1 : i32
      %dma_wait3A_176 = arith.constant 0 : i32
      %dma_wait3A_177 = arith.constant 0 : i32
      %dma_wait3A_178 = tpu.memref_slice %arg7[%dma_wait3A_175, %dma_wait3A_176, %dma_wait3A_177] : memref<4x128x64xi32, #tpu.memory_space<vmem>> -> memref<1x128x64xi32, #tpu.memory_space<vmem>>
      %dma_wait3A_179 = tpu.memref_squeeze %dma_wait3A_178 : memref<1x128x64xi32, #tpu.memory_space<vmem>> -> memref<128x64xi32, #tpu.memory_space<vmem>>
      %dma_wait3A_180 = arith.constant 0 : i32
      %dma_wait3A_181 = tpu.memref_slice %arg5[%dma_wait3A_174, %dma_wait3A_180] : memref<4x128xi32, #tpu.memory_space<vmem>> -> memref<1x128xi32, #tpu.memory_space<vmem>>
      %dma_wait3A_182 = tpu.memref_squeeze %dma_wait3A_181 : memref<1x128xi32, #tpu.memory_space<vmem>> -> memref<128xi32, #tpu.memory_space<vmem>>
      %dma_wait3A_183 = arith.constant 0 : i32
      %dma_wait3A_184 = arith.constant 0 : i32
      %dma_wait3A_185 = tpu.memref_slice %arg2[%dma_wait3A_183, %dma_wait3A_184] : memref<4128x64xi32, #tpu.memory_space<hbm>> -> memref<4128x64xi32, #tpu.memory_space<hbm>>
      tpu.wait_indirect_dma semaphore(%arg13 : memref<!tpu.dma_semaphore, #tpu.memory_space<semaphore_mem>>) src(%dma_wait3A_185 : memref<4128x64xi32, #tpu.memory_space<hbm>>) dst(%dma_wait3A_179 : memref<128x64xi32, #tpu.memory_space<vmem>>)
      %dma_wait3A_186 = arith.constant 2 : i32
      %dma_wait3A_187 = arith.constant 2 : i32
      %dma_wait3A_188 = arith.constant 0 : i32
      %dma_wait3A_189 = arith.constant 0 : i32
      %dma_wait3A_190 = tpu.memref_slice %arg7[%dma_wait3A_187, %dma_wait3A_188, %dma_wait3A_189] : memref<4x128x64xi32, #tpu.memory_space<vmem>> -> memref<1x128x64xi32, #tpu.memory_space<vmem>>
      %dma_wait3A_191 = tpu.memref_squeeze %dma_wait3A_190 : memref<1x128x64xi32, #tpu.memory_space<vmem>> -> memref<128x64xi32, #tpu.memory_space<vmem>>
      %dma_wait3A_192 = arith.constant 0 : i32
      %dma_wait3A_193 = tpu.memref_slice %arg5[%dma_wait3A_186, %dma_wait3A_192] : memref<4x128xi32, #tpu.memory_space<vmem>> -> memref<1x128xi32, #tpu.memory_space<vmem>>
      %dma_wait3A_194 = tpu.memref_squeeze %dma_wait3A_193 : memref<1x128xi32, #tpu.memory_space<vmem>> -> memref<128xi32, #tpu.memory_space<vmem>>
      %dma_wait3A_195 = arith.constant 0 : i32
      %dma_wait3A_196 = arith.constant 0 : i32
      %dma_wait3A_197 = tpu.memref_slice %arg2[%dma_wait3A_195, %dma_wait3A_196] : memref<4128x64xi32, #tpu.memory_space<hbm>> -> memref<4128x64xi32, #tpu.memory_space<hbm>>
      tpu.wait_indirect_dma semaphore(%arg13 : memref<!tpu.dma_semaphore, #tpu.memory_space<semaphore_mem>>) src(%dma_wait3A_197 : memref<4128x64xi32, #tpu.memory_space<hbm>>) dst(%dma_wait3A_191 : memref<128x64xi32, #tpu.memory_space<vmem>>)
      %dma_wait3A_198 = arith.constant 3 : i32
      %dma_wait3A_199 = arith.constant 3 : i32
      %dma_wait3A_200 = arith.constant 0 : i32
      %dma_wait3A_201 = arith.constant 0 : i32
      %dma_wait3A_202 = tpu.memref_slice %arg7[%dma_wait3A_199, %dma_wait3A_200, %dma_wait3A_201] : memref<4x128x64xi32, #tpu.memory_space<vmem>> -> memref<1x128x64xi32, #tpu.memory_space<vmem>>
      %dma_wait3A_203 = tpu.memref_squeeze %dma_wait3A_202 : memref<1x128x64xi32, #tpu.memory_space<vmem>> -> memref<128x64xi32, #tpu.memory_space<vmem>>
      %dma_wait3A_204 = arith.constant 0 : i32
      %dma_wait3A_205 = tpu.memref_slice %arg5[%dma_wait3A_198, %dma_wait3A_204] : memref<4x128xi32, #tpu.memory_space<vmem>> -> memref<1x128xi32, #tpu.memory_space<vmem>>
      %dma_wait3A_206 = tpu.memref_squeeze %dma_wait3A_205 : memref<1x128xi32, #tpu.memory_space<vmem>> -> memref<128xi32, #tpu.memory_space<vmem>>
      %dma_wait3A_207 = arith.constant 0 : i32
      %dma_wait3A_208 = arith.constant 0 : i32
      %dma_wait3A_209 = tpu.memref_slice %arg2[%dma_wait3A_207, %dma_wait3A_208] : memref<4128x64xi32, #tpu.memory_space<hbm>> -> memref<4128x64xi32, #tpu.memory_space<hbm>>
      tpu.wait_indirect_dma semaphore(%arg13 : memref<!tpu.dma_semaphore, #tpu.memory_space<semaphore_mem>>) src(%dma_wait3A_209 : memref<4128x64xi32, #tpu.memory_space<hbm>>) dst(%dma_wait3A_203 : memref<128x64xi32, #tpu.memory_space<vmem>>)
      %add3A_210 = arith.constant 2 : i32
      %add3A_211 = arith.addi %add3A_161, %add3A_210 : i32
      %min3A_212 = arith.constant 63 : i32
      %min3A_213 = arith.minsi %add3A_211, %min3A_212 : i32
      %add3A_214 = arith.addi %mul3A_2, %min3A_213 : i32
      %dma_start3A_215 = arith.constant 0 : i32
      %dma_start3A_216 = arith.constant 0 : i32
      %dma_start3A_217 = tpu.memref_slice %arg3[%dma_start3A_215, %add3A_214, %dma_start3A_216] : memref<4x2048x128xi32, #tpu.memory_space<hbm>> -> memref<4x1x128xi32, #tpu.memory_space<hbm>>
      %dma_start3A_218 = tpu.memref_squeeze %dma_start3A_217 : memref<4x1x128xi32, #tpu.memory_space<hbm>> -> memref<4x128xi32, #tpu.memory_space<hbm>>
      %dma_start3A_219 = arith.constant 0 : i32
      %dma_start3A_220 = arith.constant 0 : i32
      %dma_start3A_221 = tpu.memref_slice %arg3[%dma_start3A_219, %add3A_214, %dma_start3A_220] : memref<4x2048x128xi32, #tpu.memory_space<hbm>> -> memref<4x1x128xi32, #tpu.memory_space<hbm>>
      %dma_start3A_222 = tpu.memref_squeeze %dma_start3A_221 : memref<4x1x128xi32, #tpu.memory_space<hbm>> -> memref<4x128xi32, #tpu.memory_space<hbm>>
      tpu.enqueue_dma source(%dma_start3A_222 : memref<4x128xi32, #tpu.memory_space<hbm>>) target(%arg5 : memref<4x128xi32, #tpu.memory_space<vmem>>) target_semaphore(%arg11 : memref<!tpu.dma_semaphore, #tpu.memory_space<semaphore_mem>>)
      %dma_wait3A_223 = arith.constant 0 : i32
      %dma_wait3A_224 = arith.constant 0 : i32
      %dma_wait3A_225 = tpu.memref_slice %arg3[%dma_wait3A_223, %mul3A_2, %dma_wait3A_224] : memref<4x2048x128xi32, #tpu.memory_space<hbm>> -> memref<4x1x128xi32, #tpu.memory_space<hbm>>
      %dma_wait3A_226 = tpu.memref_squeeze %dma_wait3A_225 : memref<4x1x128xi32, #tpu.memory_space<hbm>> -> memref<4x128xi32, #tpu.memory_space<hbm>>
      %dma_wait3A_227 = arith.constant 0 : i32
      %dma_wait3A_228 = arith.constant 0 : i32
      %dma_wait3A_229 = tpu.memref_slice %arg3[%dma_wait3A_227, %mul3A_2, %dma_wait3A_228] : memref<4x2048x128xi32, #tpu.memory_space<hbm>> -> memref<4x1x128xi32, #tpu.memory_space<hbm>>
      %dma_wait3A_230 = tpu.memref_squeeze %dma_wait3A_229 : memref<4x1x128xi32, #tpu.memory_space<hbm>> -> memref<4x128xi32, #tpu.memory_space<hbm>>
      tpu.wait_dma2 semaphore(%arg12 : memref<!tpu.dma_semaphore, #tpu.memory_space<semaphore_mem>>) src(%dma_wait3A_230 : memref<4x128xi32, #tpu.memory_space<hbm>>) dst(%arg6 : memref<4x128xi32, #tpu.memory_space<vmem>>)
      %dma_start3A_231 = arith.constant 0 : i32
      %dma_start3A_232 = arith.constant 0 : i32
      %dma_start3A_233 = arith.constant 0 : i32
      %dma_start3A_234 = arith.constant 0 : i32
      %dma_start3A_235 = tpu.memref_slice %arg8[%dma_start3A_232, %dma_start3A_233, %dma_start3A_234] : memref<4x128x64xi32, #tpu.memory_space<vmem>> -> memref<1x128x64xi32, #tpu.memory_space<vmem>>
      %dma_start3A_236 = tpu.memref_squeeze %dma_start3A_235 : memref<1x128x64xi32, #tpu.memory_space<vmem>> -> memref<128x64xi32, #tpu.memory_space<vmem>>
      %dma_start3A_237 = arith.constant 0 : i32
      %dma_start3A_238 = tpu.memref_slice %arg6[%dma_start3A_231, %dma_start3A_237] : memref<4x128xi32, #tpu.memory_space<vmem>> -> memref<1x128xi32, #tpu.memory_space<vmem>>
      %dma_start3A_239 = tpu.memref_squeeze %dma_start3A_238 : memref<1x128xi32, #tpu.memory_space<vmem>> -> memref<128xi32, #tpu.memory_space<vmem>>
      %dma_start3A_240 = arith.constant 0 : i32
      %dma_start3A_241 = arith.constant 0 : i32
      %dma_start3A_242 = tpu.memref_slice %arg2[%dma_start3A_240, %dma_start3A_241] : memref<4128x64xi32, #tpu.memory_space<hbm>> -> memref<4128x64xi32, #tpu.memory_space<hbm>>
      tpu.enqueue_indirect_dma source(%dma_start3A_242 : memref<4128x64xi32, #tpu.memory_space<hbm>>) target(%dma_start3A_236 : memref<128x64xi32, #tpu.memory_space<vmem>>) offsets(%dma_start3A_239 : memref<128xi32, #tpu.memory_space<vmem>>) semaphore(%arg14 : memref<!tpu.dma_semaphore, #tpu.memory_space<semaphore_mem>>)
      %dma_start3A_243 = arith.constant 1 : i32
      %dma_start3A_244 = arith.constant 1 : i32
      %dma_start3A_245 = arith.constant 0 : i32
      %dma_start3A_246 = arith.constant 0 : i32
      %dma_start3A_247 = tpu.memref_slice %arg8[%dma_start3A_244, %dma_start3A_245, %dma_start3A_246] : memref<4x128x64xi32, #tpu.memory_space<vmem>> -> memref<1x128x64xi32, #tpu.memory_space<vmem>>
      %dma_start3A_248 = tpu.memref_squeeze %dma_start3A_247 : memref<1x128x64xi32, #tpu.memory_space<vmem>> -> memref<128x64xi32, #tpu.memory_space<vmem>>
      %dma_start3A_249 = arith.constant 0 : i32
      %dma_start3A_250 = tpu.memref_slice %arg6[%dma_start3A_243, %dma_start3A_249] : memref<4x128xi32, #tpu.memory_space<vmem>> -> memref<1x128xi32, #tpu.memory_space<vmem>>
      %dma_start3A_251 = tpu.memref_squeeze %dma_start3A_250 : memref<1x128xi32, #tpu.memory_space<vmem>> -> memref<128xi32, #tpu.memory_space<vmem>>
      %dma_start3A_252 = arith.constant 0 : i32
      %dma_start3A_253 = arith.constant 0 : i32
      %dma_start3A_254 = tpu.memref_slice %arg2[%dma_start3A_252, %dma_start3A_253] : memref<4128x64xi32, #tpu.memory_space<hbm>> -> memref<4128x64xi32, #tpu.memory_space<hbm>>
      tpu.enqueue_indirect_dma source(%dma_start3A_254 : memref<4128x64xi32, #tpu.memory_space<hbm>>) target(%dma_start3A_248 : memref<128x64xi32, #tpu.memory_space<vmem>>) offsets(%dma_start3A_251 : memref<128xi32, #tpu.memory_space<vmem>>) semaphore(%arg14 : memref<!tpu.dma_semaphore, #tpu.memory_space<semaphore_mem>>)
      %dma_start3A_255 = arith.constant 2 : i32
      %dma_start3A_256 = arith.constant 2 : i32
      %dma_start3A_257 = arith.constant 0 : i32
      %dma_start3A_258 = arith.constant 0 : i32
      %dma_start3A_259 = tpu.memref_slice %arg8[%dma_start3A_256, %dma_start3A_257, %dma_start3A_258] : memref<4x128x64xi32, #tpu.memory_space<vmem>> -> memref<1x128x64xi32, #tpu.memory_space<vmem>>
      %dma_start3A_260 = tpu.memref_squeeze %dma_start3A_259 : memref<1x128x64xi32, #tpu.memory_space<vmem>> -> memref<128x64xi32, #tpu.memory_space<vmem>>
      %dma_start3A_261 = arith.constant 0 : i32
      %dma_start3A_262 = tpu.memref_slice %arg6[%dma_start3A_255, %dma_start3A_261] : memref<4x128xi32, #tpu.memory_space<vmem>> -> memref<1x128xi32, #tpu.memory_space<vmem>>
      %dma_start3A_263 = tpu.memref_squeeze %dma_start3A_262 : memref<1x128xi32, #tpu.memory_space<vmem>> -> memref<128xi32, #tpu.memory_space<vmem>>
      %dma_start3A_264 = arith.constant 0 : i32
      %dma_start3A_265 = arith.constant 0 : i32
      %dma_start3A_266 = tpu.memref_slice %arg2[%dma_start3A_264, %dma_start3A_265] : memref<4128x64xi32, #tpu.memory_space<hbm>> -> memref<4128x64xi32, #tpu.memory_space<hbm>>
      tpu.enqueue_indirect_dma source(%dma_start3A_266 : memref<4128x64xi32, #tpu.memory_space<hbm>>) target(%dma_start3A_260 : memref<128x64xi32, #tpu.memory_space<vmem>>) offsets(%dma_start3A_263 : memref<128xi32, #tpu.memory_space<vmem>>) semaphore(%arg14 : memref<!tpu.dma_semaphore, #tpu.memory_space<semaphore_mem>>)
      %dma_start3A_267 = arith.constant 3 : i32
      %dma_start3A_268 = arith.constant 3 : i32
      %dma_start3A_269 = arith.constant 0 : i32
      %dma_start3A_270 = arith.constant 0 : i32
      %dma_start3A_271 = tpu.memref_slice %arg8[%dma_start3A_268, %dma_start3A_269, %dma_start3A_270] : memref<4x128x64xi32, #tpu.memory_space<vmem>> -> memref<1x128x64xi32, #tpu.memory_space<vmem>>
      %dma_start3A_272 = tpu.memref_squeeze %dma_start3A_271 : memref<1x128x64xi32, #tpu.memory_space<vmem>> -> memref<128x64xi32, #tpu.memory_space<vmem>>
      %dma_start3A_273 = arith.constant 0 : i32
      %dma_start3A_274 = tpu.memref_slice %arg6[%dma_start3A_267, %dma_start3A_273] : memref<4x128xi32, #tpu.memory_space<vmem>> -> memref<1x128xi32, #tpu.memory_space<vmem>>
      %dma_start3A_275 = tpu.memref_squeeze %dma_start3A_274 : memref<1x128xi32, #tpu.memory_space<vmem>> -> memref<128xi32, #tpu.memory_space<vmem>>
      %dma_start3A_276 = arith.constant 0 : i32
      %dma_start3A_277 = arith.constant 0 : i32
      %dma_start3A_278 = tpu.memref_slice %arg2[%dma_start3A_276, %dma_start3A_277] : memref<4128x64xi32, #tpu.memory_space<hbm>> -> memref<4128x64xi32, #tpu.memory_space<hbm>>
      tpu.enqueue_indirect_dma source(%dma_start3A_278 : memref<4128x64xi32, #tpu.memory_space<hbm>>) target(%dma_start3A_272 : memref<128x64xi32, #tpu.memory_space<vmem>>) offsets(%dma_start3A_275 : memref<128xi32, #tpu.memory_space<vmem>>) semaphore(%arg14 : memref<!tpu.dma_semaphore, #tpu.memory_space<semaphore_mem>>)
      %ge3A = arith.constant 2 : i32
      %ge3A_279 = arith.cmpi sge, %add3A_161, %ge3A : i32
      %convert_element_type3A = arith.extui %ge3A_279 : i1 to i32
      %cond3A = arith.constant 0 : i32
      %cond3A_280 = arith.cmpi ne, %convert_element_type3A, %cond3A : i32
      scf.if %cond3A_280 {
        %dma_wait3A_430 = arith.constant 0 : i32
        %dma_wait3A_431 = arith.constant 0 : i32
        %dma_wait3A_432 = tpu.memref_slice %arg4[%mul3A_2, %dma_wait3A_430, %dma_wait3A_431] : memref<2048x128x128xf32, #tpu.memory_space<hbm>> -> memref<1x128x128xf32, #tpu.memory_space<hbm>>
        %dma_wait3A_433 = tpu.memref_squeeze %dma_wait3A_432 : memref<1x128x128xf32, #tpu.memory_space<hbm>> -> memref<128x128xf32, #tpu.memory_space<hbm>>
        %dma_wait3A_434 = arith.constant 0 : i32
        %dma_wait3A_435 = arith.constant 0 : i32
        %dma_wait3A_436 = tpu.memref_slice %arg4[%mul3A_2, %dma_wait3A_434, %dma_wait3A_435] : memref<2048x128x128xf32, #tpu.memory_space<hbm>> -> memref<1x128x128xf32, #tpu.memory_space<hbm>>
        %dma_wait3A_437 = tpu.memref_squeeze %dma_wait3A_436 : memref<1x128x128xf32, #tpu.memory_space<hbm>> -> memref<128x128xf32, #tpu.memory_space<hbm>>
        tpu.wait_dma2 semaphore(%arg15 : memref<!tpu.dma_semaphore, #tpu.memory_space<semaphore_mem>>) src(%arg9 : memref<128x128xf32, #tpu.memory_space<vmem>>) dst(%dma_wait3A_437 : memref<128x128xf32, #tpu.memory_space<hbm>>)
      } else {
      }
      %parallel_loop3A = arith.constant 0 : i32
      %parallel_loop3A_281 = arith.constant 128 : i32
      %parallel_loop3A_282 = arith.constant 1 : i32
      scf.for %parallel_loop3A_430 = %parallel_loop3A to %parallel_loop3A_281 step %parallel_loop3A_282  : i32 {
        %parallel_loop3A_431 = arith.constant 0 : i32
        %parallel_loop3A_432 = arith.index_cast %parallel_loop3A_431 : i32 to index
        %parallel_loop3A_433 = arith.index_cast %parallel_loop3A_430 : i32 to index
        %parallel_loop3A_434 = arith.constant 0 : index
        %parallel_loop3A_435 = tpu.vector_load %arg7[%parallel_loop3A_432, %parallel_loop3A_433, %parallel_loop3A_434] {strides = array<i32>} : memref<4x128x64xi32, #tpu.memory_space<vmem>>, vector<1x1x16xi32>,
        %parallel_loop3A_436 = vector.shape_cast %parallel_loop3A_435 : vector<1x1x16xi32> to vector<16xi32>
        %parallel_loop3A_437 = arith.constant 1 : i32
        %parallel_loop3A_438 = arith.index_cast %parallel_loop3A_437 : i32 to index
        %parallel_loop3A_439 = arith.index_cast %parallel_loop3A_430 : i32 to index
        %parallel_loop3A_440 = arith.constant 0 : index
        %parallel_loop3A_441 = tpu.vector_load %arg7[%parallel_loop3A_438, %parallel_loop3A_439, %parallel_loop3A_440] {strides = array<i32>} : memref<4x128x64xi32, #tpu.memory_space<vmem>>, vector<1x1x16xi32>,
        %parallel_loop3A_442 = vector.shape_cast %parallel_loop3A_441 : vector<1x1x16xi32> to vector<16xi32>
        %parallel_loop3A_443 = arith.constant 2 : i32
        %parallel_loop3A_444 = arith.index_cast %parallel_loop3A_443 : i32 to index
        %parallel_loop3A_445 = arith.index_cast %parallel_loop3A_430 : i32 to index
        %parallel_loop3A_446 = arith.constant 0 : index
        %parallel_loop3A_447 = tpu.vector_load %arg7[%parallel_loop3A_444, %parallel_loop3A_445, %parallel_loop3A_446] {strides = array<i32>} : memref<4x128x64xi32, #tpu.memory_space<vmem>>, vector<1x1x16xi32>,
        %parallel_loop3A_448 = vector.shape_cast %parallel_loop3A_447 : vector<1x1x16xi32> to vector<16xi32>
        %parallel_loop3A_449 = arith.constant 3 : i32
        %parallel_loop3A_450 = arith.index_cast %parallel_loop3A_449 : i32 to index
        %parallel_loop3A_451 = arith.index_cast %parallel_loop3A_430 : i32 to index
        %parallel_loop3A_452 = arith.constant 0 : index
        %parallel_loop3A_453 = tpu.vector_load %arg7[%parallel_loop3A_450, %parallel_loop3A_451, %parallel_loop3A_452] {strides = array<i32>} : memref<4x128x64xi32, #tpu.memory_space<vmem>>, vector<1x1x16xi32>,
        %parallel_loop3A_454 = vector.shape_cast %parallel_loop3A_453 : vector<1x1x16xi32> to vector<16xi32>
        %parallel_loop3A_455 = arith.constant 16 : i32
        %parallel_loop3A_456 = vector.broadcast %parallel_loop3A_455 : i32 to vector<16xi32>
        %parallel_loop3A_457 = arith.shli %parallel_loop3A_436, %parallel_loop3A_456 : vector<16xi32>
        %parallel_loop3A_458 = tpu.bitcast %parallel_loop3A_457 : vector<16xi32> -> vector<16xf32>
        %parallel_loop3A_459 = arith.constant 16 : i32
        %parallel_loop3A_460 = vector.broadcast %parallel_loop3A_459 : i32 to vector<16xi32>
        %parallel_loop3A_461 = arith.shli %parallel_loop3A_442, %parallel_loop3A_460 : vector<16xi32>
        %parallel_loop3A_462 = tpu.bitcast %parallel_loop3A_461 : vector<16xi32> -> vector<16xf32>
        %parallel_loop3A_463 = arith.addf %parallel_loop3A_458, %parallel_loop3A_462 : vector<16xf32>
        %parallel_loop3A_464 = arith.constant 16 : i32
        %parallel_loop3A_465 = vector.broadcast %parallel_loop3A_464 : i32 to vector<16xi32>
        %parallel_loop3A_466 = arith.shli %parallel_loop3A_448, %parallel_loop3A_465 : vector<16xi32>
        %parallel_loop3A_467 = tpu.bitcast %parallel_loop3A_466 : vector<16xi32> -> vector<16xf32>
        %parallel_loop3A_468 = arith.addf %parallel_loop3A_463, %parallel_loop3A_467 : vector<16xf32>
        %parallel_loop3A_469 = arith.constant 16 : i32
        %parallel_loop3A_470 = vector.broadcast %parallel_loop3A_469 : i32 to vector<16xi32>
        %parallel_loop3A_471 = arith.shli %parallel_loop3A_454, %parallel_loop3A_470 : vector<16xi32>
        %parallel_loop3A_472 = tpu.bitcast %parallel_loop3A_471 : vector<16xi32> -> vector<16xf32>
        %parallel_loop3A_473 = arith.addf %parallel_loop3A_468, %parallel_loop3A_472 : vector<16xf32>
        %parallel_loop3A_474 = arith.constant -65536 : i32
        %parallel_loop3A_475 = vector.broadcast %parallel_loop3A_474 : i32 to vector<16xi32>
        %parallel_loop3A_476 = arith.andi %parallel_loop3A_436, %parallel_loop3A_475 : vector<16xi32>
        %parallel_loop3A_477 = tpu.bitcast %parallel_loop3A_476 : vector<16xi32> -> vector<16xf32>
        %parallel_loop3A_478 = arith.constant -65536 : i32
        %parallel_loop3A_479 = vector.broadcast %parallel_loop3A_478 : i32 to vector<16xi32>
        %parallel_loop3A_480 = arith.andi %parallel_loop3A_442, %parallel_loop3A_479 : vector<16xi32>
        %parallel_loop3A_481 = tpu.bitcast %parallel_loop3A_480 : vector<16xi32> -> vector<16xf32>
        %parallel_loop3A_482 = arith.addf %parallel_loop3A_477, %parallel_loop3A_481 : vector<16xf32>
        %parallel_loop3A_483 = arith.constant -65536 : i32
        %parallel_loop3A_484 = vector.broadcast %parallel_loop3A_483 : i32 to vector<16xi32>
        %parallel_loop3A_485 = arith.andi %parallel_loop3A_448, %parallel_loop3A_484 : vector<16xi32>
        %parallel_loop3A_486 = tpu.bitcast %parallel_loop3A_485 : vector<16xi32> -> vector<16xf32>
        %parallel_loop3A_487 = arith.addf %parallel_loop3A_482, %parallel_loop3A_486 : vector<16xf32>
        %parallel_loop3A_488 = arith.constant -65536 : i32
        %parallel_loop3A_489 = vector.broadcast %parallel_loop3A_488 : i32 to vector<16xi32>
        %parallel_loop3A_490 = arith.andi %parallel_loop3A_454, %parallel_loop3A_489 : vector<16xi32>
        %parallel_loop3A_491 = tpu.bitcast %parallel_loop3A_490 : vector<16xi32> -> vector<16xf32>
        %parallel_loop3A_492 = arith.addf %parallel_loop3A_487, %parallel_loop3A_491 : vector<16xf32>
        %parallel_loop3A_493 = arith.constant 0.000000e+00 : f32
        %parallel_loop3A_494 = vector.broadcast %parallel_loop3A_493 : f32 to vector<16xf32>
        %parallel_loop3A_495 = arith.maximumf %parallel_loop3A_473, %parallel_loop3A_494 : vector<16xf32>
        %parallel_loop3A_496 = arith.index_cast %parallel_loop3A_430 : i32 to index
        %parallel_loop3A_497 = arith.constant 0 : index
        %parallel_loop3A_498 = tpu.vector_load %arg9[%parallel_loop3A_496, %parallel_loop3A_497] {strides = array<i32>} : memref<128x128xf32, #tpu.memory_space<vmem>>, vector<1x16xf32>,
        %parallel_loop3A_499 = vector.shape_cast %parallel_loop3A_498 : vector<1x16xf32> to vector<16xf32>
        %parallel_loop3A_500 = vector.shape_cast %parallel_loop3A_495 : vector<16xf32> to vector<1x16xf32>
        tpu.vector_store %arg9[%parallel_loop3A_496, %parallel_loop3A_497], %parallel_loop3A_500 {strides = array<i32>} : memref<128x128xf32, #tpu.memory_space<vmem>>, vector<1x16xf32>,
        %parallel_loop3A_501 = arith.constant 0.000000e+00 : f32
        %parallel_loop3A_502 = vector.broadcast %parallel_loop3A_501 : f32 to vector<16xf32>
        %parallel_loop3A_503 = arith.maximumf %parallel_loop3A_492, %parallel_loop3A_502 : vector<16xf32>
        %parallel_loop3A_504 = arith.index_cast %parallel_loop3A_430 : i32 to index
        %parallel_loop3A_505 = arith.constant 16 : index
        %parallel_loop3A_506 = tpu.vector_load %arg9[%parallel_loop3A_504, %parallel_loop3A_505] {strides = array<i32>} : memref<128x128xf32, #tpu.memory_space<vmem>>, vector<1x16xf32>,
        %parallel_loop3A_507 = vector.shape_cast %parallel_loop3A_506 : vector<1x16xf32> to vector<16xf32>
        %parallel_loop3A_508 = vector.shape_cast %parallel_loop3A_503 : vector<16xf32> to vector<1x16xf32>
        tpu.vector_store %arg9[%parallel_loop3A_504, %parallel_loop3A_505], %parallel_loop3A_508 {strides = array<i32>} : memref<128x128xf32, #tpu.memory_space<vmem>>, vector<1x16xf32>,
        %parallel_loop3A_509 = arith.constant 0 : i32
        %parallel_loop3A_510 = arith.index_cast %parallel_loop3A_509 : i32 to index
        %parallel_loop3A_511 = arith.index_cast %parallel_loop3A_430 : i32 to index
        %parallel_loop3A_512 = arith.constant 16 : index
        %parallel_loop3A_513 = tpu.vector_load %arg7[%parallel_loop3A_510, %parallel_loop3A_511, %parallel_loop3A_512] {strides = array<i32>} : memref<4x128x64xi32, #tpu.memory_space<vmem>>, vector<1x1x16xi32>,
        %parallel_loop3A_514 = vector.shape_cast %parallel_loop3A_513 : vector<1x1x16xi32> to vector<16xi32>
        %parallel_loop3A_515 = arith.constant 1 : i32
        %parallel_loop3A_516 = arith.index_cast %parallel_loop3A_515 : i32 to index
        %parallel_loop3A_517 = arith.index_cast %parallel_loop3A_430 : i32 to index
        %parallel_loop3A_518 = arith.constant 16 : index
        %parallel_loop3A_519 = tpu.vector_load %arg7[%parallel_loop3A_516, %parallel_loop3A_517, %parallel_loop3A_518] {strides = array<i32>} : memref<4x128x64xi32, #tpu.memory_space<vmem>>, vector<1x1x16xi32>,
        %parallel_loop3A_520 = vector.shape_cast %parallel_loop3A_519 : vector<1x1x16xi32> to vector<16xi32>
        %parallel_loop3A_521 = arith.constant 2 : i32
        %parallel_loop3A_522 = arith.index_cast %parallel_loop3A_521 : i32 to index
        %parallel_loop3A_523 = arith.index_cast %parallel_loop3A_430 : i32 to index
        %parallel_loop3A_524 = arith.constant 16 : index
        %parallel_loop3A_525 = tpu.vector_load %arg7[%parallel_loop3A_522, %parallel_loop3A_523, %parallel_loop3A_524] {strides = array<i32>} : memref<4x128x64xi32, #tpu.memory_space<vmem>>, vector<1x1x16xi32>,
        %parallel_loop3A_526 = vector.shape_cast %parallel_loop3A_525 : vector<1x1x16xi32> to vector<16xi32>
        %parallel_loop3A_527 = arith.constant 3 : i32
        %parallel_loop3A_528 = arith.index_cast %parallel_loop3A_527 : i32 to index
        %parallel_loop3A_529 = arith.index_cast %parallel_loop3A_430 : i32 to index
        %parallel_loop3A_530 = arith.constant 16 : index
        %parallel_loop3A_531 = tpu.vector_load %arg7[%parallel_loop3A_528, %parallel_loop3A_529, %parallel_loop3A_530] {strides = array<i32>} : memref<4x128x64xi32, #tpu.memory_space<vmem>>, vector<1x1x16xi32>,
        %parallel_loop3A_532 = vector.shape_cast %parallel_loop3A_531 : vector<1x1x16xi32> to vector<16xi32>
        %parallel_loop3A_533 = arith.constant 16 : i32
        %parallel_loop3A_534 = vector.broadcast %parallel_loop3A_533 : i32 to vector<16xi32>
        %parallel_loop3A_535 = arith.shli %parallel_loop3A_514, %parallel_loop3A_534 : vector<16xi32>
        %parallel_loop3A_536 = tpu.bitcast %parallel_loop3A_535 : vector<16xi32> -> vector<16xf32>
        %parallel_loop3A_537 = arith.constant 16 : i32
        %parallel_loop3A_538 = vector.broadcast %parallel_loop3A_537 : i32 to vector<16xi32>
        %parallel_loop3A_539 = arith.shli %parallel_loop3A_520, %parallel_loop3A_538 : vector<16xi32>
        %parallel_loop3A_540 = tpu.bitcast %parallel_loop3A_539 : vector<16xi32> -> vector<16xf32>
        %parallel_loop3A_541 = arith.addf %parallel_loop3A_536, %parallel_loop3A_540 : vector<16xf32>
        %parallel_loop3A_542 = arith.constant 16 : i32
        %parallel_loop3A_543 = vector.broadcast %parallel_loop3A_542 : i32 to vector<16xi32>
        %parallel_loop3A_544 = arith.shli %parallel_loop3A_526, %parallel_loop3A_543 : vector<16xi32>
        %parallel_loop3A_545 = tpu.bitcast %parallel_loop3A_544 : vector<16xi32> -> vector<16xf32>
        %parallel_loop3A_546 = arith.addf %parallel_loop3A_541, %parallel_loop3A_545 : vector<16xf32>
        %parallel_loop3A_547 = arith.constant 16 : i32
        %parallel_loop3A_548 = vector.broadcast %parallel_loop3A_547 : i32 to vector<16xi32>
        %parallel_loop3A_549 = arith.shli %parallel_loop3A_532, %parallel_loop3A_548 : vector<16xi32>
        %parallel_loop3A_550 = tpu.bitcast %parallel_loop3A_549 : vector<16xi32> -> vector<16xf32>
        %parallel_loop3A_551 = arith.addf %parallel_loop3A_546, %parallel_loop3A_550 : vector<16xf32>
        %parallel_loop3A_552 = arith.constant -65536 : i32
        %parallel_loop3A_553 = vector.broadcast %parallel_loop3A_552 : i32 to vector<16xi32>
        %parallel_loop3A_554 = arith.andi %parallel_loop3A_514, %parallel_loop3A_553 : vector<16xi32>
        %parallel_loop3A_555 = tpu.bitcast %parallel_loop3A_554 : vector<16xi32> -> vector<16xf32>
        %parallel_loop3A_556 = arith.constant -65536 : i32
        %parallel_loop3A_557 = vector.broadcast %parallel_loop3A_556 : i32 to vector<16xi32>
        %parallel_loop3A_558 = arith.andi %parallel_loop3A_520, %parallel_loop3A_557 : vector<16xi32>
        %parallel_loop3A_559 = tpu.bitcast %parallel_loop3A_558 : vector<16xi32> -> vector<16xf32>
        %parallel_loop3A_560 = arith.addf %parallel_loop3A_555, %parallel_loop3A_559 : vector<16xf32>
        %parallel_loop3A_561 = arith.constant -65536 : i32
        %parallel_loop3A_562 = vector.broadcast %parallel_loop3A_561 : i32 to vector<16xi32>
        %parallel_loop3A_563 = arith.andi %parallel_loop3A_526, %parallel_loop3A_562 : vector<16xi32>
        %parallel_loop3A_564 = tpu.bitcast %parallel_loop3A_563 : vector<16xi32> -> vector<16xf32>
        %parallel_loop3A_565 = arith.addf %parallel_loop3A_560, %parallel_loop3A_564 : vector<16xf32>
        %parallel_loop3A_566 = arith.constant -65536 : i32
        %parallel_loop3A_567 = vector.broadcast %parallel_loop3A_566 : i32 to vector<16xi32>
        %parallel_loop3A_568 = arith.andi %parallel_loop3A_532, %parallel_loop3A_567 : vector<16xi32>
        %parallel_loop3A_569 = tpu.bitcast %parallel_loop3A_568 : vector<16xi32> -> vector<16xf32>
        %parallel_loop3A_570 = arith.addf %parallel_loop3A_565, %parallel_loop3A_569 : vector<16xf32>
        %parallel_loop3A_571 = arith.constant 0.000000e+00 : f32
        %parallel_loop3A_572 = vector.broadcast %parallel_loop3A_571 : f32 to vector<16xf32>
        %parallel_loop3A_573 = arith.maximumf %parallel_loop3A_551, %parallel_loop3A_572 : vector<16xf32>
        %parallel_loop3A_574 = arith.index_cast %parallel_loop3A_430 : i32 to index
        %parallel_loop3A_575 = arith.constant 32 : index
        %parallel_loop3A_576 = tpu.vector_load %arg9[%parallel_loop3A_574, %parallel_loop3A_575] {strides = array<i32>} : memref<128x128xf32, #tpu.memory_space<vmem>>, vector<1x16xf32>,
        %parallel_loop3A_577 = vector.shape_cast %parallel_loop3A_576 : vector<1x16xf32> to vector<16xf32>
        %parallel_loop3A_578 = vector.shape_cast %parallel_loop3A_573 : vector<16xf32> to vector<1x16xf32>
        tpu.vector_store %arg9[%parallel_loop3A_574, %parallel_loop3A_575], %parallel_loop3A_578 {strides = array<i32>} : memref<128x128xf32, #tpu.memory_space<vmem>>, vector<1x16xf32>,
        %parallel_loop3A_579 = arith.constant 0.000000e+00 : f32
        %parallel_loop3A_580 = vector.broadcast %parallel_loop3A_579 : f32 to vector<16xf32>
        %parallel_loop3A_581 = arith.maximumf %parallel_loop3A_570, %parallel_loop3A_580 : vector<16xf32>
        %parallel_loop3A_582 = arith.index_cast %parallel_loop3A_430 : i32 to index
        %parallel_loop3A_583 = arith.constant 48 : index
        %parallel_loop3A_584 = tpu.vector_load %arg9[%parallel_loop3A_582, %parallel_loop3A_583] {strides = array<i32>} : memref<128x128xf32, #tpu.memory_space<vmem>>, vector<1x16xf32>,
        %parallel_loop3A_585 = vector.shape_cast %parallel_loop3A_584 : vector<1x16xf32> to vector<16xf32>
        %parallel_loop3A_586 = vector.shape_cast %parallel_loop3A_581 : vector<16xf32> to vector<1x16xf32>
        tpu.vector_store %arg9[%parallel_loop3A_582, %parallel_loop3A_583], %parallel_loop3A_586 {strides = array<i32>} : memref<128x128xf32, #tpu.memory_space<vmem>>, vector<1x16xf32>,
        %parallel_loop3A_587 = arith.constant 0 : i32
        %parallel_loop3A_588 = arith.index_cast %parallel_loop3A_587 : i32 to index
        %parallel_loop3A_589 = arith.index_cast %parallel_loop3A_430 : i32 to index
        %parallel_loop3A_590 = arith.constant 32 : index
        %parallel_loop3A_591 = tpu.vector_load %arg7[%parallel_loop3A_588, %parallel_loop3A_589, %parallel_loop3A_590] {strides = array<i32>} : memref<4x128x64xi32, #tpu.memory_space<vmem>>, vector<1x1x16xi32>,
        %parallel_loop3A_592 = vector.shape_cast %parallel_loop3A_591 : vector<1x1x16xi32> to vector<16xi32>
        %parallel_loop3A_593 = arith.constant 1 : i32
        %parallel_loop3A_594 = arith.index_cast %parallel_loop3A_593 : i32 to index
        %parallel_loop3A_595 = arith.index_cast %parallel_loop3A_430 : i32 to index
        %parallel_loop3A_596 = arith.constant 32 : index
        %parallel_loop3A_597 = tpu.vector_load %arg7[%parallel_loop3A_594, %parallel_loop3A_595, %parallel_loop3A_596] {strides = array<i32>} : memref<4x128x64xi32, #tpu.memory_space<vmem>>, vector<1x1x16xi32>,
        %parallel_loop3A_598 = vector.shape_cast %parallel_loop3A_597 : vector<1x1x16xi32> to vector<16xi32>
        %parallel_loop3A_599 = arith.constant 2 : i32
        %parallel_loop3A_600 = arith.index_cast %parallel_loop3A_599 : i32 to index
        %parallel_loop3A_601 = arith.index_cast %parallel_loop3A_430 : i32 to index
        %parallel_loop3A_602 = arith.constant 32 : index
        %parallel_loop3A_603 = tpu.vector_load %arg7[%parallel_loop3A_600, %parallel_loop3A_601, %parallel_loop3A_602] {strides = array<i32>} : memref<4x128x64xi32, #tpu.memory_space<vmem>>, vector<1x1x16xi32>,
        %parallel_loop3A_604 = vector.shape_cast %parallel_loop3A_603 : vector<1x1x16xi32> to vector<16xi32>
        %parallel_loop3A_605 = arith.constant 3 : i32
        %parallel_loop3A_606 = arith.index_cast %parallel_loop3A_605 : i32 to index
        %parallel_loop3A_607 = arith.index_cast %parallel_loop3A_430 : i32 to index
        %parallel_loop3A_608 = arith.constant 32 : index
        %parallel_loop3A_609 = tpu.vector_load %arg7[%parallel_loop3A_606, %parallel_loop3A_607, %parallel_loop3A_608] {strides = array<i32>} : memref<4x128x64xi32, #tpu.memory_space<vmem>>, vector<1x1x16xi32>,
        %parallel_loop3A_610 = vector.shape_cast %parallel_loop3A_609 : vector<1x1x16xi32> to vector<16xi32>
        %parallel_loop3A_611 = arith.constant 16 : i32
        %parallel_loop3A_612 = vector.broadcast %parallel_loop3A_611 : i32 to vector<16xi32>
        %parallel_loop3A_613 = arith.shli %parallel_loop3A_592, %parallel_loop3A_612 : vector<16xi32>
        %parallel_loop3A_614 = tpu.bitcast %parallel_loop3A_613 : vector<16xi32> -> vector<16xf32>
        %parallel_loop3A_615 = arith.constant 16 : i32
        %parallel_loop3A_616 = vector.broadcast %parallel_loop3A_615 : i32 to vector<16xi32>
        %parallel_loop3A_617 = arith.shli %parallel_loop3A_598, %parallel_loop3A_616 : vector<16xi32>
        %parallel_loop3A_618 = tpu.bitcast %parallel_loop3A_617 : vector<16xi32> -> vector<16xf32>
        %parallel_loop3A_619 = arith.addf %parallel_loop3A_614, %parallel_loop3A_618 : vector<16xf32>
        %parallel_loop3A_620 = arith.constant 16 : i32
        %parallel_loop3A_621 = vector.broadcast %parallel_loop3A_620 : i32 to vector<16xi32>
        %parallel_loop3A_622 = arith.shli %parallel_loop3A_604, %parallel_loop3A_621 : vector<16xi32>
        %parallel_loop3A_623 = tpu.bitcast %parallel_loop3A_622 : vector<16xi32> -> vector<16xf32>
        %parallel_loop3A_624 = arith.addf %parallel_loop3A_619, %parallel_loop3A_623 : vector<16xf32>
        %parallel_loop3A_625 = arith.constant 16 : i32
        %parallel_loop3A_626 = vector.broadcast %parallel_loop3A_625 : i32 to vector<16xi32>
        %parallel_loop3A_627 = arith.shli %parallel_loop3A_610, %parallel_loop3A_626 : vector<16xi32>
        %parallel_loop3A_628 = tpu.bitcast %parallel_loop3A_627 : vector<16xi32> -> vector<16xf32>
        %parallel_loop3A_629 = arith.addf %parallel_loop3A_624, %parallel_loop3A_628 : vector<16xf32>
        %parallel_loop3A_630 = arith.constant -65536 : i32
        %parallel_loop3A_631 = vector.broadcast %parallel_loop3A_630 : i32 to vector<16xi32>
        %parallel_loop3A_632 = arith.andi %parallel_loop3A_592, %parallel_loop3A_631 : vector<16xi32>
        %parallel_loop3A_633 = tpu.bitcast %parallel_loop3A_632 : vector<16xi32> -> vector<16xf32>
        %parallel_loop3A_634 = arith.constant -65536 : i32
        %parallel_loop3A_635 = vector.broadcast %parallel_loop3A_634 : i32 to vector<16xi32>
        %parallel_loop3A_636 = arith.andi %parallel_loop3A_598, %parallel_loop3A_635 : vector<16xi32>
        %parallel_loop3A_637 = tpu.bitcast %parallel_loop3A_636 : vector<16xi32> -> vector<16xf32>
        %parallel_loop3A_638 = arith.addf %parallel_loop3A_633, %parallel_loop3A_637 : vector<16xf32>
        %parallel_loop3A_639 = arith.constant -65536 : i32
        %parallel_loop3A_640 = vector.broadcast %parallel_loop3A_639 : i32 to vector<16xi32>
        %parallel_loop3A_641 = arith.andi %parallel_loop3A_604, %parallel_loop3A_640 : vector<16xi32>
        %parallel_loop3A_642 = tpu.bitcast %parallel_loop3A_641 : vector<16xi32> -> vector<16xf32>
        %parallel_loop3A_643 = arith.addf %parallel_loop3A_638, %parallel_loop3A_642 : vector<16xf32>
        %parallel_loop3A_644 = arith.constant -65536 : i32
        %parallel_loop3A_645 = vector.broadcast %parallel_loop3A_644 : i32 to vector<16xi32>
        %parallel_loop3A_646 = arith.andi %parallel_loop3A_610, %parallel_loop3A_645 : vector<16xi32>
        %parallel_loop3A_647 = tpu.bitcast %parallel_loop3A_646 : vector<16xi32> -> vector<16xf32>
        %parallel_loop3A_648 = arith.addf %parallel_loop3A_643, %parallel_loop3A_647 : vector<16xf32>
        %parallel_loop3A_649 = arith.constant 0.000000e+00 : f32
        %parallel_loop3A_650 = vector.broadcast %parallel_loop3A_649 : f32 to vector<16xf32>
        %parallel_loop3A_651 = arith.maximumf %parallel_loop3A_629, %parallel_loop3A_650 : vector<16xf32>
        %parallel_loop3A_652 = arith.index_cast %parallel_loop3A_430 : i32 to index
        %parallel_loop3A_653 = arith.constant 64 : index
        %parallel_loop3A_654 = tpu.vector_load %arg9[%parallel_loop3A_652, %parallel_loop3A_653] {strides = array<i32>} : memref<128x128xf32, #tpu.memory_space<vmem>>, vector<1x16xf32>,
        %parallel_loop3A_655 = vector.shape_cast %parallel_loop3A_654 : vector<1x16xf32> to vector<16xf32>
        %parallel_loop3A_656 = vector.shape_cast %parallel_loop3A_651 : vector<16xf32> to vector<1x16xf32>
        tpu.vector_store %arg9[%parallel_loop3A_652, %parallel_loop3A_653], %parallel_loop3A_656 {strides = array<i32>} : memref<128x128xf32, #tpu.memory_space<vmem>>, vector<1x16xf32>,
        %parallel_loop3A_657 = arith.constant 0.000000e+00 : f32
        %parallel_loop3A_658 = vector.broadcast %parallel_loop3A_657 : f32 to vector<16xf32>
        %parallel_loop3A_659 = arith.maximumf %parallel_loop3A_648, %parallel_loop3A_658 : vector<16xf32>
        %parallel_loop3A_660 = arith.index_cast %parallel_loop3A_430 : i32 to index
        %parallel_loop3A_661 = arith.constant 80 : index
        %parallel_loop3A_662 = tpu.vector_load %arg9[%parallel_loop3A_660, %parallel_loop3A_661] {strides = array<i32>} : memref<128x128xf32, #tpu.memory_space<vmem>>, vector<1x16xf32>,
        %parallel_loop3A_663 = vector.shape_cast %parallel_loop3A_662 : vector<1x16xf32> to vector<16xf32>
        %parallel_loop3A_664 = vector.shape_cast %parallel_loop3A_659 : vector<16xf32> to vector<1x16xf32>
        tpu.vector_store %arg9[%parallel_loop3A_660, %parallel_loop3A_661], %parallel_loop3A_664 {strides = array<i32>} : memref<128x128xf32, #tpu.memory_space<vmem>>, vector<1x16xf32>,
        %parallel_loop3A_665 = arith.constant 0 : i32
        %parallel_loop3A_666 = arith.index_cast %parallel_loop3A_665 : i32 to index
        %parallel_loop3A_667 = arith.index_cast %parallel_loop3A_430 : i32 to index
        %parallel_loop3A_668 = arith.constant 48 : index
        %parallel_loop3A_669 = tpu.vector_load %arg7[%parallel_loop3A_666, %parallel_loop3A_667, %parallel_loop3A_668] {strides = array<i32>} : memref<4x128x64xi32, #tpu.memory_space<vmem>>, vector<1x1x16xi32>,
        %parallel_loop3A_670 = vector.shape_cast %parallel_loop3A_669 : vector<1x1x16xi32> to vector<16xi32>
        %parallel_loop3A_671 = arith.constant 1 : i32
        %parallel_loop3A_672 = arith.index_cast %parallel_loop3A_671 : i32 to index
        %parallel_loop3A_673 = arith.index_cast %parallel_loop3A_430 : i32 to index
        %parallel_loop3A_674 = arith.constant 48 : index
        %parallel_loop3A_675 = tpu.vector_load %arg7[%parallel_loop3A_672, %parallel_loop3A_673, %parallel_loop3A_674] {strides = array<i32>} : memref<4x128x64xi32, #tpu.memory_space<vmem>>, vector<1x1x16xi32>,
        %parallel_loop3A_676 = vector.shape_cast %parallel_loop3A_675 : vector<1x1x16xi32> to vector<16xi32>
        %parallel_loop3A_677 = arith.constant 2 : i32
        %parallel_loop3A_678 = arith.index_cast %parallel_loop3A_677 : i32 to index
        %parallel_loop3A_679 = arith.index_cast %parallel_loop3A_430 : i32 to index
        %parallel_loop3A_680 = arith.constant 48 : index
        %parallel_loop3A_681 = tpu.vector_load %arg7[%parallel_loop3A_678, %parallel_loop3A_679, %parallel_loop3A_680] {strides = array<i32>} : memref<4x128x64xi32, #tpu.memory_space<vmem>>, vector<1x1x16xi32>,
        %parallel_loop3A_682 = vector.shape_cast %parallel_loop3A_681 : vector<1x1x16xi32> to vector<16xi32>
        %parallel_loop3A_683 = arith.constant 3 : i32
        %parallel_loop3A_684 = arith.index_cast %parallel_loop3A_683 : i32 to index
        %parallel_loop3A_685 = arith.index_cast %parallel_loop3A_430 : i32 to index
        %parallel_loop3A_686 = arith.constant 48 : index
        %parallel_loop3A_687 = tpu.vector_load %arg7[%parallel_loop3A_684, %parallel_loop3A_685, %parallel_loop3A_686] {strides = array<i32>} : memref<4x128x64xi32, #tpu.memory_space<vmem>>, vector<1x1x16xi32>,
        %parallel_loop3A_688 = vector.shape_cast %parallel_loop3A_687 : vector<1x1x16xi32> to vector<16xi32>
        %parallel_loop3A_689 = arith.constant 16 : i32
        %parallel_loop3A_690 = vector.broadcast %parallel_loop3A_689 : i32 to vector<16xi32>
        %parallel_loop3A_691 = arith.shli %parallel_loop3A_670, %parallel_loop3A_690 : vector<16xi32>
        %parallel_loop3A_692 = tpu.bitcast %parallel_loop3A_691 : vector<16xi32> -> vector<16xf32>
        %parallel_loop3A_693 = arith.constant 16 : i32
        %parallel_loop3A_694 = vector.broadcast %parallel_loop3A_693 : i32 to vector<16xi32>
        %parallel_loop3A_695 = arith.shli %parallel_loop3A_676, %parallel_loop3A_694 : vector<16xi32>
        %parallel_loop3A_696 = tpu.bitcast %parallel_loop3A_695 : vector<16xi32> -> vector<16xf32>
        %parallel_loop3A_697 = arith.addf %parallel_loop3A_692, %parallel_loop3A_696 : vector<16xf32>
        %parallel_loop3A_698 = arith.constant 16 : i32
        %parallel_loop3A_699 = vector.broadcast %parallel_loop3A_698 : i32 to vector<16xi32>
        %parallel_loop3A_700 = arith.shli %parallel_loop3A_682, %parallel_loop3A_699 : vector<16xi32>
        %parallel_loop3A_701 = tpu.bitcast %parallel_loop3A_700 : vector<16xi32> -> vector<16xf32>
        %parallel_loop3A_702 = arith.addf %parallel_loop3A_697, %parallel_loop3A_701 : vector<16xf32>
        %parallel_loop3A_703 = arith.constant 16 : i32
        %parallel_loop3A_704 = vector.broadcast %parallel_loop3A_703 : i32 to vector<16xi32>
        %parallel_loop3A_705 = arith.shli %parallel_loop3A_688, %parallel_loop3A_704 : vector<16xi32>
        %parallel_loop3A_706 = tpu.bitcast %parallel_loop3A_705 : vector<16xi32> -> vector<16xf32>
        %parallel_loop3A_707 = arith.addf %parallel_loop3A_702, %parallel_loop3A_706 : vector<16xf32>
        %parallel_loop3A_708 = arith.constant -65536 : i32
        %parallel_loop3A_709 = vector.broadcast %parallel_loop3A_708 : i32 to vector<16xi32>
        %parallel_loop3A_710 = arith.andi %parallel_loop3A_670, %parallel_loop3A_709 : vector<16xi32>
        %parallel_loop3A_711 = tpu.bitcast %parallel_loop3A_710 : vector<16xi32> -> vector<16xf32>
        %parallel_loop3A_712 = arith.constant -65536 : i32
        %parallel_loop3A_713 = vector.broadcast %parallel_loop3A_712 : i32 to vector<16xi32>
        %parallel_loop3A_714 = arith.andi %parallel_loop3A_676, %parallel_loop3A_713 : vector<16xi32>
        %parallel_loop3A_715 = tpu.bitcast %parallel_loop3A_714 : vector<16xi32> -> vector<16xf32>
        %parallel_loop3A_716 = arith.addf %parallel_loop3A_711, %parallel_loop3A_715 : vector<16xf32>
        %parallel_loop3A_717 = arith.constant -65536 : i32
        %parallel_loop3A_718 = vector.broadcast %parallel_loop3A_717 : i32 to vector<16xi32>
        %parallel_loop3A_719 = arith.andi %parallel_loop3A_682, %parallel_loop3A_718 : vector<16xi32>
        %parallel_loop3A_720 = tpu.bitcast %parallel_loop3A_719 : vector<16xi32> -> vector<16xf32>
        %parallel_loop3A_721 = arith.addf %parallel_loop3A_716, %parallel_loop3A_720 : vector<16xf32>
        %parallel_loop3A_722 = arith.constant -65536 : i32
        %parallel_loop3A_723 = vector.broadcast %parallel_loop3A_722 : i32 to vector<16xi32>
        %parallel_loop3A_724 = arith.andi %parallel_loop3A_688, %parallel_loop3A_723 : vector<16xi32>
        %parallel_loop3A_725 = tpu.bitcast %parallel_loop3A_724 : vector<16xi32> -> vector<16xf32>
        %parallel_loop3A_726 = arith.addf %parallel_loop3A_721, %parallel_loop3A_725 : vector<16xf32>
        %parallel_loop3A_727 = arith.constant 0.000000e+00 : f32
        %parallel_loop3A_728 = vector.broadcast %parallel_loop3A_727 : f32 to vector<16xf32>
        %parallel_loop3A_729 = arith.maximumf %parallel_loop3A_707, %parallel_loop3A_728 : vector<16xf32>
        %parallel_loop3A_730 = arith.index_cast %parallel_loop3A_430 : i32 to index
        %parallel_loop3A_731 = arith.constant 96 : index
        %parallel_loop3A_732 = tpu.vector_load %arg9[%parallel_loop3A_730, %parallel_loop3A_731] {strides = array<i32>} : memref<128x128xf32, #tpu.memory_space<vmem>>, vector<1x16xf32>,
        %parallel_loop3A_733 = vector.shape_cast %parallel_loop3A_732 : vector<1x16xf32> to vector<16xf32>
        %parallel_loop3A_734 = vector.shape_cast %parallel_loop3A_729 : vector<16xf32> to vector<1x16xf32>
        tpu.vector_store %arg9[%parallel_loop3A_730, %parallel_loop3A_731], %parallel_loop3A_734 {strides = array<i32>} : memref<128x128xf32, #tpu.memory_space<vmem>>, vector<1x16xf32>,
        %parallel_loop3A_735 = arith.constant 0.000000e+00 : f32
        %parallel_loop3A_736 = vector.broadcast %parallel_loop3A_735 : f32 to vector<16xf32>
        %parallel_loop3A_737 = arith.maximumf %parallel_loop3A_726, %parallel_loop3A_736 : vector<16xf32>
        %parallel_loop3A_738 = arith.index_cast %parallel_loop3A_430 : i32 to index
        %parallel_loop3A_739 = arith.constant 112 : index
        %parallel_loop3A_740 = tpu.vector_load %arg9[%parallel_loop3A_738, %parallel_loop3A_739] {strides = array<i32>} : memref<128x128xf32, #tpu.memory_space<vmem>>, vector<1x16xf32>,
        %parallel_loop3A_741 = vector.shape_cast %parallel_loop3A_740 : vector<1x16xf32> to vector<16xf32>
        %parallel_loop3A_742 = vector.shape_cast %parallel_loop3A_737 : vector<16xf32> to vector<1x16xf32>
        tpu.vector_store %arg9[%parallel_loop3A_738, %parallel_loop3A_739], %parallel_loop3A_742 {strides = array<i32>} : memref<128x128xf32, #tpu.memory_space<vmem>>, vector<1x16xf32>,
      } {sc.loop_unroll_factor = 4 : i64, sc.parallel_access}
      %add3A_283 = arith.addi %mul3A_2, %add3A_161 : i32
      %dma_start3A_284 = arith.constant 0 : i32
      %dma_start3A_285 = arith.constant 0 : i32
      %dma_start3A_286 = tpu.memref_slice %arg4[%add3A_283, %dma_start3A_284, %dma_start3A_285] : memref<2048x128x128xf32, #tpu.memory_space<hbm>> -> memref<1x128x128xf32, #tpu.memory_space<hbm>>
      %dma_start3A_287 = tpu.memref_squeeze %dma_start3A_286 : memref<1x128x128xf32, #tpu.memory_space<hbm>> -> memref<128x128xf32, #tpu.memory_space<hbm>>
      %dma_start3A_288 = arith.constant 0 : i32
      %dma_start3A_289 = arith.constant 0 : i32
      %dma_start3A_290 = tpu.memref_slice %arg4[%add3A_283, %dma_start3A_288, %dma_start3A_289] : memref<2048x128x128xf32, #tpu.memory_space<hbm>> -> memref<1x128x128xf32, #tpu.memory_space<hbm>>
      %dma_start3A_291 = tpu.memref_squeeze %dma_start3A_290 : memref<1x128x128xf32, #tpu.memory_space<hbm>> -> memref<128x128xf32, #tpu.memory_space<hbm>>
      tpu.enqueue_dma source(%arg9 : memref<128x128xf32, #tpu.memory_space<vmem>>) target(%dma_start3A_291 : memref<128x128xf32, #tpu.memory_space<hbm>>) target_semaphore(%arg15 : memref<!tpu.dma_semaphore, #tpu.memory_space<semaphore_mem>>)
      %mul3A_292 = arith.constant 2 : i32
      %mul3A_293 = arith.muli %mul3A_292, %scan3A_157 : i32
      %add3A_294 = arith.constant 1 : i32
      %add3A_295 = arith.addi %mul3A_293, %add3A_294 : i32
      %dma_wait3A_296 = arith.constant 0 : i32
      %dma_wait3A_297 = arith.constant 0 : i32
      %dma_wait3A_298 = arith.constant 0 : i32
      %dma_wait3A_299 = arith.constant 0 : i32
      %dma_wait3A_300 = tpu.memref_slice %arg8[%dma_wait3A_297, %dma_wait3A_298, %dma_wait3A_299] : memref<4x128x64xi32, #tpu.memory_space<vmem>> -> memref<1x128x64xi32, #tpu.memory_space<vmem>>
      %dma_wait3A_301 = tpu.memref_squeeze %dma_wait3A_300 : memref<1x128x64xi32, #tpu.memory_space<vmem>> -> memref<128x64xi32, #tpu.memory_space<vmem>>
      %dma_wait3A_302 = arith.constant 0 : i32
      %dma_wait3A_303 = tpu.memref_slice %arg6[%dma_wait3A_296, %dma_wait3A_302] : memref<4x128xi32, #tpu.memory_space<vmem>> -> memref<1x128xi32, #tpu.memory_space<vmem>>
      %dma_wait3A_304 = tpu.memref_squeeze %dma_wait3A_303 : memref<1x128xi32, #tpu.memory_space<vmem>> -> memref<128xi32, #tpu.memory_space<vmem>>
      %dma_wait3A_305 = arith.constant 0 : i32
      %dma_wait3A_306 = arith.constant 0 : i32
      %dma_wait3A_307 = tpu.memref_slice %arg2[%dma_wait3A_305, %dma_wait3A_306] : memref<4128x64xi32, #tpu.memory_space<hbm>> -> memref<4128x64xi32, #tpu.memory_space<hbm>>
      tpu.wait_indirect_dma semaphore(%arg14 : memref<!tpu.dma_semaphore, #tpu.memory_space<semaphore_mem>>) src(%dma_wait3A_307 : memref<4128x64xi32, #tpu.memory_space<hbm>>) dst(%dma_wait3A_301 : memref<128x64xi32, #tpu.memory_space<vmem>>)
      %dma_wait3A_308 = arith.constant 1 : i32
      %dma_wait3A_309 = arith.constant 1 : i32
      %dma_wait3A_310 = arith.constant 0 : i32
      %dma_wait3A_311 = arith.constant 0 : i32
      %dma_wait3A_312 = tpu.memref_slice %arg8[%dma_wait3A_309, %dma_wait3A_310, %dma_wait3A_311] : memref<4x128x64xi32, #tpu.memory_space<vmem>> -> memref<1x128x64xi32, #tpu.memory_space<vmem>>
      %dma_wait3A_313 = tpu.memref_squeeze %dma_wait3A_312 : memref<1x128x64xi32, #tpu.memory_space<vmem>> -> memref<128x64xi32, #tpu.memory_space<vmem>>
      %dma_wait3A_314 = arith.constant 0 : i32
      %dma_wait3A_315 = tpu.memref_slice %arg6[%dma_wait3A_308, %dma_wait3A_314] : memref<4x128xi32, #tpu.memory_space<vmem>> -> memref<1x128xi32, #tpu.memory_space<vmem>>
      %dma_wait3A_316 = tpu.memref_squeeze %dma_wait3A_315 : memref<1x128xi32, #tpu.memory_space<vmem>> -> memref<128xi32, #tpu.memory_space<vmem>>
      %dma_wait3A_317 = arith.constant 0 : i32
      %dma_wait3A_318 = arith.constant 0 : i32
      %dma_wait3A_319 = tpu.memref_slice %arg2[%dma_wait3A_317, %dma_wait3A_318] : memref<4128x64xi32, #tpu.memory_space<hbm>> -> memref<4128x64xi32, #tpu.memory_space<hbm>>
      tpu.wait_indirect_dma semaphore(%arg14 : memref<!tpu.dma_semaphore, #tpu.memory_space<semaphore_mem>>) src(%dma_wait3A_319 : memref<4128x64xi32, #tpu.memory_space<hbm>>) dst(%dma_wait3A_313 : memref<128x64xi32, #tpu.memory_space<vmem>>)
      %dma_wait3A_320 = arith.constant 2 : i32
      %dma_wait3A_321 = arith.constant 2 : i32
      %dma_wait3A_322 = arith.constant 0 : i32
      %dma_wait3A_323 = arith.constant 0 : i32
      %dma_wait3A_324 = tpu.memref_slice %arg8[%dma_wait3A_321, %dma_wait3A_322, %dma_wait3A_323] : memref<4x128x64xi32, #tpu.memory_space<vmem>> -> memref<1x128x64xi32, #tpu.memory_space<vmem>>
      %dma_wait3A_325 = tpu.memref_squeeze %dma_wait3A_324 : memref<1x128x64xi32, #tpu.memory_space<vmem>> -> memref<128x64xi32, #tpu.memory_space<vmem>>
      %dma_wait3A_326 = arith.constant 0 : i32
      %dma_wait3A_327 = tpu.memref_slice %arg6[%dma_wait3A_320, %dma_wait3A_326] : memref<4x128xi32, #tpu.memory_space<vmem>> -> memref<1x128xi32, #tpu.memory_space<vmem>>
      %dma_wait3A_328 = tpu.memref_squeeze %dma_wait3A_327 : memref<1x128xi32, #tpu.memory_space<vmem>> -> memref<128xi32, #tpu.memory_space<vmem>>
      %dma_wait3A_329 = arith.constant 0 : i32
      %dma_wait3A_330 = arith.constant 0 : i32
      %dma_wait3A_331 = tpu.memref_slice %arg2[%dma_wait3A_329, %dma_wait3A_330] : memref<4128x64xi32, #tpu.memory_space<hbm>> -> memref<4128x64xi32, #tpu.memory_space<hbm>>
      tpu.wait_indirect_dma semaphore(%arg14 : memref<!tpu.dma_semaphore, #tpu.memory_space<semaphore_mem>>) src(%dma_wait3A_331 : memref<4128x64xi32, #tpu.memory_space<hbm>>) dst(%dma_wait3A_325 : memref<128x64xi32, #tpu.memory_space<vmem>>)
      %dma_wait3A_332 = arith.constant 3 : i32
      %dma_wait3A_333 = arith.constant 3 : i32
      %dma_wait3A_334 = arith.constant 0 : i32
      %dma_wait3A_335 = arith.constant 0 : i32
      %dma_wait3A_336 = tpu.memref_slice %arg8[%dma_wait3A_333, %dma_wait3A_334, %dma_wait3A_335] : memref<4x128x64xi32, #tpu.memory_space<vmem>> -> memref<1x128x64xi32, #tpu.memory_space<vmem>>
      %dma_wait3A_337 = tpu.memref_squeeze %dma_wait3A_336 : memref<1x128x64xi32, #tpu.memory_space<vmem>> -> memref<128x64xi32, #tpu.memory_space<vmem>>
      %dma_wait3A_338 = arith.constant 0 : i32
      %dma_wait3A_339 = tpu.memref_slice %arg6[%dma_wait3A_332, %dma_wait3A_338] : memref<4x128xi32, #tpu.memory_space<vmem>> -> memref<1x128xi32, #tpu.memory_space<vmem>>
      %dma_wait3A_340 = tpu.memref_squeeze %dma_wait3A_339 : memref<1x128xi32, #tpu.memory_space<vmem>> -> memref<128xi32, #tpu.memory_space<vmem>>
      %dma_wait3A_341 = arith.constant 0 : i32
      %dma_wait3A_342 = arith.constant 0 : i32
      %dma_wait3A_343 = tpu.memref_slice %arg2[%dma_wait3A_341, %dma_wait3A_342] : memref<4128x64xi32, #tpu.memory_space<hbm>> -> memref<4128x64xi32, #tpu.memory_space<hbm>>
      tpu.wait_indirect_dma semaphore(%arg14 : memref<!tpu.dma_semaphore, #tpu.memory_space<semaphore_mem>>) src(%dma_wait3A_343 : memref<4128x64xi32, #tpu.memory_space<hbm>>) dst(%dma_wait3A_337 : memref<128x64xi32, #tpu.memory_space<vmem>>)
      %add3A_344 = arith.constant 2 : i32
      %add3A_345 = arith.addi %add3A_295, %add3A_344 : i32
      %min3A_346 = arith.constant 63 : i32
      %min3A_347 = arith.minsi %add3A_345, %min3A_346 : i32
      %add3A_348 = arith.addi %mul3A_2, %min3A_347 : i32
      %dma_start3A_349 = arith.constant 0 : i32
      %dma_start3A_350 = arith.constant 0 : i32
      %dma_start3A_351 = tpu.memref_slice %arg3[%dma_start3A_349, %add3A_348, %dma_start3A_350] : memref<4x2048x128xi32, #tpu.memory_space<hbm>> -> memref<4x1x128xi32, #tpu.memory_space<hbm>>
      %dma_start3A_352 = tpu.memref_squeeze %dma_start3A_351 : memref<4x1x128xi32, #tpu.memory_space<hbm>> -> memref<4x128xi32, #tpu.memory_space<hbm>>
      %dma_start3A_353 = arith.constant 0 : i32
      %dma_start3A_354 = arith.constant 0 : i32
      %dma_start3A_355 = tpu.memref_slice %arg3[%dma_start3A_353, %add3A_348, %dma_start3A_354] : memref<4x2048x128xi32, #tpu.memory_space<hbm>> -> memref<4x1x128xi32, #tpu.memory_space<hbm>>
      %dma_start3A_356 = tpu.memref_squeeze %dma_start3A_355 : memref<4x1x128xi32, #tpu.memory_space<hbm>> -> memref<4x128xi32, #tpu.memory_space<hbm>>
      tpu.enqueue_dma source(%dma_start3A_356 : memref<4x128xi32, #tpu.memory_space<hbm>>) target(%arg6 : memref<4x128xi32, #tpu.memory_space<vmem>>) target_semaphore(%arg12 : memref<!tpu.dma_semaphore, #tpu.memory_space<semaphore_mem>>)
      %dma_wait3A_357 = arith.constant 0 : i32
      %dma_wait3A_358 = arith.constant 0 : i32
      %dma_wait3A_359 = tpu.memref_slice %arg3[%dma_wait3A_357, %mul3A_2, %dma_wait3A_358] : memref<4x2048x128xi32, #tpu.memory_space<hbm>> -> memref<4x1x128xi32, #tpu.memory_space<hbm>>
      %dma_wait3A_360 = tpu.memref_squeeze %dma_wait3A_359 : memref<4x1x128xi32, #tpu.memory_space<hbm>> -> memref<4x128xi32, #tpu.memory_space<hbm>>
      %dma_wait3A_361 = arith.constant 0 : i32
      %dma_wait3A_362 = arith.constant 0 : i32
      %dma_wait3A_363 = tpu.memref_slice %arg3[%dma_wait3A_361, %mul3A_2, %dma_wait3A_362] : memref<4x2048x128xi32, #tpu.memory_space<hbm>> -> memref<4x1x128xi32, #tpu.memory_space<hbm>>
      %dma_wait3A_364 = tpu.memref_squeeze %dma_wait3A_363 : memref<4x1x128xi32, #tpu.memory_space<hbm>> -> memref<4x128xi32, #tpu.memory_space<hbm>>
      tpu.wait_dma2 semaphore(%arg11 : memref<!tpu.dma_semaphore, #tpu.memory_space<semaphore_mem>>) src(%dma_wait3A_364 : memref<4x128xi32, #tpu.memory_space<hbm>>) dst(%arg5 : memref<4x128xi32, #tpu.memory_space<vmem>>)
      %dma_start3A_365 = arith.constant 0 : i32
      %dma_start3A_366 = arith.constant 0 : i32
      %dma_start3A_367 = arith.constant 0 : i32
      %dma_start3A_368 = arith.constant 0 : i32
      %dma_start3A_369 = tpu.memref_slice %arg7[%dma_start3A_366, %dma_start3A_367, %dma_start3A_368] : memref<4x128x64xi32, #tpu.memory_space<vmem>> -> memref<1x128x64xi32, #tpu.memory_space<vmem>>
      %dma_start3A_370 = tpu.memref_squeeze %dma_start3A_369 : memref<1x128x64xi32, #tpu.memory_space<vmem>> -> memref<128x64xi32, #tpu.memory_space<vmem>>
      %dma_start3A_371 = arith.constant 0 : i32
      %dma_start3A_372 = tpu.memref_slice %arg5[%dma_start3A_365, %dma_start3A_371] : memref<4x128xi32, #tpu.memory_space<vmem>> -> memref<1x128xi32, #tpu.memory_space<vmem>>
      %dma_start3A_373 = tpu.memref_squeeze %dma_start3A_372 : memref<1x128xi32, #tpu.memory_space<vmem>> -> memref<128xi32, #tpu.memory_space<vmem>>
      %dma_start3A_374 = arith.constant 0 : i32
      %dma_start3A_375 = arith.constant 0 : i32
      %dma_start3A_376 = tpu.memref_slice %arg2[%dma_start3A_374, %dma_start3A_375] : memref<4128x64xi32, #tpu.memory_space<hbm>> -> memref<4128x64xi32, #tpu.memory_space<hbm>>
      tpu.enqueue_indirect_dma source(%dma_start3A_376 : memref<4128x64xi32, #tpu.memory_space<hbm>>) target(%dma_start3A_370 : memref<128x64xi32, #tpu.memory_space<vmem>>) offsets(%dma_start3A_373 : memref<128xi32, #tpu.memory_space<vmem>>) semaphore(%arg13 : memref<!tpu.dma_semaphore, #tpu.memory_space<semaphore_mem>>)
      %dma_start3A_377 = arith.constant 1 : i32
      %dma_start3A_378 = arith.constant 1 : i32
      %dma_start3A_379 = arith.constant 0 : i32
      %dma_start3A_380 = arith.constant 0 : i32
      %dma_start3A_381 = tpu.memref_slice %arg7[%dma_start3A_378, %dma_start3A_379, %dma_start3A_380] : memref<4x128x64xi32, #tpu.memory_space<vmem>> -> memref<1x128x64xi32, #tpu.memory_space<vmem>>
      %dma_start3A_382 = tpu.memref_squeeze %dma_start3A_381 : memref<1x128x64xi32, #tpu.memory_space<vmem>> -> memref<128x64xi32, #tpu.memory_space<vmem>>
      %dma_start3A_383 = arith.constant 0 : i32
      %dma_start3A_384 = tpu.memref_slice %arg5[%dma_start3A_377, %dma_start3A_383] : memref<4x128xi32, #tpu.memory_space<vmem>> -> memref<1x128xi32, #tpu.memory_space<vmem>>
      %dma_start3A_385 = tpu.memref_squeeze %dma_start3A_384 : memref<1x128xi32, #tpu.memory_space<vmem>> -> memref<128xi32, #tpu.memory_space<vmem>>
      %dma_start3A_386 = arith.constant 0 : i32
      %dma_start3A_387 = arith.constant 0 : i32
      %dma_start3A_388 = tpu.memref_slice %arg2[%dma_start3A_386, %dma_start3A_387] : memref<4128x64xi32, #tpu.memory_space<hbm>> -> memref<4128x64xi32, #tpu.memory_space<hbm>>
      tpu.enqueue_indirect_dma source(%dma_start3A_388 : memref<4128x64xi32, #tpu.memory_space<hbm>>) target(%dma_start3A_382 : memref<128x64xi32, #tpu.memory_space<vmem>>) offsets(%dma_start3A_385 : memref<128xi32, #tpu.memory_space<vmem>>) semaphore(%arg13 : memref<!tpu.dma_semaphore, #tpu.memory_space<semaphore_mem>>)
      %dma_start3A_389 = arith.constant 2 : i32
      %dma_start3A_390 = arith.constant 2 : i32
      %dma_start3A_391 = arith.constant 0 : i32
      %dma_start3A_392 = arith.constant 0 : i32
      %dma_start3A_393 = tpu.memref_slice %arg7[%dma_start3A_390, %dma_start3A_391, %dma_start3A_392] : memref<4x128x64xi32, #tpu.memory_space<vmem>> -> memref<1x128x64xi32, #tpu.memory_space<vmem>>
      %dma_start3A_394 = tpu.memref_squeeze %dma_start3A_393 : memref<1x128x64xi32, #tpu.memory_space<vmem>> -> memref<128x64xi32, #tpu.memory_space<vmem>>
      %dma_start3A_395 = arith.constant 0 : i32
      %dma_start3A_396 = tpu.memref_slice %arg5[%dma_start3A_389, %dma_start3A_395] : memref<4x128xi32, #tpu.memory_space<vmem>> -> memref<1x128xi32, #tpu.memory_space<vmem>>
      %dma_start3A_397 = tpu.memref_squeeze %dma_start3A_396 : memref<1x128xi32, #tpu.memory_space<vmem>> -> memref<128xi32, #tpu.memory_space<vmem>>
      %dma_start3A_398 = arith.constant 0 : i32
      %dma_start3A_399 = arith.constant 0 : i32
      %dma_start3A_400 = tpu.memref_slice %arg2[%dma_start3A_398, %dma_start3A_399] : memref<4128x64xi32, #tpu.memory_space<hbm>> -> memref<4128x64xi32, #tpu.memory_space<hbm>>
      tpu.enqueue_indirect_dma source(%dma_start3A_400 : memref<4128x64xi32, #tpu.memory_space<hbm>>) target(%dma_start3A_394 : memref<128x64xi32, #tpu.memory_space<vmem>>) offsets(%dma_start3A_397 : memref<128xi32, #tpu.memory_space<vmem>>) semaphore(%arg13 : memref<!tpu.dma_semaphore, #tpu.memory_space<semaphore_mem>>)
      %dma_start3A_401 = arith.constant 3 : i32
      %dma_start3A_402 = arith.constant 3 : i32
      %dma_start3A_403 = arith.constant 0 : i32
      %dma_start3A_404 = arith.constant 0 : i32
      %dma_start3A_405 = tpu.memref_slice %arg7[%dma_start3A_402, %dma_start3A_403, %dma_start3A_404] : memref<4x128x64xi32, #tpu.memory_space<vmem>> -> memref<1x128x64xi32, #tpu.memory_space<vmem>>
      %dma_start3A_406 = tpu.memref_squeeze %dma_start3A_405 : memref<1x128x64xi32, #tpu.memory_space<vmem>> -> memref<128x64xi32, #tpu.memory_space<vmem>>
      %dma_start3A_407 = arith.constant 0 : i32
      %dma_start3A_408 = tpu.memref_slice %arg5[%dma_start3A_401, %dma_start3A_407] : memref<4x128xi32, #tpu.memory_space<vmem>> -> memref<1x128xi32, #tpu.memory_space<vmem>>
      %dma_start3A_409 = tpu.memref_squeeze %dma_start3A_408 : memref<1x128xi32, #tpu.memory_space<vmem>> -> memref<128xi32, #tpu.memory_space<vmem>>
      %dma_start3A_410 = arith.constant 0 : i32
      %dma_start3A_411 = arith.constant 0 : i32
      %dma_start3A_412 = tpu.memref_slice %arg2[%dma_start3A_410, %dma_start3A_411] : memref<4128x64xi32, #tpu.memory_space<hbm>> -> memref<4128x64xi32, #tpu.memory_space<hbm>>
      tpu.enqueue_indirect_dma source(%dma_start3A_412 : memref<4128x64xi32, #tpu.memory_space<hbm>>) target(%dma_start3A_406 : memref<128x64xi32, #tpu.memory_space<vmem>>) offsets(%dma_start3A_409 : memref<128xi32, #tpu.memory_space<vmem>>) semaphore(%arg13 : memref<!tpu.dma_semaphore, #tpu.memory_space<semaphore_mem>>)
      %ge3A_413 = arith.constant 2 : i32
      %ge3A_414 = arith.cmpi sge, %add3A_295, %ge3A_413 : i32
      %convert_element_type3A_415 = arith.extui %ge3A_414 : i1 to i32
      %cond3A_416 = arith.constant 0 : i32
      %cond3A_417 = arith.cmpi ne, %convert_element_type3A_415, %cond3A_416 : i32
      scf.if %cond3A_417 {
        %dma_wait3A_430 = arith.constant 0 : i32
        %dma_wait3A_431 = arith.constant 0 : i32
        %dma_wait3A_432 = tpu.memref_slice %arg4[%mul3A_2, %dma_wait3A_430, %dma_wait3A_431] : memref<2048x128x128xf32, #tpu.memory_space<hbm>> -> memref<1x128x128xf32, #tpu.memory_space<hbm>>
        %dma_wait3A_433 = tpu.memref_squeeze %dma_wait3A_432 : memref<1x128x128xf32, #tpu.memory_space<hbm>> -> memref<128x128xf32, #tpu.memory_space<hbm>>
        %dma_wait3A_434 = arith.constant 0 : i32
        %dma_wait3A_435 = arith.constant 0 : i32
        %dma_wait3A_436 = tpu.memref_slice %arg4[%mul3A_2, %dma_wait3A_434, %dma_wait3A_435] : memref<2048x128x128xf32, #tpu.memory_space<hbm>> -> memref<1x128x128xf32, #tpu.memory_space<hbm>>
        %dma_wait3A_437 = tpu.memref_squeeze %dma_wait3A_436 : memref<1x128x128xf32, #tpu.memory_space<hbm>> -> memref<128x128xf32, #tpu.memory_space<hbm>>
        tpu.wait_dma2 semaphore(%arg16 : memref<!tpu.dma_semaphore, #tpu.memory_space<semaphore_mem>>) src(%arg10 : memref<128x128xf32, #tpu.memory_space<vmem>>) dst(%dma_wait3A_437 : memref<128x128xf32, #tpu.memory_space<hbm>>)
      } else {
      }
      %parallel_loop3A_418 = arith.constant 0 : i32
      %parallel_loop3A_419 = arith.constant 128 : i32
      %parallel_loop3A_420 = arith.constant 1 : i32
      scf.for %parallel_loop3A_430 = %parallel_loop3A_418 to %parallel_loop3A_419 step %parallel_loop3A_420  : i32 {
        %parallel_loop3A_431 = arith.constant 0 : i32
        %parallel_loop3A_432 = arith.index_cast %parallel_loop3A_431 : i32 to index
        %parallel_loop3A_433 = arith.index_cast %parallel_loop3A_430 : i32 to index
        %parallel_loop3A_434 = arith.constant 0 : index
        %parallel_loop3A_435 = tpu.vector_load %arg8[%parallel_loop3A_432, %parallel_loop3A_433, %parallel_loop3A_434] {strides = array<i32>} : memref<4x128x64xi32, #tpu.memory_space<vmem>>, vector<1x1x16xi32>,
        %parallel_loop3A_436 = vector.shape_cast %parallel_loop3A_435 : vector<1x1x16xi32> to vector<16xi32>
        %parallel_loop3A_437 = arith.constant 1 : i32
        %parallel_loop3A_438 = arith.index_cast %parallel_loop3A_437 : i32 to index
        %parallel_loop3A_439 = arith.index_cast %parallel_loop3A_430 : i32 to index
        %parallel_loop3A_440 = arith.constant 0 : index
        %parallel_loop3A_441 = tpu.vector_load %arg8[%parallel_loop3A_438, %parallel_loop3A_439, %parallel_loop3A_440] {strides = array<i32>} : memref<4x128x64xi32, #tpu.memory_space<vmem>>, vector<1x1x16xi32>,
        %parallel_loop3A_442 = vector.shape_cast %parallel_loop3A_441 : vector<1x1x16xi32> to vector<16xi32>
        %parallel_loop3A_443 = arith.constant 2 : i32
        %parallel_loop3A_444 = arith.index_cast %parallel_loop3A_443 : i32 to index
        %parallel_loop3A_445 = arith.index_cast %parallel_loop3A_430 : i32 to index
        %parallel_loop3A_446 = arith.constant 0 : index
        %parallel_loop3A_447 = tpu.vector_load %arg8[%parallel_loop3A_444, %parallel_loop3A_445, %parallel_loop3A_446] {strides = array<i32>} : memref<4x128x64xi32, #tpu.memory_space<vmem>>, vector<1x1x16xi32>,
        %parallel_loop3A_448 = vector.shape_cast %parallel_loop3A_447 : vector<1x1x16xi32> to vector<16xi32>
        %parallel_loop3A_449 = arith.constant 3 : i32
        %parallel_loop3A_450 = arith.index_cast %parallel_loop3A_449 : i32 to index
        %parallel_loop3A_451 = arith.index_cast %parallel_loop3A_430 : i32 to index
        %parallel_loop3A_452 = arith.constant 0 : index
        %parallel_loop3A_453 = tpu.vector_load %arg8[%parallel_loop3A_450, %parallel_loop3A_451, %parallel_loop3A_452] {strides = array<i32>} : memref<4x128x64xi32, #tpu.memory_space<vmem>>, vector<1x1x16xi32>,
        %parallel_loop3A_454 = vector.shape_cast %parallel_loop3A_453 : vector<1x1x16xi32> to vector<16xi32>
        %parallel_loop3A_455 = arith.constant 16 : i32
        %parallel_loop3A_456 = vector.broadcast %parallel_loop3A_455 : i32 to vector<16xi32>
        %parallel_loop3A_457 = arith.shli %parallel_loop3A_436, %parallel_loop3A_456 : vector<16xi32>
        %parallel_loop3A_458 = tpu.bitcast %parallel_loop3A_457 : vector<16xi32> -> vector<16xf32>
        %parallel_loop3A_459 = arith.constant 16 : i32
        %parallel_loop3A_460 = vector.broadcast %parallel_loop3A_459 : i32 to vector<16xi32>
        %parallel_loop3A_461 = arith.shli %parallel_loop3A_442, %parallel_loop3A_460 : vector<16xi32>
        %parallel_loop3A_462 = tpu.bitcast %parallel_loop3A_461 : vector<16xi32> -> vector<16xf32>
        %parallel_loop3A_463 = arith.addf %parallel_loop3A_458, %parallel_loop3A_462 : vector<16xf32>
        %parallel_loop3A_464 = arith.constant 16 : i32
        %parallel_loop3A_465 = vector.broadcast %parallel_loop3A_464 : i32 to vector<16xi32>
        %parallel_loop3A_466 = arith.shli %parallel_loop3A_448, %parallel_loop3A_465 : vector<16xi32>
        %parallel_loop3A_467 = tpu.bitcast %parallel_loop3A_466 : vector<16xi32> -> vector<16xf32>
        %parallel_loop3A_468 = arith.addf %parallel_loop3A_463, %parallel_loop3A_467 : vector<16xf32>
        %parallel_loop3A_469 = arith.constant 16 : i32
        %parallel_loop3A_470 = vector.broadcast %parallel_loop3A_469 : i32 to vector<16xi32>
        %parallel_loop3A_471 = arith.shli %parallel_loop3A_454, %parallel_loop3A_470 : vector<16xi32>
        %parallel_loop3A_472 = tpu.bitcast %parallel_loop3A_471 : vector<16xi32> -> vector<16xf32>
        %parallel_loop3A_473 = arith.addf %parallel_loop3A_468, %parallel_loop3A_472 : vector<16xf32>
        %parallel_loop3A_474 = arith.constant -65536 : i32
        %parallel_loop3A_475 = vector.broadcast %parallel_loop3A_474 : i32 to vector<16xi32>
        %parallel_loop3A_476 = arith.andi %parallel_loop3A_436, %parallel_loop3A_475 : vector<16xi32>
        %parallel_loop3A_477 = tpu.bitcast %parallel_loop3A_476 : vector<16xi32> -> vector<16xf32>
        %parallel_loop3A_478 = arith.constant -65536 : i32
        %parallel_loop3A_479 = vector.broadcast %parallel_loop3A_478 : i32 to vector<16xi32>
        %parallel_loop3A_480 = arith.andi %parallel_loop3A_442, %parallel_loop3A_479 : vector<16xi32>
        %parallel_loop3A_481 = tpu.bitcast %parallel_loop3A_480 : vector<16xi32> -> vector<16xf32>
        %parallel_loop3A_482 = arith.addf %parallel_loop3A_477, %parallel_loop3A_481 : vector<16xf32>
        %parallel_loop3A_483 = arith.constant -65536 : i32
        %parallel_loop3A_484 = vector.broadcast %parallel_loop3A_483 : i32 to vector<16xi32>
        %parallel_loop3A_485 = arith.andi %parallel_loop3A_448, %parallel_loop3A_484 : vector<16xi32>
        %parallel_loop3A_486 = tpu.bitcast %parallel_loop3A_485 : vector<16xi32> -> vector<16xf32>
        %parallel_loop3A_487 = arith.addf %parallel_loop3A_482, %parallel_loop3A_486 : vector<16xf32>
        %parallel_loop3A_488 = arith.constant -65536 : i32
        %parallel_loop3A_489 = vector.broadcast %parallel_loop3A_488 : i32 to vector<16xi32>
        %parallel_loop3A_490 = arith.andi %parallel_loop3A_454, %parallel_loop3A_489 : vector<16xi32>
        %parallel_loop3A_491 = tpu.bitcast %parallel_loop3A_490 : vector<16xi32> -> vector<16xf32>
        %parallel_loop3A_492 = arith.addf %parallel_loop3A_487, %parallel_loop3A_491 : vector<16xf32>
        %parallel_loop3A_493 = arith.constant 0.000000e+00 : f32
        %parallel_loop3A_494 = vector.broadcast %parallel_loop3A_493 : f32 to vector<16xf32>
        %parallel_loop3A_495 = arith.maximumf %parallel_loop3A_473, %parallel_loop3A_494 : vector<16xf32>
        %parallel_loop3A_496 = arith.index_cast %parallel_loop3A_430 : i32 to index
        %parallel_loop3A_497 = arith.constant 0 : index
        %parallel_loop3A_498 = tpu.vector_load %arg10[%parallel_loop3A_496, %parallel_loop3A_497] {strides = array<i32>} : memref<128x128xf32, #tpu.memory_space<vmem>>, vector<1x16xf32>,
        %parallel_loop3A_499 = vector.shape_cast %parallel_loop3A_498 : vector<1x16xf32> to vector<16xf32>
        %parallel_loop3A_500 = vector.shape_cast %parallel_loop3A_495 : vector<16xf32> to vector<1x16xf32>
        tpu.vector_store %arg10[%parallel_loop3A_496, %parallel_loop3A_497], %parallel_loop3A_500 {strides = array<i32>} : memref<128x128xf32, #tpu.memory_space<vmem>>, vector<1x16xf32>,
        %parallel_loop3A_501 = arith.constant 0.000000e+00 : f32
        %parallel_loop3A_502 = vector.broadcast %parallel_loop3A_501 : f32 to vector<16xf32>
        %parallel_loop3A_503 = arith.maximumf %parallel_loop3A_492, %parallel_loop3A_502 : vector<16xf32>
        %parallel_loop3A_504 = arith.index_cast %parallel_loop3A_430 : i32 to index
        %parallel_loop3A_505 = arith.constant 16 : index
        %parallel_loop3A_506 = tpu.vector_load %arg10[%parallel_loop3A_504, %parallel_loop3A_505] {strides = array<i32>} : memref<128x128xf32, #tpu.memory_space<vmem>>, vector<1x16xf32>,
        %parallel_loop3A_507 = vector.shape_cast %parallel_loop3A_506 : vector<1x16xf32> to vector<16xf32>
        %parallel_loop3A_508 = vector.shape_cast %parallel_loop3A_503 : vector<16xf32> to vector<1x16xf32>
        tpu.vector_store %arg10[%parallel_loop3A_504, %parallel_loop3A_505], %parallel_loop3A_508 {strides = array<i32>} : memref<128x128xf32, #tpu.memory_space<vmem>>, vector<1x16xf32>,
        %parallel_loop3A_509 = arith.constant 0 : i32
        %parallel_loop3A_510 = arith.index_cast %parallel_loop3A_509 : i32 to index
        %parallel_loop3A_511 = arith.index_cast %parallel_loop3A_430 : i32 to index
        %parallel_loop3A_512 = arith.constant 16 : index
        %parallel_loop3A_513 = tpu.vector_load %arg8[%parallel_loop3A_510, %parallel_loop3A_511, %parallel_loop3A_512] {strides = array<i32>} : memref<4x128x64xi32, #tpu.memory_space<vmem>>, vector<1x1x16xi32>,
        %parallel_loop3A_514 = vector.shape_cast %parallel_loop3A_513 : vector<1x1x16xi32> to vector<16xi32>
        %parallel_loop3A_515 = arith.constant 1 : i32
        %parallel_loop3A_516 = arith.index_cast %parallel_loop3A_515 : i32 to index
        %parallel_loop3A_517 = arith.index_cast %parallel_loop3A_430 : i32 to index
        %parallel_loop3A_518 = arith.constant 16 : index
        %parallel_loop3A_519 = tpu.vector_load %arg8[%parallel_loop3A_516, %parallel_loop3A_517, %parallel_loop3A_518] {strides = array<i32>} : memref<4x128x64xi32, #tpu.memory_space<vmem>>, vector<1x1x16xi32>,
        %parallel_loop3A_520 = vector.shape_cast %parallel_loop3A_519 : vector<1x1x16xi32> to vector<16xi32>
        %parallel_loop3A_521 = arith.constant 2 : i32
        %parallel_loop3A_522 = arith.index_cast %parallel_loop3A_521 : i32 to index
        %parallel_loop3A_523 = arith.index_cast %parallel_loop3A_430 : i32 to index
        %parallel_loop3A_524 = arith.constant 16 : index
        %parallel_loop3A_525 = tpu.vector_load %arg8[%parallel_loop3A_522, %parallel_loop3A_523, %parallel_loop3A_524] {strides = array<i32>} : memref<4x128x64xi32, #tpu.memory_space<vmem>>, vector<1x1x16xi32>,
        %parallel_loop3A_526 = vector.shape_cast %parallel_loop3A_525 : vector<1x1x16xi32> to vector<16xi32>
        %parallel_loop3A_527 = arith.constant 3 : i32
        %parallel_loop3A_528 = arith.index_cast %parallel_loop3A_527 : i32 to index
        %parallel_loop3A_529 = arith.index_cast %parallel_loop3A_430 : i32 to index
        %parallel_loop3A_530 = arith.constant 16 : index
        %parallel_loop3A_531 = tpu.vector_load %arg8[%parallel_loop3A_528, %parallel_loop3A_529, %parallel_loop3A_530] {strides = array<i32>} : memref<4x128x64xi32, #tpu.memory_space<vmem>>, vector<1x1x16xi32>,
        %parallel_loop3A_532 = vector.shape_cast %parallel_loop3A_531 : vector<1x1x16xi32> to vector<16xi32>
        %parallel_loop3A_533 = arith.constant 16 : i32
        %parallel_loop3A_534 = vector.broadcast %parallel_loop3A_533 : i32 to vector<16xi32>
        %parallel_loop3A_535 = arith.shli %parallel_loop3A_514, %parallel_loop3A_534 : vector<16xi32>
        %parallel_loop3A_536 = tpu.bitcast %parallel_loop3A_535 : vector<16xi32> -> vector<16xf32>
        %parallel_loop3A_537 = arith.constant 16 : i32
        %parallel_loop3A_538 = vector.broadcast %parallel_loop3A_537 : i32 to vector<16xi32>
        %parallel_loop3A_539 = arith.shli %parallel_loop3A_520, %parallel_loop3A_538 : vector<16xi32>
        %parallel_loop3A_540 = tpu.bitcast %parallel_loop3A_539 : vector<16xi32> -> vector<16xf32>
        %parallel_loop3A_541 = arith.addf %parallel_loop3A_536, %parallel_loop3A_540 : vector<16xf32>
        %parallel_loop3A_542 = arith.constant 16 : i32
        %parallel_loop3A_543 = vector.broadcast %parallel_loop3A_542 : i32 to vector<16xi32>
        %parallel_loop3A_544 = arith.shli %parallel_loop3A_526, %parallel_loop3A_543 : vector<16xi32>
        %parallel_loop3A_545 = tpu.bitcast %parallel_loop3A_544 : vector<16xi32> -> vector<16xf32>
        %parallel_loop3A_546 = arith.addf %parallel_loop3A_541, %parallel_loop3A_545 : vector<16xf32>
        %parallel_loop3A_547 = arith.constant 16 : i32
        %parallel_loop3A_548 = vector.broadcast %parallel_loop3A_547 : i32 to vector<16xi32>
        %parallel_loop3A_549 = arith.shli %parallel_loop3A_532, %parallel_loop3A_548 : vector<16xi32>
        %parallel_loop3A_550 = tpu.bitcast %parallel_loop3A_549 : vector<16xi32> -> vector<16xf32>
        %parallel_loop3A_551 = arith.addf %parallel_loop3A_546, %parallel_loop3A_550 : vector<16xf32>
        %parallel_loop3A_552 = arith.constant -65536 : i32
        %parallel_loop3A_553 = vector.broadcast %parallel_loop3A_552 : i32 to vector<16xi32>
        %parallel_loop3A_554 = arith.andi %parallel_loop3A_514, %parallel_loop3A_553 : vector<16xi32>
        %parallel_loop3A_555 = tpu.bitcast %parallel_loop3A_554 : vector<16xi32> -> vector<16xf32>
        %parallel_loop3A_556 = arith.constant -65536 : i32
        %parallel_loop3A_557 = vector.broadcast %parallel_loop3A_556 : i32 to vector<16xi32>
        %parallel_loop3A_558 = arith.andi %parallel_loop3A_520, %parallel_loop3A_557 : vector<16xi32>
        %parallel_loop3A_559 = tpu.bitcast %parallel_loop3A_558 : vector<16xi32> -> vector<16xf32>
        %parallel_loop3A_560 = arith.addf %parallel_loop3A_555, %parallel_loop3A_559 : vector<16xf32>
        %parallel_loop3A_561 = arith.constant -65536 : i32
        %parallel_loop3A_562 = vector.broadcast %parallel_loop3A_561 : i32 to vector<16xi32>
        %parallel_loop3A_563 = arith.andi %parallel_loop3A_526, %parallel_loop3A_562 : vector<16xi32>
        %parallel_loop3A_564 = tpu.bitcast %parallel_loop3A_563 : vector<16xi32> -> vector<16xf32>
        %parallel_loop3A_565 = arith.addf %parallel_loop3A_560, %parallel_loop3A_564 : vector<16xf32>
        %parallel_loop3A_566 = arith.constant -65536 : i32
        %parallel_loop3A_567 = vector.broadcast %parallel_loop3A_566 : i32 to vector<16xi32>
        %parallel_loop3A_568 = arith.andi %parallel_loop3A_532, %parallel_loop3A_567 : vector<16xi32>
        %parallel_loop3A_569 = tpu.bitcast %parallel_loop3A_568 : vector<16xi32> -> vector<16xf32>
        %parallel_loop3A_570 = arith.addf %parallel_loop3A_565, %parallel_loop3A_569 : vector<16xf32>
        %parallel_loop3A_571 = arith.constant 0.000000e+00 : f32
        %parallel_loop3A_572 = vector.broadcast %parallel_loop3A_571 : f32 to vector<16xf32>
        %parallel_loop3A_573 = arith.maximumf %parallel_loop3A_551, %parallel_loop3A_572 : vector<16xf32>
        %parallel_loop3A_574 = arith.index_cast %parallel_loop3A_430 : i32 to index
        %parallel_loop3A_575 = arith.constant 32 : index
        %parallel_loop3A_576 = tpu.vector_load %arg10[%parallel_loop3A_574, %parallel_loop3A_575] {strides = array<i32>} : memref<128x128xf32, #tpu.memory_space<vmem>>, vector<1x16xf32>,
        %parallel_loop3A_577 = vector.shape_cast %parallel_loop3A_576 : vector<1x16xf32> to vector<16xf32>
        %parallel_loop3A_578 = vector.shape_cast %parallel_loop3A_573 : vector<16xf32> to vector<1x16xf32>
        tpu.vector_store %arg10[%parallel_loop3A_574, %parallel_loop3A_575], %parallel_loop3A_578 {strides = array<i32>} : memref<128x128xf32, #tpu.memory_space<vmem>>, vector<1x16xf32>,
        %parallel_loop3A_579 = arith.constant 0.000000e+00 : f32
        %parallel_loop3A_580 = vector.broadcast %parallel_loop3A_579 : f32 to vector<16xf32>
        %parallel_loop3A_581 = arith.maximumf %parallel_loop3A_570, %parallel_loop3A_580 : vector<16xf32>
        %parallel_loop3A_582 = arith.index_cast %parallel_loop3A_430 : i32 to index
        %parallel_loop3A_583 = arith.constant 48 : index
        %parallel_loop3A_584 = tpu.vector_load %arg10[%parallel_loop3A_582, %parallel_loop3A_583] {strides = array<i32>} : memref<128x128xf32, #tpu.memory_space<vmem>>, vector<1x16xf32>,
        %parallel_loop3A_585 = vector.shape_cast %parallel_loop3A_584 : vector<1x16xf32> to vector<16xf32>
        %parallel_loop3A_586 = vector.shape_cast %parallel_loop3A_581 : vector<16xf32> to vector<1x16xf32>
        tpu.vector_store %arg10[%parallel_loop3A_582, %parallel_loop3A_583], %parallel_loop3A_586 {strides = array<i32>} : memref<128x128xf32, #tpu.memory_space<vmem>>, vector<1x16xf32>,
        %parallel_loop3A_587 = arith.constant 0 : i32
        %parallel_loop3A_588 = arith.index_cast %parallel_loop3A_587 : i32 to index
        %parallel_loop3A_589 = arith.index_cast %parallel_loop3A_430 : i32 to index
        %parallel_loop3A_590 = arith.constant 32 : index
        %parallel_loop3A_591 = tpu.vector_load %arg8[%parallel_loop3A_588, %parallel_loop3A_589, %parallel_loop3A_590] {strides = array<i32>} : memref<4x128x64xi32, #tpu.memory_space<vmem>>, vector<1x1x16xi32>,
        %parallel_loop3A_592 = vector.shape_cast %parallel_loop3A_591 : vector<1x1x16xi32> to vector<16xi32>
        %parallel_loop3A_593 = arith.constant 1 : i32
        %parallel_loop3A_594 = arith.index_cast %parallel_loop3A_593 : i32 to index
        %parallel_loop3A_595 = arith.index_cast %parallel_loop3A_430 : i32 to index
        %parallel_loop3A_596 = arith.constant 32 : index
        %parallel_loop3A_597 = tpu.vector_load %arg8[%parallel_loop3A_594, %parallel_loop3A_595, %parallel_loop3A_596] {strides = array<i32>} : memref<4x128x64xi32, #tpu.memory_space<vmem>>, vector<1x1x16xi32>,
        %parallel_loop3A_598 = vector.shape_cast %parallel_loop3A_597 : vector<1x1x16xi32> to vector<16xi32>
        %parallel_loop3A_599 = arith.constant 2 : i32
        %parallel_loop3A_600 = arith.index_cast %parallel_loop3A_599 : i32 to index
        %parallel_loop3A_601 = arith.index_cast %parallel_loop3A_430 : i32 to index
        %parallel_loop3A_602 = arith.constant 32 : index
        %parallel_loop3A_603 = tpu.vector_load %arg8[%parallel_loop3A_600, %parallel_loop3A_601, %parallel_loop3A_602] {strides = array<i32>} : memref<4x128x64xi32, #tpu.memory_space<vmem>>, vector<1x1x16xi32>,
        %parallel_loop3A_604 = vector.shape_cast %parallel_loop3A_603 : vector<1x1x16xi32> to vector<16xi32>
        %parallel_loop3A_605 = arith.constant 3 : i32
        %parallel_loop3A_606 = arith.index_cast %parallel_loop3A_605 : i32 to index
        %parallel_loop3A_607 = arith.index_cast %parallel_loop3A_430 : i32 to index
        %parallel_loop3A_608 = arith.constant 32 : index
        %parallel_loop3A_609 = tpu.vector_load %arg8[%parallel_loop3A_606, %parallel_loop3A_607, %parallel_loop3A_608] {strides = array<i32>} : memref<4x128x64xi32, #tpu.memory_space<vmem>>, vector<1x1x16xi32>,
        %parallel_loop3A_610 = vector.shape_cast %parallel_loop3A_609 : vector<1x1x16xi32> to vector<16xi32>
        %parallel_loop3A_611 = arith.constant 16 : i32
        %parallel_loop3A_612 = vector.broadcast %parallel_loop3A_611 : i32 to vector<16xi32>
        %parallel_loop3A_613 = arith.shli %parallel_loop3A_592, %parallel_loop3A_612 : vector<16xi32>
        %parallel_loop3A_614 = tpu.bitcast %parallel_loop3A_613 : vector<16xi32> -> vector<16xf32>
        %parallel_loop3A_615 = arith.constant 16 : i32
        %parallel_loop3A_616 = vector.broadcast %parallel_loop3A_615 : i32 to vector<16xi32>
        %parallel_loop3A_617 = arith.shli %parallel_loop3A_598, %parallel_loop3A_616 : vector<16xi32>
        %parallel_loop3A_618 = tpu.bitcast %parallel_loop3A_617 : vector<16xi32> -> vector<16xf32>
        %parallel_loop3A_619 = arith.addf %parallel_loop3A_614, %parallel_loop3A_618 : vector<16xf32>
        %parallel_loop3A_620 = arith.constant 16 : i32
        %parallel_loop3A_621 = vector.broadcast %parallel_loop3A_620 : i32 to vector<16xi32>
        %parallel_loop3A_622 = arith.shli %parallel_loop3A_604, %parallel_loop3A_621 : vector<16xi32>
        %parallel_loop3A_623 = tpu.bitcast %parallel_loop3A_622 : vector<16xi32> -> vector<16xf32>
        %parallel_loop3A_624 = arith.addf %parallel_loop3A_619, %parallel_loop3A_623 : vector<16xf32>
        %parallel_loop3A_625 = arith.constant 16 : i32
        %parallel_loop3A_626 = vector.broadcast %parallel_loop3A_625 : i32 to vector<16xi32>
        %parallel_loop3A_627 = arith.shli %parallel_loop3A_610, %parallel_loop3A_626 : vector<16xi32>
        %parallel_loop3A_628 = tpu.bitcast %parallel_loop3A_627 : vector<16xi32> -> vector<16xf32>
        %parallel_loop3A_629 = arith.addf %parallel_loop3A_624, %parallel_loop3A_628 : vector<16xf32>
        %parallel_loop3A_630 = arith.constant -65536 : i32
        %parallel_loop3A_631 = vector.broadcast %parallel_loop3A_630 : i32 to vector<16xi32>
        %parallel_loop3A_632 = arith.andi %parallel_loop3A_592, %parallel_loop3A_631 : vector<16xi32>
        %parallel_loop3A_633 = tpu.bitcast %parallel_loop3A_632 : vector<16xi32> -> vector<16xf32>
        %parallel_loop3A_634 = arith.constant -65536 : i32
        %parallel_loop3A_635 = vector.broadcast %parallel_loop3A_634 : i32 to vector<16xi32>
        %parallel_loop3A_636 = arith.andi %parallel_loop3A_598, %parallel_loop3A_635 : vector<16xi32>
        %parallel_loop3A_637 = tpu.bitcast %parallel_loop3A_636 : vector<16xi32> -> vector<16xf32>
        %parallel_loop3A_638 = arith.addf %parallel_loop3A_633, %parallel_loop3A_637 : vector<16xf32>
        %parallel_loop3A_639 = arith.constant -65536 : i32
        %parallel_loop3A_640 = vector.broadcast %parallel_loop3A_639 : i32 to vector<16xi32>
        %parallel_loop3A_641 = arith.andi %parallel_loop3A_604, %parallel_loop3A_640 : vector<16xi32>
        %parallel_loop3A_642 = tpu.bitcast %parallel_loop3A_641 : vector<16xi32> -> vector<16xf32>
        %parallel_loop3A_643 = arith.addf %parallel_loop3A_638, %parallel_loop3A_642 : vector<16xf32>
        %parallel_loop3A_644 = arith.constant -65536 : i32
        %parallel_loop3A_645 = vector.broadcast %parallel_loop3A_644 : i32 to vector<16xi32>
        %parallel_loop3A_646 = arith.andi %parallel_loop3A_610, %parallel_loop3A_645 : vector<16xi32>
        %parallel_loop3A_647 = tpu.bitcast %parallel_loop3A_646 : vector<16xi32> -> vector<16xf32>
        %parallel_loop3A_648 = arith.addf %parallel_loop3A_643, %parallel_loop3A_647 : vector<16xf32>
        %parallel_loop3A_649 = arith.constant 0.000000e+00 : f32
        %parallel_loop3A_650 = vector.broadcast %parallel_loop3A_649 : f32 to vector<16xf32>
        %parallel_loop3A_651 = arith.maximumf %parallel_loop3A_629, %parallel_loop3A_650 : vector<16xf32>
        %parallel_loop3A_652 = arith.index_cast %parallel_loop3A_430 : i32 to index
        %parallel_loop3A_653 = arith.constant 64 : index
        %parallel_loop3A_654 = tpu.vector_load %arg10[%parallel_loop3A_652, %parallel_loop3A_653] {strides = array<i32>} : memref<128x128xf32, #tpu.memory_space<vmem>>, vector<1x16xf32>,
        %parallel_loop3A_655 = vector.shape_cast %parallel_loop3A_654 : vector<1x16xf32> to vector<16xf32>
        %parallel_loop3A_656 = vector.shape_cast %parallel_loop3A_651 : vector<16xf32> to vector<1x16xf32>
        tpu.vector_store %arg10[%parallel_loop3A_652, %parallel_loop3A_653], %parallel_loop3A_656 {strides = array<i32>} : memref<128x128xf32, #tpu.memory_space<vmem>>, vector<1x16xf32>,
        %parallel_loop3A_657 = arith.constant 0.000000e+00 : f32
        %parallel_loop3A_658 = vector.broadcast %parallel_loop3A_657 : f32 to vector<16xf32>
        %parallel_loop3A_659 = arith.maximumf %parallel_loop3A_648, %parallel_loop3A_658 : vector<16xf32>
        %parallel_loop3A_660 = arith.index_cast %parallel_loop3A_430 : i32 to index
        %parallel_loop3A_661 = arith.constant 80 : index
        %parallel_loop3A_662 = tpu.vector_load %arg10[%parallel_loop3A_660, %parallel_loop3A_661] {strides = array<i32>} : memref<128x128xf32, #tpu.memory_space<vmem>>, vector<1x16xf32>,
        %parallel_loop3A_663 = vector.shape_cast %parallel_loop3A_662 : vector<1x16xf32> to vector<16xf32>
        %parallel_loop3A_664 = vector.shape_cast %parallel_loop3A_659 : vector<16xf32> to vector<1x16xf32>
        tpu.vector_store %arg10[%parallel_loop3A_660, %parallel_loop3A_661], %parallel_loop3A_664 {strides = array<i32>} : memref<128x128xf32, #tpu.memory_space<vmem>>, vector<1x16xf32>,
        %parallel_loop3A_665 = arith.constant 0 : i32
        %parallel_loop3A_666 = arith.index_cast %parallel_loop3A_665 : i32 to index
        %parallel_loop3A_667 = arith.index_cast %parallel_loop3A_430 : i32 to index
        %parallel_loop3A_668 = arith.constant 48 : index
        %parallel_loop3A_669 = tpu.vector_load %arg8[%parallel_loop3A_666, %parallel_loop3A_667, %parallel_loop3A_668] {strides = array<i32>} : memref<4x128x64xi32, #tpu.memory_space<vmem>>, vector<1x1x16xi32>,
        %parallel_loop3A_670 = vector.shape_cast %parallel_loop3A_669 : vector<1x1x16xi32> to vector<16xi32>
        %parallel_loop3A_671 = arith.constant 1 : i32
        %parallel_loop3A_672 = arith.index_cast %parallel_loop3A_671 : i32 to index
        %parallel_loop3A_673 = arith.index_cast %parallel_loop3A_430 : i32 to index
        %parallel_loop3A_674 = arith.constant 48 : index
        %parallel_loop3A_675 = tpu.vector_load %arg8[%parallel_loop3A_672, %parallel_loop3A_673, %parallel_loop3A_674] {strides = array<i32>} : memref<4x128x64xi32, #tpu.memory_space<vmem>>, vector<1x1x16xi32>,
        %parallel_loop3A_676 = vector.shape_cast %parallel_loop3A_675 : vector<1x1x16xi32> to vector<16xi32>
        %parallel_loop3A_677 = arith.constant 2 : i32
        %parallel_loop3A_678 = arith.index_cast %parallel_loop3A_677 : i32 to index
        %parallel_loop3A_679 = arith.index_cast %parallel_loop3A_430 : i32 to index
        %parallel_loop3A_680 = arith.constant 48 : index
        %parallel_loop3A_681 = tpu.vector_load %arg8[%parallel_loop3A_678, %parallel_loop3A_679, %parallel_loop3A_680] {strides = array<i32>} : memref<4x128x64xi32, #tpu.memory_space<vmem>>, vector<1x1x16xi32>,
        %parallel_loop3A_682 = vector.shape_cast %parallel_loop3A_681 : vector<1x1x16xi32> to vector<16xi32>
        %parallel_loop3A_683 = arith.constant 3 : i32
        %parallel_loop3A_684 = arith.index_cast %parallel_loop3A_683 : i32 to index
        %parallel_loop3A_685 = arith.index_cast %parallel_loop3A_430 : i32 to index
        %parallel_loop3A_686 = arith.constant 48 : index
        %parallel_loop3A_687 = tpu.vector_load %arg8[%parallel_loop3A_684, %parallel_loop3A_685, %parallel_loop3A_686] {strides = array<i32>} : memref<4x128x64xi32, #tpu.memory_space<vmem>>, vector<1x1x16xi32>,
        %parallel_loop3A_688 = vector.shape_cast %parallel_loop3A_687 : vector<1x1x16xi32> to vector<16xi32>
        %parallel_loop3A_689 = arith.constant 16 : i32
        %parallel_loop3A_690 = vector.broadcast %parallel_loop3A_689 : i32 to vector<16xi32>
        %parallel_loop3A_691 = arith.shli %parallel_loop3A_670, %parallel_loop3A_690 : vector<16xi32>
        %parallel_loop3A_692 = tpu.bitcast %parallel_loop3A_691 : vector<16xi32> -> vector<16xf32>
        %parallel_loop3A_693 = arith.constant 16 : i32
        %parallel_loop3A_694 = vector.broadcast %parallel_loop3A_693 : i32 to vector<16xi32>
        %parallel_loop3A_695 = arith.shli %parallel_loop3A_676, %parallel_loop3A_694 : vector<16xi32>
        %parallel_loop3A_696 = tpu.bitcast %parallel_loop3A_695 : vector<16xi32> -> vector<16xf32>
        %parallel_loop3A_697 = arith.addf %parallel_loop3A_692, %parallel_loop3A_696 : vector<16xf32>
        %parallel_loop3A_698 = arith.constant 16 : i32
        %parallel_loop3A_699 = vector.broadcast %parallel_loop3A_698 : i32 to vector<16xi32>
        %parallel_loop3A_700 = arith.shli %parallel_loop3A_682, %parallel_loop3A_699 : vector<16xi32>
        %parallel_loop3A_701 = tpu.bitcast %parallel_loop3A_700 : vector<16xi32> -> vector<16xf32>
        %parallel_loop3A_702 = arith.addf %parallel_loop3A_697, %parallel_loop3A_701 : vector<16xf32>
        %parallel_loop3A_703 = arith.constant 16 : i32
        %parallel_loop3A_704 = vector.broadcast %parallel_loop3A_703 : i32 to vector<16xi32>
        %parallel_loop3A_705 = arith.shli %parallel_loop3A_688, %parallel_loop3A_704 : vector<16xi32>
        %parallel_loop3A_706 = tpu.bitcast %parallel_loop3A_705 : vector<16xi32> -> vector<16xf32>
        %parallel_loop3A_707 = arith.addf %parallel_loop3A_702, %parallel_loop3A_706 : vector<16xf32>
        %parallel_loop3A_708 = arith.constant -65536 : i32
        %parallel_loop3A_709 = vector.broadcast %parallel_loop3A_708 : i32 to vector<16xi32>
        %parallel_loop3A_710 = arith.andi %parallel_loop3A_670, %parallel_loop3A_709 : vector<16xi32>
        %parallel_loop3A_711 = tpu.bitcast %parallel_loop3A_710 : vector<16xi32> -> vector<16xf32>
        %parallel_loop3A_712 = arith.constant -65536 : i32
        %parallel_loop3A_713 = vector.broadcast %parallel_loop3A_712 : i32 to vector<16xi32>
        %parallel_loop3A_714 = arith.andi %parallel_loop3A_676, %parallel_loop3A_713 : vector<16xi32>
        %parallel_loop3A_715 = tpu.bitcast %parallel_loop3A_714 : vector<16xi32> -> vector<16xf32>
        %parallel_loop3A_716 = arith.addf %parallel_loop3A_711, %parallel_loop3A_715 : vector<16xf32>
        %parallel_loop3A_717 = arith.constant -65536 : i32
        %parallel_loop3A_718 = vector.broadcast %parallel_loop3A_717 : i32 to vector<16xi32>
        %parallel_loop3A_719 = arith.andi %parallel_loop3A_682, %parallel_loop3A_718 : vector<16xi32>
        %parallel_loop3A_720 = tpu.bitcast %parallel_loop3A_719 : vector<16xi32> -> vector<16xf32>
        %parallel_loop3A_721 = arith.addf %parallel_loop3A_716, %parallel_loop3A_720 : vector<16xf32>
        %parallel_loop3A_722 = arith.constant -65536 : i32
        %parallel_loop3A_723 = vector.broadcast %parallel_loop3A_722 : i32 to vector<16xi32>
        %parallel_loop3A_724 = arith.andi %parallel_loop3A_688, %parallel_loop3A_723 : vector<16xi32>
        %parallel_loop3A_725 = tpu.bitcast %parallel_loop3A_724 : vector<16xi32> -> vector<16xf32>
        %parallel_loop3A_726 = arith.addf %parallel_loop3A_721, %parallel_loop3A_725 : vector<16xf32>
        %parallel_loop3A_727 = arith.constant 0.000000e+00 : f32
        %parallel_loop3A_728 = vector.broadcast %parallel_loop3A_727 : f32 to vector<16xf32>
        %parallel_loop3A_729 = arith.maximumf %parallel_loop3A_707, %parallel_loop3A_728 : vector<16xf32>
        %parallel_loop3A_730 = arith.index_cast %parallel_loop3A_430 : i32 to index
        %parallel_loop3A_731 = arith.constant 96 : index
        %parallel_loop3A_732 = tpu.vector_load %arg10[%parallel_loop3A_730, %parallel_loop3A_731] {strides = array<i32>} : memref<128x128xf32, #tpu.memory_space<vmem>>, vector<1x16xf32>,
        %parallel_loop3A_733 = vector.shape_cast %parallel_loop3A_732 : vector<1x16xf32> to vector<16xf32>
        %parallel_loop3A_734 = vector.shape_cast %parallel_loop3A_729 : vector<16xf32> to vector<1x16xf32>
        tpu.vector_store %arg10[%parallel_loop3A_730, %parallel_loop3A_731], %parallel_loop3A_734 {strides = array<i32>} : memref<128x128xf32, #tpu.memory_space<vmem>>, vector<1x16xf32>,
        %parallel_loop3A_735 = arith.constant 0.000000e+00 : f32
        %parallel_loop3A_736 = vector.broadcast %parallel_loop3A_735 : f32 to vector<16xf32>
        %parallel_loop3A_737 = arith.maximumf %parallel_loop3A_726, %parallel_loop3A_736 : vector<16xf32>
        %parallel_loop3A_738 = arith.index_cast %parallel_loop3A_430 : i32 to index
        %parallel_loop3A_739 = arith.constant 112 : index
        %parallel_loop3A_740 = tpu.vector_load %arg10[%parallel_loop3A_738, %parallel_loop3A_739] {strides = array<i32>} : memref<128x128xf32, #tpu.memory_space<vmem>>, vector<1x16xf32>,
        %parallel_loop3A_741 = vector.shape_cast %parallel_loop3A_740 : vector<1x16xf32> to vector<16xf32>
        %parallel_loop3A_742 = vector.shape_cast %parallel_loop3A_737 : vector<16xf32> to vector<1x16xf32>
        tpu.vector_store %arg10[%parallel_loop3A_738, %parallel_loop3A_739], %parallel_loop3A_742 {strides = array<i32>} : memref<128x128xf32, #tpu.memory_space<vmem>>, vector<1x16xf32>,
      } {sc.loop_unroll_factor = 4 : i64, sc.parallel_access}
      %add3A_421 = arith.addi %mul3A_2, %add3A_295 : i32
      %dma_start3A_422 = arith.constant 0 : i32
      %dma_start3A_423 = arith.constant 0 : i32
      %dma_start3A_424 = tpu.memref_slice %arg4[%add3A_421, %dma_start3A_422, %dma_start3A_423] : memref<2048x128x128xf32, #tpu.memory_space<hbm>> -> memref<1x128x128xf32, #tpu.memory_space<hbm>>
      %dma_start3A_425 = tpu.memref_squeeze %dma_start3A_424 : memref<1x128x128xf32, #tpu.memory_space<hbm>> -> memref<128x128xf32, #tpu.memory_space<hbm>>
      %dma_start3A_426 = arith.constant 0 : i32
      %dma_start3A_427 = arith.constant 0 : i32
      %dma_start3A_428 = tpu.memref_slice %arg4[%add3A_421, %dma_start3A_426, %dma_start3A_427] : memref<2048x128x128xf32, #tpu.memory_space<hbm>> -> memref<1x128x128xf32, #tpu.memory_space<hbm>>
      %dma_start3A_429 = tpu.memref_squeeze %dma_start3A_428 : memref<1x128x128xf32, #tpu.memory_space<hbm>> -> memref<128x128xf32, #tpu.memory_space<hbm>>
      tpu.enqueue_dma source(%arg10 : memref<128x128xf32, #tpu.memory_space<vmem>>) target(%dma_start3A_429 : memref<128x128xf32, #tpu.memory_space<hbm>>) target_semaphore(%arg16 : memref<!tpu.dma_semaphore, #tpu.memory_space<semaphore_mem>>)
    }
    %scan3A_84 = arith.constant 32 : i32
    %dma_wait3A_85 = arith.constant 0 : i32
    %dma_wait3A_86 = arith.constant 0 : i32
    %dma_wait3A_87 = arith.constant 0 : i32
    %dma_wait3A_88 = arith.constant 0 : i32
    %dma_wait3A_89 = tpu.memref_slice %arg7[%dma_wait3A_86, %dma_wait3A_87, %dma_wait3A_88] : memref<4x128x64xi32, #tpu.memory_space<vmem>> -> memref<1x128x64xi32, #tpu.memory_space<vmem>>
    %dma_wait3A_90 = tpu.memref_squeeze %dma_wait3A_89 : memref<1x128x64xi32, #tpu.memory_space<vmem>> -> memref<128x64xi32, #tpu.memory_space<vmem>>
    %dma_wait3A_91 = arith.constant 0 : i32
    %dma_wait3A_92 = tpu.memref_slice %arg5[%dma_wait3A_85, %dma_wait3A_91] : memref<4x128xi32, #tpu.memory_space<vmem>> -> memref<1x128xi32, #tpu.memory_space<vmem>>
    %dma_wait3A_93 = tpu.memref_squeeze %dma_wait3A_92 : memref<1x128xi32, #tpu.memory_space<vmem>> -> memref<128xi32, #tpu.memory_space<vmem>>
    %dma_wait3A_94 = arith.constant 0 : i32
    %dma_wait3A_95 = arith.constant 0 : i32
    %dma_wait3A_96 = tpu.memref_slice %arg2[%dma_wait3A_94, %dma_wait3A_95] : memref<4128x64xi32, #tpu.memory_space<hbm>> -> memref<4128x64xi32, #tpu.memory_space<hbm>>
    tpu.wait_indirect_dma semaphore(%arg13 : memref<!tpu.dma_semaphore, #tpu.memory_space<semaphore_mem>>) src(%dma_wait3A_96 : memref<4128x64xi32, #tpu.memory_space<hbm>>) dst(%dma_wait3A_90 : memref<128x64xi32, #tpu.memory_space<vmem>>)
    %dma_wait3A_97 = arith.constant 1 : i32
    %dma_wait3A_98 = arith.constant 1 : i32
    %dma_wait3A_99 = arith.constant 0 : i32
    %dma_wait3A_100 = arith.constant 0 : i32
    %dma_wait3A_101 = tpu.memref_slice %arg7[%dma_wait3A_98, %dma_wait3A_99, %dma_wait3A_100] : memref<4x128x64xi32, #tpu.memory_space<vmem>> -> memref<1x128x64xi32, #tpu.memory_space<vmem>>
    %dma_wait3A_102 = tpu.memref_squeeze %dma_wait3A_101 : memref<1x128x64xi32, #tpu.memory_space<vmem>> -> memref<128x64xi32, #tpu.memory_space<vmem>>
    %dma_wait3A_103 = arith.constant 0 : i32
    %dma_wait3A_104 = tpu.memref_slice %arg5[%dma_wait3A_97, %dma_wait3A_103] : memref<4x128xi32, #tpu.memory_space<vmem>> -> memref<1x128xi32, #tpu.memory_space<vmem>>
    %dma_wait3A_105 = tpu.memref_squeeze %dma_wait3A_104 : memref<1x128xi32, #tpu.memory_space<vmem>> -> memref<128xi32, #tpu.memory_space<vmem>>
    %dma_wait3A_106 = arith.constant 0 : i32
    %dma_wait3A_107 = arith.constant 0 : i32
    %dma_wait3A_108 = tpu.memref_slice %arg2[%dma_wait3A_106, %dma_wait3A_107] : memref<4128x64xi32, #tpu.memory_space<hbm>> -> memref<4128x64xi32, #tpu.memory_space<hbm>>
    tpu.wait_indirect_dma semaphore(%arg13 : memref<!tpu.dma_semaphore, #tpu.memory_space<semaphore_mem>>) src(%dma_wait3A_108 : memref<4128x64xi32, #tpu.memory_space<hbm>>) dst(%dma_wait3A_102 : memref<128x64xi32, #tpu.memory_space<vmem>>)
    %dma_wait3A_109 = arith.constant 2 : i32
    %dma_wait3A_110 = arith.constant 2 : i32
    %dma_wait3A_111 = arith.constant 0 : i32
    %dma_wait3A_112 = arith.constant 0 : i32
    %dma_wait3A_113 = tpu.memref_slice %arg7[%dma_wait3A_110, %dma_wait3A_111, %dma_wait3A_112] : memref<4x128x64xi32, #tpu.memory_space<vmem>> -> memref<1x128x64xi32, #tpu.memory_space<vmem>>
    %dma_wait3A_114 = tpu.memref_squeeze %dma_wait3A_113 : memref<1x128x64xi32, #tpu.memory_space<vmem>> -> memref<128x64xi32, #tpu.memory_space<vmem>>
    %dma_wait3A_115 = arith.constant 0 : i32
    %dma_wait3A_116 = tpu.memref_slice %arg5[%dma_wait3A_109, %dma_wait3A_115] : memref<4x128xi32, #tpu.memory_space<vmem>> -> memref<1x128xi32, #tpu.memory_space<vmem>>
    %dma_wait3A_117 = tpu.memref_squeeze %dma_wait3A_116 : memref<1x128xi32, #tpu.memory_space<vmem>> -> memref<128xi32, #tpu.memory_space<vmem>>
    %dma_wait3A_118 = arith.constant 0 : i32
    %dma_wait3A_119 = arith.constant 0 : i32
    %dma_wait3A_120 = tpu.memref_slice %arg2[%dma_wait3A_118, %dma_wait3A_119] : memref<4128x64xi32, #tpu.memory_space<hbm>> -> memref<4128x64xi32, #tpu.memory_space<hbm>>
    tpu.wait_indirect_dma semaphore(%arg13 : memref<!tpu.dma_semaphore, #tpu.memory_space<semaphore_mem>>) src(%dma_wait3A_120 : memref<4128x64xi32, #tpu.memory_space<hbm>>) dst(%dma_wait3A_114 : memref<128x64xi32, #tpu.memory_space<vmem>>)
    %dma_wait3A_121 = arith.constant 3 : i32
    %dma_wait3A_122 = arith.constant 3 : i32
    %dma_wait3A_123 = arith.constant 0 : i32
    %dma_wait3A_124 = arith.constant 0 : i32
    %dma_wait3A_125 = tpu.memref_slice %arg7[%dma_wait3A_122, %dma_wait3A_123, %dma_wait3A_124] : memref<4x128x64xi32, #tpu.memory_space<vmem>> -> memref<1x128x64xi32, #tpu.memory_space<vmem>>
    %dma_wait3A_126 = tpu.memref_squeeze %dma_wait3A_125 : memref<1x128x64xi32, #tpu.memory_space<vmem>> -> memref<128x64xi32, #tpu.memory_space<vmem>>
    %dma_wait3A_127 = arith.constant 0 : i32
    %dma_wait3A_128 = tpu.memref_slice %arg5[%dma_wait3A_121, %dma_wait3A_127] : memref<4x128xi32, #tpu.memory_space<vmem>> -> memref<1x128xi32, #tpu.memory_space<vmem>>
    %dma_wait3A_129 = tpu.memref_squeeze %dma_wait3A_128 : memref<1x128xi32, #tpu.memory_space<vmem>> -> memref<128xi32, #tpu.memory_space<vmem>>
    %dma_wait3A_130 = arith.constant 0 : i32
    %dma_wait3A_131 = arith.constant 0 : i32
    %dma_wait3A_132 = tpu.memref_slice %arg2[%dma_wait3A_130, %dma_wait3A_131] : memref<4128x64xi32, #tpu.memory_space<hbm>> -> memref<4128x64xi32, #tpu.memory_space<hbm>>
    tpu.wait_indirect_dma semaphore(%arg13 : memref<!tpu.dma_semaphore, #tpu.memory_space<semaphore_mem>>) src(%dma_wait3A_132 : memref<4128x64xi32, #tpu.memory_space<hbm>>) dst(%dma_wait3A_126 : memref<128x64xi32, #tpu.memory_space<vmem>>)
    %dma_wait3A_133 = arith.constant 0 : i32
    %dma_wait3A_134 = arith.constant 0 : i32
    %dma_wait3A_135 = tpu.memref_slice %arg3[%dma_wait3A_133, %mul3A_2, %dma_wait3A_134] : memref<4x2048x128xi32, #tpu.memory_space<hbm>> -> memref<4x1x128xi32, #tpu.memory_space<hbm>>
    %dma_wait3A_136 = tpu.memref_squeeze %dma_wait3A_135 : memref<4x1x128xi32, #tpu.memory_space<hbm>> -> memref<4x128xi32, #tpu.memory_space<hbm>>
    %dma_wait3A_137 = arith.constant 0 : i32
    %dma_wait3A_138 = arith.constant 0 : i32
    %dma_wait3A_139 = tpu.memref_slice %arg3[%dma_wait3A_137, %mul3A_2, %dma_wait3A_138] : memref<4x2048x128xi32, #tpu.memory_space<hbm>> -> memref<4x1x128xi32, #tpu.memory_space<hbm>>
    %dma_wait3A_140 = tpu.memref_squeeze %dma_wait3A_139 : memref<4x1x128xi32, #tpu.memory_space<hbm>> -> memref<4x128xi32, #tpu.memory_space<hbm>>
    tpu.wait_dma2 semaphore(%arg12 : memref<!tpu.dma_semaphore, #tpu.memory_space<semaphore_mem>>) src(%dma_wait3A_140 : memref<4x128xi32, #tpu.memory_space<hbm>>) dst(%arg6 : memref<4x128xi32, #tpu.memory_space<vmem>>)
    %dma_wait3A_141 = arith.constant 0 : i32
    %dma_wait3A_142 = arith.constant 0 : i32
    %dma_wait3A_143 = tpu.memref_slice %arg4[%mul3A_2, %dma_wait3A_141, %dma_wait3A_142] : memref<2048x128x128xf32, #tpu.memory_space<hbm>> -> memref<1x128x128xf32, #tpu.memory_space<hbm>>
    %dma_wait3A_144 = tpu.memref_squeeze %dma_wait3A_143 : memref<1x128x128xf32, #tpu.memory_space<hbm>> -> memref<128x128xf32, #tpu.memory_space<hbm>>
    %dma_wait3A_145 = arith.constant 0 : i32
    %dma_wait3A_146 = arith.constant 0 : i32
    %dma_wait3A_147 = tpu.memref_slice %arg4[%mul3A_2, %dma_wait3A_145, %dma_wait3A_146] : memref<2048x128x128xf32, #tpu.memory_space<hbm>> -> memref<1x128x128xf32, #tpu.memory_space<hbm>>
    %dma_wait3A_148 = tpu.memref_squeeze %dma_wait3A_147 : memref<1x128x128xf32, #tpu.memory_space<hbm>> -> memref<128x128xf32, #tpu.memory_space<hbm>>
    tpu.wait_dma2 semaphore(%arg15 : memref<!tpu.dma_semaphore, #tpu.memory_space<semaphore_mem>>) src(%arg9 : memref<128x128xf32, #tpu.memory_space<vmem>>) dst(%dma_wait3A_148 : memref<128x128xf32, #tpu.memory_space<hbm>>)
    %dma_wait3A_149 = arith.constant 0 : i32
    %dma_wait3A_150 = arith.constant 0 : i32
    %dma_wait3A_151 = tpu.memref_slice %arg4[%mul3A_2, %dma_wait3A_149, %dma_wait3A_150] : memref<2048x128x128xf32, #tpu.memory_space<hbm>> -> memref<1x128x128xf32, #tpu.memory_space<hbm>>
    %dma_wait3A_152 = tpu.memref_squeeze %dma_wait3A_151 : memref<1x128x128xf32, #tpu.memory_space<hbm>> -> memref<128x128xf32, #tpu.memory_space<hbm>>
    %dma_wait3A_153 = arith.constant 0 : i32
    %dma_wait3A_154 = arith.constant 0 : i32
    %dma_wait3A_155 = tpu.memref_slice %arg4[%mul3A_2, %dma_wait3A_153, %dma_wait3A_154] : memref<2048x128x128xf32, #tpu.memory_space<hbm>> -> memref<1x128x128xf32, #tpu.memory_space<hbm>>
    %dma_wait3A_156 = tpu.memref_squeeze %dma_wait3A_155 : memref<1x128x128xf32, #tpu.memory_space<hbm>> -> memref<128x128xf32, #tpu.memory_space<hbm>>
    tpu.wait_dma2 semaphore(%arg16 : memref<!tpu.dma_semaphore, #tpu.memory_space<semaphore_mem>>) src(%arg10 : memref<128x128xf32, #tpu.memory_space<vmem>>) dst(%dma_wait3A_156 : memref<128x128xf32, #tpu.memory_space<hbm>>)
    return
  }
}

module attributes {stable_mosaic.version = 14 : i64} {
  func.func @_table_kernel(%arg0: i32, %arg1: memref<1032x128xf32, #tpu.memory_space<vmem>>, %arg2: memref<128x128xf32, #tpu.memory_space<vmem>>, %arg3: memref<1x128xf32, #tpu.memory_space<vmem>>, %arg4: memref<1x1032x128xbf16, #tpu.memory_space<vmem>>) attributes {dimension_semantics = [#tpu.dimension_semantics<arbitrary>], iteration_bounds = array<i64: 4>, scalar_prefetch = 0 : i64, scratch_operands = 0 : i64, tpu.core_type = #tpu.core_type<tc>, window_params = [{pipeline_mode = #tpu.pipeline_mode<synchronous>, transform_indices = @transform_0, window_bounds = array<i64: 1032, 128>}, {transform_indices = @transform_1, window_bounds = array<i64: 128, 128>}, {pipeline_mode = #tpu.pipeline_mode<synchronous>, transform_indices = @transform_2, window_bounds = array<i64: 1, 128>}, {transform_indices = @transform_3, window_bounds = array<i64: 1, 1032, 128>}]} {
    %get3A = arith.constant 0 : index
    %get3A_0 = arith.constant 0 : index
    %get3A_1 = vector.load %arg1[%get3A, %get3A_0] : memref<1032x128xf32, #tpu.memory_space<vmem>>, vector<1032x128xf32>
    %get3A_2 = arith.constant 0 : index
    %get3A_3 = arith.constant 0 : index
    %get3A_4 = vector.load %arg2[%get3A_2, %get3A_3] : memref<128x128xf32, #tpu.memory_space<vmem>>, vector<128x128xf32>
    %dot_general3A = arith.constant dense<0.000000e+00> : vector<1032x128xf32>
    %dot_general3A_5 = tpu.matmul %get3A_1, %get3A_4, %dot_general3A {dimension_numbers = #tpu.dot_dimension_numbers<[1], [1], [0], [0], [0, 0, 1, 0], [], []>, transpose_lhs_hint = false} : vector<1032x128xf32>, vector<128x128xf32>, vector<1032x128xf32> -> vector<1032x128xf32>
    %get3A_6 = arith.constant 0 : index
    %get3A_7 = arith.constant 0 : index
    %get3A_8 = vector.load %arg3[%get3A_6, %get3A_7] : memref<1x128xf32, #tpu.memory_space<vmem>>, vector<1x128xf32>
    %mul3A = arith.constant 2.500000e-01 : f32
    %mul3A_9 = vector.broadcast %mul3A : f32 to vector<1x128xf32>
    %mul3A_10 = arith.mulf %mul3A_9, %get3A_8 : vector<1x128xf32>
    %add3A = vector.broadcast %mul3A_10 : vector<1x128xf32> to vector<1032x128xf32>
    %add3A_11 = arith.addf %dot_general3A_5, %add3A : vector<1032x128xf32>
    %convert_element_type3A = arith.truncf %add3A_11 : vector<1032x128xf32> to vector<1032x128xbf16>
    %swap3A = arith.constant 0 : index
    %swap3A_12 = arith.constant 0 : index
    %swap3A_13 = arith.constant 0 : index
    %swap3A_14 = vector.load %arg4[%swap3A, %swap3A_12, %swap3A_13] : memref<1x1032x128xbf16, #tpu.memory_space<vmem>>, vector<1x1032x128xbf16>
    %swap3A_15 = vector.shape_cast %swap3A_14 : vector<1x1032x128xbf16> to vector<1032x128xbf16>
    %swap3A_16 = vector.shape_cast %convert_element_type3A : vector<1032x128xbf16> to vector<1x1032x128xbf16>
    tpu.vector_store %arg4[%swap3A, %swap3A_12, %swap3A_13], %swap3A_16 {strides = array<i32>} : memref<1x1032x128xbf16, #tpu.memory_space<vmem>>, vector<1x1032x128xbf16>,
    return
  }
  func.func @transform_0(%arg0: i32) -> (i32, i32) {
    %c0_i32 = arith.constant 0 : i32
    %c0_i32_0 = arith.constant 0 : i32
    %c0_i32_1 = arith.constant 0 : i32
    return %c0_i32, %c0_i32_0 : i32, i32
  }
  func.func @transform_1(%arg0: i32) -> (i32, i32) {
    %c0_i32 = arith.constant 0 : i32
    %c0_i32_0 = arith.constant 0 : i32
    return %c0_i32, %arg0 : i32, i32
  }
  func.func @transform_2(%arg0: i32) -> (i32, i32) {
    %c0_i32 = arith.constant 0 : i32
    %c0_i32_0 = arith.constant 0 : i32
    %c0_i32_1 = arith.constant 0 : i32
    return %c0_i32, %c0_i32_0 : i32, i32
  }
  func.func @transform_3(%arg0: i32) -> (i32, i32, i32) {
    %c0_i32 = arith.constant 0 : i32
    %c0_i32_0 = arith.constant 0 : i32
    %c0_i32_1 = arith.constant 0 : i32
    return %arg0, %c0_i32, %c0_i32_0 : i32, i32, i32
  }
}

module attributes {stable_mosaic.version = 14 : i64} {
  func.func @_idx_kernel(%arg0: i32, %arg1: i32, %arg2: memref<1x1x256xi32, #tpu.memory_space<vmem>>, %arg3: memref<1x1x256xi32, #tpu.memory_space<vmem>>, %arg4: memref<1x1x256x256xi32, #tpu.memory_space<vmem>>) attributes {dimension_semantics = [#tpu.dimension_semantics<arbitrary>, #tpu.dimension_semantics<arbitrary>], iteration_bounds = array<i64: 4, 4>, scalar_prefetch = 0 : i64, scratch_operands = 0 : i64, tpu.core_type = #tpu.core_type<tc>, window_params = [{transform_indices = @transform_0, window_bounds = array<i64: 1, 1, 256>}, {transform_indices = @transform_1, window_bounds = array<i64: 1, 1, 256>}, {transform_indices = @transform_2, window_bounds = array<i64: 1, 1, 256, 256>}]} {
    %get3A = arith.constant 0 : index
    %get3A_0 = arith.constant 0 : index
    %get3A_1 = arith.constant 0 : index
    %get3A_2 = vector.load %arg2[%get3A, %get3A_0, %get3A_1] : memref<1x1x256xi32, #tpu.memory_space<vmem>>, vector<1x1x256xi32>
    %get3A_3 = vector.shape_cast %get3A_2 : vector<1x1x256xi32> to vector<256xi32>
    %get3A_4 = arith.constant 0 : index
    %get3A_5 = arith.constant 0 : index
    %get3A_6 = arith.constant 0 : index
    %get3A_7 = vector.load %arg3[%get3A_4, %get3A_5, %get3A_6] : memref<1x1x256xi32, #tpu.memory_space<vmem>>, vector<1x1x256xi32>
    %get3A_8 = vector.shape_cast %get3A_7 : vector<1x1x256xi32> to vector<256xi32>
    %lt3A = arith.constant 2 : i32
    %lt3A_9 = arith.cmpi slt, %arg0, %lt3A : i32
    %select_n3A = arith.select %lt3A_9, %get3A_3, %get3A_8 : vector<256xi32>
    %jit3A = arith.constant 2 : i32
    %eq3A = arith.constant 0 : i32
    %eq3A_10 = arith.cmpi eq, %jit3A, %eq3A : i32
    %jit3A_11 = arith.constant 1 : i32
    %select_n3A_12 = arith.select %eq3A_10, %jit3A_11, %jit3A : i32
    %rem3A = arith.remsi %arg0, %select_n3A_12 : i32
    %ne3A = arith.constant 0 : i32
    %ne3A_13 = arith.cmpi ne, %rem3A, %ne3A : i32
    %lt3A_14 = arith.constant 0 : i32
    %lt3A_15 = arith.cmpi slt, %rem3A, %lt3A_14 : i32
    %lt3A_16 = arith.constant 0 : i32
    %lt3A_17 = arith.cmpi slt, %select_n3A_12, %lt3A_16 : i32
    %ne3A_18 = arith.xori %lt3A_15, %lt3A_17 : i1
    %and3A = arith.andi %ne3A_18, %ne3A_13 : i1
    %add3A = arith.addi %rem3A, %select_n3A_12 : i32
    %select_n3A_19 = arith.select %and3A, %add3A, %rem3A : i32
    %eq3A_20 = arith.constant 0 : i32
    %eq3A_21 = arith.cmpi eq, %select_n3A_19, %eq3A_20 : i32
    %select_n3A_22 = arith.select %eq3A_21, %get3A_3, %get3A_8 : vector<256xi32>
    %mul3A = arith.constant 1032 : i32
    %mul3A_23 = arith.muli %arg0, %mul3A : i32
    %add3A_24 = arith.constant 512 : i32
    %add3A_25 = arith.addi %add3A_24, %mul3A_23 : i32
    %broadcast_in_dim3A = vector.shape_cast %select_n3A : vector<256xi32> to vector<256x1xi32>
    %broadcast_in_dim3A_26 = vector.broadcast %broadcast_in_dim3A : vector<256x1xi32> to vector<256x256xi32>
    %broadcast_in_dim3A_27 = vector.shape_cast %select_n3A_22 : vector<256xi32> to vector<1x256xi32>
    %broadcast_in_dim3A_28 = vector.broadcast %broadcast_in_dim3A_27 : vector<1x256xi32> to vector<256x256xi32>
    %sub3A = arith.subi %broadcast_in_dim3A_26, %broadcast_in_dim3A_28 : vector<256x256xi32>
    %add3A_29 = vector.broadcast %add3A_25 : i32 to vector<256x256xi32>
    %add3A_30 = arith.addi %sub3A, %add3A_29 : vector<256x256xi32>
    %swap3A = arith.constant 0 : index
    %swap3A_31 = arith.constant 0 : index
    %swap3A_32 = arith.constant 0 : index
    %swap3A_33 = arith.constant 0 : index
    %swap3A_34 = vector.load %arg4[%swap3A, %swap3A_31, %swap3A_32, %swap3A_33] : memref<1x1x256x256xi32, #tpu.memory_space<vmem>>, vector<1x1x256x256xi32>
    %swap3A_35 = vector.shape_cast %swap3A_34 : vector<1x1x256x256xi32> to vector<256x256xi32>
    %swap3A_36 = vector.shape_cast %add3A_30 : vector<256x256xi32> to vector<1x1x256x256xi32>
    tpu.vector_store %arg4[%swap3A, %swap3A_31, %swap3A_32, %swap3A_33], %swap3A_36 {strides = array<i32>} : memref<1x1x256x256xi32, #tpu.memory_space<vmem>>, vector<1x1x256x256xi32>,
    return
  }
  func.func @transform_0(%arg0: i32, %arg1: i32) -> (i32, i32, i32) {
    %c0_i32 = arith.constant 0 : i32
    %c0_i32_0 = arith.constant 0 : i32
    %c0_i32_1 = arith.constant 0 : i32
    return %arg1, %c0_i32, %c0_i32_0 : i32, i32, i32
  }
  func.func @transform_1(%arg0: i32, %arg1: i32) -> (i32, i32, i32) {
    %c0_i32 = arith.constant 0 : i32
    %c0_i32_0 = arith.constant 0 : i32
    %c0_i32_1 = arith.constant 0 : i32
    return %arg1, %c0_i32, %c0_i32_0 : i32, i32, i32
  }
  func.func @transform_2(%arg0: i32, %arg1: i32) -> (i32, i32, i32, i32) {
    %c0_i32 = arith.constant 0 : i32
    %c0_i32_0 = arith.constant 0 : i32
    %c0_i32_1 = arith.constant 0 : i32
    return %arg0, %arg1, %c0_i32, %c0_i32_0 : i32, i32, i32, i32
  }
}

</mosaic_0001>

<sc_bundles>
// kernel: kernel.5.cloned.1.call-start
scs
__scs_entry_jumppad:
0x0: {  	(pc) =	sbr.rel $0x88, $3  }
0x1: {  	(tag) =	ssettag $0x0;
	lr =	simm.s32 $0x1  }
0x2: {  	[smem:$0x3F9C] =	sst lr;
	_ =	strace $0xD0000000  }
0x3: {  	_ = 	snop  }
0x4: {  	_ = 	snop  }
0x5: {  	_ = 	snop  }
0x6: {  	_ = 	snop  }
0x7: {  	_ = 	snop  }
__scs_overlays_trampoline_lowered:
0x8: {  	[smem:$0x3FAB] =	sst s0  }
0x9: {  	[smem:$0x3FAC] =	sst s1  }
0xa: {  	[smem:$0x3FAD] =	sst s2  }
0xb: {  	[smem:$0x3FAE] =	sst s3  }
0xc: {  	[smem:$0x3FAF] =	sst s4  }
0xd: {  	[smem:$0x3FB0] =	sst s5  }
0xe: {  	[smem:$0x3FB1] =	sst s6  }
0xf: {  	[smem:$0x3FB2] =	sst s7  }
0x10: {  	[smem:$0x3FB3] =	sst s8  }
0x11: {  	[smem:$0x3FB4] =	sst s9;
	s0 =	simm.s32 @!p0 $0x0  }
0x12: {  	s1 =	sld [smem:$0x3F9A];
	s0 =	simm.s32 @p0 $0x1  }
0x13: {  	[smem:$0x3FB5] =	sst s0;
	s0 =	simm.s32 @!p1 $0x0  }
0x14: {  	s2 =	sld [smem:$0x3F99];
	s0 =	simm.s32 @p1 $0x1  }
0x15: {  	[smem:$0x3FB6] =	sst s0;
	s0 =	simm.s32 @!p2 $0x0  }
0x16: {  	s3 =	sld [smem:$0x3FDB];
	s0 =	simm.s32 @p2 $0x1  }
0x17: {  	s4 =	simm.s32 $0x1BF5;
	[smem:$0x3FB8] =	sst s0  }
0x18: {  	s0 =	sld [smem:$0x3F9B];
	_ =	swait.ge [sflag:s4], $0x0  }
0x19: {  	s7 =	sld [smem:$0x3F9C]  }
0x1a: {  	s8 =	sadd.s32 $0xFFFFE003, lr  }
0x1b: {  	s9 =	sadd.s32 $0xFFFFFEF7, lr;
	s5 =	simm.s32 $0xFFFFFFFF;
	p2 =	slt.u32 s8, $0xFFFFF086  }
0x1c: {  	p1 =	slt.u32 s9, $0xF7A;
	s5 =	simm.s32 @!p2 $0x0  }
0x1d: {  	s5 =	simm.s32 @p1 $0x1;
	p0 =	seq.s32 s7, s2  }
0x1e: {  	s7 =	smul.u32 @!p0 $0xF7A, s2;
	p2 =	seq.s32 @!p0 s5, $0x0  }
0x1f: {  	s9 =	smul.u32 $0xF7A, s1;
	s8 =	simm.s32 @!p0 $0x1BF5;
	p2 =	por !p2, p0  }
0x20: {  	[sflag:s8] =	ssyncset.s32 @!p0 $0xFFFFF086;
	s6 =	sadd.s32 @!p0 s3, s7;
	s7 =	simm.s32 @!p0 $0x108  }
0x21: {  	s3 =	sadd.s32 s3, s9;
	s6 =	sadd.s32 @!p0 $0x88, s6;
	s7 =	simm.s32 @p2 $0x1082  }
0x22: {  	[simem:s7], [sflag:s8] =	dma.local @!p0 [hbm:s6], $0xF7A  }
0x23: {  	s9 =	sor.u32 $0xD0000000, s2;
	s6 =	simm.s32 $0x108;
	_ =	swait.ge @!p0 [sflag:s8], $0x0  }
0x24: {  	s3 =	sadd.s32 $0x88, s3;
	s6 =	simm.s32 @!p1 $0x1082;
	[sflag:s4] =	ssyncset.s32 $0xFFFFF086  }
0x25: {  	[simem:s6], [sflag:s4] =	dma.local [hbm:s3], $0xF7A  }
0x26: {  	[smem:$0x3F9C] =	sst s1;
	(tag) =	ssettag s2;
	_ =	strace s9  }
0x27: {  	s1 =	sld [smem:$0x3FAC]  }
0x28: {  	s2 =	sld [smem:$0x3FAD]  }
0x29: {  	s4 =	sld [smem:$0x3FAF]  }
0x2a: {  	p0 =	seq.s32 s5, $0x0;
	s5 =	sld [smem:$0x3FB0]  }
0x2b: {  	s6 =	sld [smem:$0x3FB1]  }
0x2c: {  	s7 =	sld [smem:$0x3FB2]  }
0x2d: {  	s3 =	simm.s32 $0x108;
	s8 =	sld [smem:$0x3FB3]  }
0x2e: {  	s3 =	simm.s32 @!p0 $0x1082;
	s9 =	sld [smem:$0x3FB4]  }
0x2f: {  	lr =	sadd.s32 s0, s3;
	s0 =	sld [smem:$0x3FAB]  }
0x30: {  	s3 =	sld [smem:$0x3FAE]  }
0x31: {  	[smem:$0x3FB7] =	sst s10  }
0x32: {  	s10 =	sld [smem:$0x3FB5];
	_ =	sdelay $0x3  }
0x33: {  	p0 =	seq.s32 s10, $0x1;
	s10 =	sld [smem:$0x3FB7];
	_ =	sdelay $0x3  }
0x34: {  	[smem:$0x3FB7] =	sst s10  }
0x35: {  	s10 =	sld [smem:$0x3FB6];
	_ =	sdelay $0x3  }
0x36: {  	p1 =	seq.s32 s10, $0x1;
	s10 =	sld [smem:$0x3FB7];
	_ =	sdelay $0x3  }
0x37: {  	[smem:$0x3FB7] =	sst s10  }
0x38: {  	s10 =	sld [smem:$0x3FB8]  }
0x39: {  	_ = 	snop;
	(pc) =	sbr.ind lr, $3  }
0x3a: {  	_ = 	snop  }
0x3b: {  	_ = 	snop  }
0x3c: {  	p2 =	seq.s32 s10, $0x1;
	s10 =	sld [smem:$0x3FB7]  }
0x3d: {  	_ =	shalt  }
0x3e: {  	_ =	shalt  }
0x3f: {  	_ =	shalt  }
0x40: {  	_ =	shalt  }
0x41: {  	_ =	shalt  }
0x42: {  	_ =	shalt  }
0x43: {  	_ =	shalt  }
0x44: {  	_ =	shalt  }
0x45: {  	_ =	shalt  }
0x46: {  	_ =	shalt  }
0x47: {  	_ =	shalt  }
0x48: {  	_ =	shalt  }
0x49: {  	_ =	shalt  }
0x4a: {  	_ =	shalt  }
0x4b: {  	_ =	shalt  }
0x4c: {  	_ =	shalt  }
0x4d: {  	_ =	shalt  }
0x4e: {  	_ =	shalt  }
0x4f: {  	_ =	shalt  }
0x50: {  	_ =	shalt  }
0x51: {  	_ =	shalt  }
0x52: {  	_ =	shalt  }
0x53: {  	_ =	shalt  }
0x54: {  	_ =	shalt  }
0x55: {  	_ =	shalt  }
0x56: {  	_ =	shalt  }
0x57: {  	_ =	shalt  }
0x58: {  	_ =	shalt  }
0x59: {  	_ =	shalt  }
0x5a: {  	_ =	shalt  }
0x5b: {  	_ =	shalt  }
0x5c: {  	_ =	shalt  }
0x5d: {  	_ =	shalt  }
0x5e: {  	_ =	shalt  }
0x5f: {  	_ =	shalt  }
0x60: {  	_ =	shalt  }
0x61: {  	_ =	shalt  }
0x62: {  	_ =	shalt  }
0x63: {  	_ =	shalt  }
0x64: {  	_ =	shalt  }
0x65: {  	_ =	shalt  }
0x66: {  	_ =	shalt  }
0x67: {  	_ =	shalt  }
0x68: {  	_ =	shalt  }
0x69: {  	_ =	shalt  }
0x6a: {  	_ =	shalt  }
0x6b: {  	_ =	shalt  }
0x6c: {  	_ =	shalt  }
0x6d: {  	_ =	shalt  }
0x6e: {  	_ =	shalt  }
0x6f: {  	_ =	shalt  }
0x70: {  	_ =	shalt  }
0x71: {  	_ =	shalt  }
0x72: {  	_ =	shalt  }
0x73: {  	_ =	shalt  }
0x74: {  	_ =	shalt  }
0x75: {  	_ =	shalt  }
0x76: {  	_ =	shalt  }
0x77: {  	_ =	shalt  }
0x78: {  	_ =	shalt  }
0x79: {  	_ =	shalt  }
0x7a: {  	_ =	shalt  }
0x7b: {  	_ =	shalt  }
0x7c: {  	_ =	shalt  }
0x7d: {  	_ =	shalt  }
0x7e: {  	_ =	shalt  }
0x7f: {  	_ =	shalt  }
0x80: {  	_ =	shalt  }
0x81: {  	_ =	shalt  }
0x82: {  	_ =	shalt  }
0x83: {  	_ =	shalt  }
0x84: {  	_ =	shalt  }
0x85: {  	_ =	shalt  }
0x86: {  	_ =	shalt  }
0x87: {  	_ =	shalt  }
.Lfunc_end0:
.L_simem_size_0:
called_computation_lowered:
.L_overlay_start_0:
0x88: {  	s2 =	sld [smem:$0x3FD9]  }
0x89: {  	s3 =	sld [smem:$0x3FFE];
	_ =	sdelay $0x1  }
0x8a: {  	s1 =	srdreg.scid  }
0x8b: {  	s0 =	sand.u32 $0x1, s1  }
0x8c: {  	s17 =	sshll.u32 s0, $0xA;
	s2 =	sadd.s32 s3, s2  }
0x8d: {  	s2 =	sadd.s32 s2, s17  }
0x8e: {  	[smem:$0x3FC3] =	sst s2  }
0x8f: {  	_ = 	snop  }
0x90: {  	s2 =	sld [smem:$0x3FD0];
	(tm) =	ssettm $0x1  }
0x91: {  	s18 =	sld [smem:$0x3FFB];
	_ =	sdelay $0x3  }
0x92: {  	_ =	strace s18  }
0x93: {  	s3 =	sld [smem:$0x3FFC];
	_ =	sdelay $0x3  }
0x94: {  	_ =	strace s3  }
0x95: {  	s3 =	sld [smem:$0x3FFD];
	_ =	sdelay $0x3  }
0x96: {  	_ =	strace s3  }
0x97: {  	_ =	strace $0x8FFFFFFF  }
0x98: {  	s19 =	sld [smem:$0x3FDB];
	_ =	sdelay $0x1  }
0x99: {  	s4 =	simm.s32 $_scs_section_size  }
0x9a: {  	s5 =	simm.s32 $_size__tile_overlayer_lowered;
	s6 =	simm.s32 $_tile_overlayer_lowered  }
0x9b: {  	s22 =	simm.s32 $0x1BFF;
	s21 =	sshll.u32 s6, $0x1;
	s3 =	sadd.s32 s4, s19  }
0x9c: {  	s7 =	simm.s32 $0x0;
	s20 =	sshll.u32 s5, $0x1;
	s5 =	sadd.s32 s21, s3  }
0x9d: {  	[timem:s7], [sflag:s22] =	dma.local [hbm:s5], s20  }
0x9e: {  	_ =	swait.ge [sflag:s22], s20  }
0x9f: {  	s4 =	ssub.s32 $0x0, s20;
	[sflag:s22] =	ssyncset.done $0x0  }
0xa0: {  	[sflag:s22] =	ssyncadd.s32 s4;
	_ =	sdelay $0x1  }
0xa1: {  	s23 =	simm.s32 $0x1B8B  }
0xa2: {  	_ =	swait.ge [sflag:s23], $0x1  }
0xa3: {  	[sflag:s23] =	ssyncset.done $0x0  }
0xa4: {  	s25 =	simm.s32 $0x1B8E;
	s24 =	sld [smem:$0x3FFE];
	[sflag:s23] =	ssyncadd.s32 $0xFFFFFFFF  }
0xa5: {  	s26 =	simm.s32 $execute0_lowered;
	[smem:$0x3FD2] =	sst s25  }
0xa6: {  	s5 =	sshll.u32 s26, $0x1;
	_ =	strace $0x80000046;
	[dreg:$0x1] =	wrdreg $0xFFFFFFFF  }
0xa7: {  	s28 =	simm.s32 $_size_execute0_lowered;
	s3 =	sadd.s32 s3, s5;
	[dreg:$0x0] =	wrdreg $0x0  }
0xa8: {  	s5 =	sshll.u32 s28, $0x1;
	[dreg:$0x2] =	wrdreg s3  }
0xa9: {  	[dreg:$0x3] =	wrdreg s5  }
0xaa: {  	[dreg:$0x4] =	wrdreg $0xC0  }
0xab: {  	_ =	task [dreg:s7], $0x5FFFF  }
0xac: {  	[dreg:$0x1] =	wrdreg $0xFFFFFFFF  }
0xad: {  	[dreg:$0x0] =	wrdreg $0x60  }
0xae: {  	[dreg:$0x2] =	wrdreg s24  }
0xaf: {  	[dreg:$0x3] =	wrdreg s2  }
0xb0: {  	[dreg:$0x4] =	wrdreg $0x9  }
0xb1: {  	_ =	task.clear_ibuf [dreg:s7], $0x5FFFF;
	_ =	strace $0x90000046  }
0xb2: {  	s29 =	simm.s32 $0x9;
	_ =	strace $0x80000048  }
0xb3: {  	_ =	swait.ge [sflag:s29], $0x1  }
0xb4: {  	[sflag:s29] =	ssyncadd.s32 $0xFFFFFFFF  }
0xb5: {  	_ =	strace $0x90000048  }
0xb6: {  	_ =	sfence  }
0xb7: {  	s30 =	sld [smem:$0x0];
	_ =	sdelay $0x2  }
0xb8: {  	s31 =	sshll.u32 s1, $0xD;
	s1 =	sshrl.u32 s1, $0x2  }
0xb9: {  	s3 =	sand.u32 $0x4000, s31;
	s1 =	sadd.s32 s1, s30  }
0xba: {  	s0 =	sor.u32 s3, s0;
	s1 =	sshll.u32 s1, $0x11  }
0xbb: {  	s0 =	sor.u32 s1, s0  }
0xbc: {  	s0 =	sadd.s32 $0x8F2B, s0  }
0xbd: {  	[sflag:s0] =	ssyncadd.remote.s32 $0x1  }
0xbe: {  	_ =	sfence.sel $0xFFFF  }
0xbf: {  	[dreg:$0x0] =	wrdreg $0xFFFFFFFF;
	(pc) =	sbr.abs _section_cstart, $3  }
0xc0: {  	[dreg:$0x1] =	wrdreg $0xFFFFFFFF  }
0xc1: {  	_ =	task.clear_ibuf [dreg:s7], $0x2FFFF;
	_ =	strace $0x9FFFFFFF  }
0xc2: {  	(tm) =	ssettm $0x7FFFFFFF  }
0xc3: {  	_ =	shalt  }
tec
execute0_lowered:
.L_overlay_start_1:
0x0: {  	(tag) =	ssettag $0x1  }
0x1: {  	s0 =	rddreg [dreg:$0x0]  }
0x2: {  	s2 =	rddreg [dreg:$0x1];
	s1 =	srdreg.scid;
	s3 =	simm.s32 $0x0  }
0x3: {  	s4 =	stileid.u32;
	s12 =	simm.s32 $0x80;
	s13 =	simm.s32 $0x40000  }
0x4: {  	s14 =	simm.s32 $0x200;
	s15 =	simm.s32 $0x1;
	s16 =	simm.s32 $0x400  }
0x5: {  	s17 =	simm.s32 $0x2400;
	s18 =	simm.s32 $0x100;
	s19 =	simm.s32 $0x4400  }
0x6: {  	s20 =	simm.s32 $0x180;
	s21 =	simm.s32 $0x6400;
	s22 =	simm.s32 $0x3  }
0x7: {  	s23 =	simm.s32 $0x2;
	s30 =	simm.s32 $0x380;
	s31 =	simm.s32 $0xE400  }
0x8: {  	s8 =	simm.s32 $0x14400;
	s24 =	simm.s32 $0x0;
	s1 =	sand.u32 $0x1, s1  }
0x9: {  	[smem:$0x7FF] =	sst s3;
	s4 =	sshll.u32 s4, $0x7;
	s5 =	sshll.u32 s1, $0x6  }
0xa: {  	s6 =	sadd.s32 $0x400, s0;
	s1 =	ssub.s32 $0x2, s1;
	s4 =	sor.u32 s5, s4  }
0xb: {  	s5 =	sadd.s32 $0x8600, s0;
	s28 =	sshrl.u32 s1, $0x1;
	s7 =	sshll.u32 s4, $0x4  }
0xc: {  	_ =	strace $0x80000047;
	s0 =	ssub.s32 s1, s28;
	s7 =	sadd.s32 s5, s7  }
0xd: {  	s9 =	sor.u32 $0x2, s4;
	s0 =	smax.u32 s0, $0x1;
	[dreg:$0x3] =	wrdreg s7  }
0xe: {  	s10 =	sor.u32 $0x3, s4;
	s29 =	sadd.s32 $0x10, s7;
	[dreg:$0x5] =	wrdreg s0  }
0xf: {  	s1 =	simm.s32 $0x4;
	s0 =	simm.s32 $0x10400;
	[dreg:$0x4] =	wrdreg s29  }
.LBB2_1:
0x10: {  	[dreg:$0x6] =	wrdreg s24  }
0x11: {  	s7 =	rddreg [dreg:$0x3]  }
0x12: {  	[tilespmem:s3], [sflag:$0x1] =	stream.strided.gather [hbm4b:s7+s12], $0x200, s13, s12, $0x38;
	[tilespmem:$0x18400] =	vst v63  }
0x13: {  	s29 =	rddreg [dreg:$0x4]  }
0x14: {  	[tilespmem:s14], [sflag:$0x2] =	stream.strided.gather [hbm4b:s29+s12], $0x200, s13, s12, $0x38;
	[tilespmem:$0x18400] =	vst v63  }
0x15: {  	_ =	swait.ge [sflag:s15], $0x200  }
0x16: {  	[sflag:s15] =	ssyncset.done $0x0  }
0x17: {  	[sflag:s15] =	ssyncadd.s32 $0xFFFFFE00  }
0x18: {  	[tilespmem:s16], [sflag:$0x3] =	stream.indirect.gather [hbm4b:s6+s12], $0x40, s3, s12, $0xb8;
	[tilespmem:$0x18400] =	vst v63  }
0x19: {  	_ = 	snop  }
0x1a: {  	[tilespmem:s17], [sflag:$0x3] =	stream.indirect.gather [hbm4b:s6+s12], $0x40, s12, s12, $0xb8;
	[tilespmem:$0x18400] =	vst v63  }
0x1b: {  	_ = 	snop  }
0x1c: {  	[tilespmem:s19], [sflag:$0x3] =	stream.indirect.gather [hbm4b:s6+s12], $0x40, s18, s12, $0xb8;
	[tilespmem:$0x18400] =	vst v63  }
0x1d: {  	s7 =	simm.s32 $0x0  }
0x1e: {  	[tilespmem:s21], [sflag:$0x3] =	stream.indirect.gather [hbm4b:s6+s12], $0x40, s20, s12, $0xb8;
	[tilespmem:$0x18400] =	vst v63  }
.LBB2_2:
0x1f: {  	_ =	swait.ge [sflag:s22], $0x2000  }
0x20: {  	[sflag:s22] =	ssyncset.done $0x0  }
0x21: {  	[sflag:s22] =	ssyncadd.s32 $0xFFFFE000  }
0x22: {  	_ =	swait.ge [sflag:s22], $0x2000  }
0x23: {  	[sflag:s22] =	ssyncset.done $0x0  }
0x24: {  	[sflag:s22] =	ssyncadd.s32 $0xFFFFE000  }
0x25: {  	_ =	swait.ge [sflag:s22], $0x2000  }
0x26: {  	s11 =	sshll.u32 s7, $0x1;
	[sflag:s22] =	ssyncset.done $0x0  }
0x27: {  	s24 =	smin.u32 s11, $0x3D;
	[sflag:s22] =	ssyncadd.s32 $0xFFFFE000  }
0x28: {  	s24 =	sadd.s32 s24, s9;
	_ =	swait.ge [sflag:s22], $0x2000  }
0x29: {  	s24 =	sshll.u32 s24, $0x4;
	[sflag:s22] =	ssyncset.done $0x0  }
0x2a: {  	s24 =	sadd.s32 s5, s24;
	[sflag:s22] =	ssyncadd.s32 $0xFFFFE000  }
0x2b: {  	[tilespmem:s3], [sflag:$0x1] =	stream.strided.gather [hbm4b:s24+s12], $0x200, s13, s12, $0x38;
	[tilespmem:$0x18400] =	vst v63  }
0x2c: {  	_ =	swait.ge [sflag:s23], $0x200  }
0x2d: {  	[sflag:s23] =	ssyncset.done $0x0  }
0x2e: {  	s25 =	simm.s32 $0x8400;
	[sflag:s23] =	ssyncadd.s32 $0xFFFFFE00  }
0x2f: {  	[tilespmem:s25], [sflag:$0x4] =	stream.indirect.gather [hbm4b:s6+s12], $0x40, s14, s12, $0xb8;
	[tilespmem:$0x18400] =	vst v63  }
0x30: {  	s26 =	simm.s32 $0x280;
	s25 =	simm.s32 $0xA400  }
0x31: {  	[tilespmem:s25], [sflag:$0x4] =	stream.indirect.gather [hbm4b:s6+s12], $0x40, s26, s12, $0xb8;
	[tilespmem:$0x18400] =	vst v63  }
0x32: {  	p0 =	seq.s32 s7, $0x0;
	s25 =	simm.s32 $0x300;
	s26 =	simm.s32 $0xC400  }
0x33: {  	[tilespmem:s26], [sflag:$0x4] =	stream.indirect.gather [hbm4b:s6+s12], $0x40, s25, s12, $0xb8;
	[tilespmem:$0x18400] =	vst v63  }
0x34: {  	s24 =	simm.s32 @!p0 $0x5  }
0x35: {  	[tilespmem:s31], [sflag:$0x4] =	stream.indirect.gather [hbm4b:s6+s12], $0x40, s30, s12, $0xb8;
	[tilespmem:$0x18400] =	vst v63  }
0x36: {  	_ =	swait.ge @!p0 [sflag:s24], $0x4000  }
0x37: {  	[sflag:s24] =	ssyncset.done @!p0 $0x0  }
0x38: {  	s28 =	simm.s32 $0x64F0;
	[sflag:s24] =	ssyncadd.s32 @!p0 $0xFFFFC000  }
0x39: {  	v0 =	vld [tilespmem:s28+$0xFFFF9FD0]  }
0x3a: {  	v1 =	vld [tilespmem:s28+$0xFFFFBFD0];
	_ =	sdelay $0x1  }
0x3b: {  	v2 =	vld [tilespmem:s28+$0xFFFFDFD0];
	_ =	sdelay $0x1  }
0x3c: {  	v3 =	vld [tilespmem:s28+$0xFFFFFFD0]  }
0x3d: {  	v4 =	vshll.u32 v0, $0x10;
	v5 =	vshll.u32 v1, $0x10  }
0x3e: {  	v0 =	vand.u32 $0xFFFF0000, v0;
	v1 =	vand.u32 $0xFFFF0000, v1;
	v4 =	vadd.f32 v5, v4  }
0x3f: {  	v6 =	vshll.u32 v2, $0x10;
	v0 =	vadd.f32 v1, v0  }
0x40: {  	v2 =	vand.u32 $0xFFFF0000, v2;
	v5 =	vld [tilespmem:s28+$0xFFFFBF10];
	v4 =	vadd.f32 v6, v4  }
0x41: {  	v7 =	vshll.u32 v3, $0x10;
	v1 =	vld [tilespmem:s28+$0xFFFF9F50];
	v0 =	vadd.f32 v2, v0  }
0x42: {  	v3 =	vand.u32 $0xFFFF0000, v3;
	v6 =	vld [tilespmem:s28+$0xFFFFBF50];
	v4 =	vadd.f32 v7, v4  }
0x43: {  	v2 =	vld [tilespmem:s28+$0xFFFF9F90];
	v0 =	vadd.f32 v3, v0  }
0x44: {  	s24 =	simm.s32 $0x10500;
	v3 =	vld [tilespmem:s28+$0xFFFF9F10];
	v4 =	vmax.f32 v4, $0.0e+00  }
0x45: {  	v7 =	vld [tilespmem:s28+$0xFFFFBF90];
	v0 =	vmax.f32 v0, $0.0e+00;
	[tilespmem:s24+$0x80] =	vst v4  }
0x46: {  	v8 =	vshll.u32 v1, $0x10;
	v4 =	vld [tilespmem:s28+$0xFFFFDF10];
	[tilespmem:s24+$0x90] =	vst v0  }
0x47: {  	v1 =	vand.u32 $0xFFFF0000, v1;
	v0 =	vshll.u32 v5, $0x10;
	v5 =	vand.u32 $0xFFFF0000, v5;
	v9 =	vld [tilespmem:s28+$0xFFFF9FE0]  }
0x48: {  	v10 =	vshll.u32 v6, $0x10;
	v6 =	vand.u32 $0xFFFF0000, v6;
	v13 =	vshll.u32 v2, $0x10;
	v11 =	vld [tilespmem:s28+$0xFFFFBFE0]  }
0x49: {  	v2 =	vand.u32 $0xFFFF0000, v2;
	v1 =	vadd.f32 v6, v1;
	v6 =	vld [tilespmem:s28+$0xFFFFFFE0];
	v15 =	vshll.u32 v3, $0x10  }
0x4a: {  	v14 =	vshll.u32 v7, $0x10;
	v3 =	vand.u32 $0xFFFF0000, v3;
	v0 =	vadd.f32 v0, v15;
	v15 =	vld [tilespmem:s28+$0xFFFFDFE0]  }
0x4b: {  	v7 =	vand.u32 $0xFFFF0000, v7;
	v3 =	vadd.f32 v5, v3;
	v5 =	vadd.f32 v10, v8  }
0x4c: {  	v8 =	vadd.f32 v14, v13;
	v2 =	vadd.f32 v7, v2;
	v16 =	vshll.u32 v4, $0x10  }
0x4d: {  	v12 =	vld [tilespmem:s28+$0xFFFFDF50];
	v4 =	vand.u32 $0xFFFF0000, v4;
	v10 =	vshll.u32 v9, $0x10;
	v13 =	vshll.u32 v11, $0x10  }
0x4e: {  	v14 =	vld [tilespmem:s28+$0xFFFFFF10];
	v9 =	vand.u32 $0xFFFF0000, v9;
	v11 =	vand.u32 $0xFFFF0000, v11;
	v10 =	vadd.f32 v13, v10  }
0x4f: {  	v7 =	vshll.u32 v6, $0x10;
	v9 =	vadd.f32 v11, v9;
	v17 =	vshll.u32 v15, $0x10  }
0x50: {  	v0 =	vadd.f32 v16, v0;
	v11 =	vld [tilespmem:s28+$0xFFFFDF90];
	v15 =	vand.u32 $0xFFFF0000, v15;
	v10 =	vadd.f32 v17, v10  }
0x51: {  	v6 =	vand.u32 $0xFFFF0000, v6;
	v3 =	vadd.f32 v4, v3;
	v9 =	vadd.f32 v15, v9  }
0x52: {  	v13 =	vshll.u32 v12, $0x10;
	v12 =	vand.u32 $0xFFFF0000, v12;
	v15 =	vld [tilespmem:s28+$0xFFFFFF50];
	v7 =	vadd.f32 v7, v10  }
0x53: {  	v5 =	vadd.f32 v13, v5;
	v10 =	vshll.u32 v14, $0x10;
	v4 =	vadd.f32 v6, v9  }
0x54: {  	v6 =	vld [tilespmem:s28+$0xFFFFFF90];
	v9 =	vand.u32 $0xFFFF0000, v14;
	v0 =	vadd.f32 v10, v0;
	v7 =	vmax.f32 v7, $0.0e+00  }
0x55: {  	v10 =	vshll.u32 v11, $0x10;
	v3 =	vadd.f32 v9, v3;
	v4 =	vmax.f32 v4, $0.0e+00;
	[tilespmem:s24+$0xA0] =	vst v7  }
0x56: {  	v1 =	vadd.f32 v12, v1;
	v8 =	vadd.f32 v10, v8;
	v0 =	vmax.f32 v0, $0.0e+00;
	[tilespmem:s24+$0xB0] =	vst v4  }
0x57: {  	v7 =	vand.u32 $0xFFFF0000, v11;
	v4 =	vshll.u32 v15, $0x10;
	v3 =	vmax.f32 v3, $0.0e+00;
	[tilespmem:s24+$0xFFFFFF00] =	vst v0;
	v0 =	vld [tilespmem:s28+$0xFFFF9FF0]  }
0x58: {  	v9 =	vand.u32 $0xFFFF0000, v15;
	v4 =	vadd.f32 v4, v5;
	[tilespmem:s24+$0xFFFFFF10] =	vst v3;
	v3 =	vld [tilespmem:s28+$0xFFFFBFF0];
	v2 =	vadd.f32 v7, v2  }
0x59: {  	v1 =	vadd.f32 v9, v1;
	v5 =	vshll.u32 v6, $0x10;
	v7 =	vld [tilespmem:s28+$0xFFFF9F20];
	v6 =	vand.u32 $0xFFFF0000, v6  }
0x5a: {  	v5 =	vadd.f32 v5, v8;
	v4 =	vmax.f32 v4, $0.0e+00;
	v8 =	vld [tilespmem:s28+$0xFFFFDFF0];
	v2 =	vadd.f32 v6, v2  }
0x5b: {  	v1 =	vmax.f32 v1, $0.0e+00;
	[tilespmem:s24+$0xFFFFFF80] =	vst v4;
	v4 =	vld [tilespmem:s28+$0xFFFFBF20]  }
0x5c: {  	[tilespmem:s24+$0xFFFFFF90] =	vst v1;
	v1 =	vld [tilespmem:s28+$0xFFFFFFF0];
	v5 =	vmax.f32 v5, $0.0e+00;
	v2 =	vmax.f32 v2, $0.0e+00  }
0x5d: {  	[tilespmem:s24+$0x0] =	vst v5;
	v5 =	vld [tilespmem:s28+$0xFFFF9F60];
	v6 =	vshll.u32 v0, $0x10;
	v9 =	vshll.u32 v3, $0x10;
	v0 =	vand.u32 $0xFFFF0000, v0  }
0x5e: {  	[tilespmem:s24+$0x10] =	vst v2;
	v2 =	vld [tilespmem:s28+$0xFFFFBF60];
	v3 =	vand.u32 $0xFFFF0000, v3;
	v6 =	vadd.f32 v9, v6;
	v9 =	vshll.u32 v7, $0x10  }
0x5f: {  	v10 =	vld [tilespmem:s28+$0xFFFF9FA0];
	v0 =	vadd.f32 v3, v0;
	v7 =	vand.u32 $0xFFFF0000, v7;
	v11 =	vshll.u32 v8, $0x10  }
0x60: {  	v12 =	vld [tilespmem:s28+$0xFFFFBFA0];
	v8 =	vand.u32 $0xFFFF0000, v8;
	v3 =	vshll.u32 v4, $0x10;
	v6 =	vadd.f32 v11, v6  }
0x61: {  	v13 =	vld [tilespmem:s28+$0xFFFFDF20];
	v11 =	vshll.u32 v1, $0x10;
	v0 =	vadd.f32 v8, v0;
	v4 =	vand.u32 $0xFFFF0000, v4  }
0x62: {  	v1 =	vand.u32 $0xFFFF0000, v1;
	v3 =	vadd.f32 v3, v9;
	v4 =	vadd.f32 v4, v7  }
0x63: {  	v6 =	vadd.f32 v11, v6;
	v8 =	vshll.u32 v5, $0x10;
	v11 =	vshll.u32 v2, $0x10  }
0x64: {  	v14 =	vld [tilespmem:s28+$0xFFFFDF60];
	v0 =	vadd.f32 v1, v0;
	v1 =	vand.u32 $0xFFFF0000, v5;
	v2 =	vand.u32 $0xFFFF0000, v2  }
0x65: {  	v9 =	vld [tilespmem:s28+$0xFFFFFF20];
	v15 =	vshll.u32 v10, $0x10;
	v16 =	vshll.u32 v12, $0x10;
	v7 =	vadd.f32 v11, v8  }
0x66: {  	v5 =	vld [tilespmem:s28+$0xFFFFDFA0];
	v11 =	vand.u32 $0xFFFF0000, v13;
	v1 =	vadd.f32 v2, v1;
	v6 =	vmax.f32 v6, $0.0e+00  }
0x67: {  	v0 =	vmax.f32 v0, $0.0e+00;
	v2 =	vadd.f32 v16, v15;
	v4 =	vadd.f32 v11, v4;
	[tilespmem:s24+$0xC0] =	vst v6  }
0x68: {  	v15 =	vld [tilespmem:s28+$0xFFFFFF60];
	v6 =	vand.u32 $0xFFFF0000, v10;
	v10 =	vand.u32 $0xFFFF0000, v12;
	[tilespmem:s24+$0xD0] =	vst v0;
	v0 =	vshll.u32 v13, $0x10  }
0x69: {  	v13 =	vshll.u32 v14, $0x10;
	v14 =	vand.u32 $0xFFFF0000, v14;
	v8 =	vld [tilespmem:s28+$0xFFFFA000];
	v6 =	vadd.f32 v10, v6  }
0x6a: {  	v12 =	vld [tilespmem:s28+$0xFFFFC000];
	v0 =	vadd.f32 v0, v3;
	v7 =	vadd.f32 v13, v7;
	v11 =	vshll.u32 v9, $0x10  }
0x6b: {  	v10 =	vld [tilespmem:s28+$0xFFFFFFA0];
	v1 =	vadd.f32 v14, v1;
	v9 =	vand.u32 $0xFFFF0000, v9;
	v3 =	vshll.u32 v5, $0x10  }
0x6c: {  	v5 =	vand.u32 $0xFFFF0000, v5;
	v4 =	vadd.f32 v9, v4;
	v0 =	vadd.f32 v11, v0  }
0x6d: {  	s25 =	simm.s32 $0x65F0;
	v2 =	vadd.f32 v3, v2;
	v3 =	vld [tilespmem:s28+$0xFFFFE000];
	v5 =	vadd.f32 v5, v6  }
0x6e: {  	v19 =	vld [tilespmem:s25+$0xFFFF9F10];
	v13 =	vshll.u32 v15, $0x10;
	v14 =	vand.u32 $0xFFFF0000, v15;
	v0 =	vmax.f32 v0, $0.0e+00  }
0x6f: {  	v34 =	vld [tilespmem:s25+$0xFFFFFF50];
	v7 =	vadd.f32 v13, v7;
	v1 =	vadd.f32 v14, v1;
	v6 =	vand.u32 $0xFFFF0000, v8  }
0x70: {  	v9 =	vld [tilespmem:s28+$0x0];
	v11 =	vand.u32 $0xFFFF0000, v12;
	[tilespmem:s24+$0xFFFFFF20] =	vst v0;
	v0 =	vmax.f32 v4, $0.0e+00;
	v4 =	vshll.u32 v10, $0x10  }
0x71: {  	v17 =	vld [tilespmem:s25+$0xFFFF9F90];
	v10 =	vand.u32 $0xFFFF0000, v10;
	v6 =	vadd.f32 v11, v6;
	[tilespmem:s24+$0xFFFFFF30] =	vst v0;
	v2 =	vadd.f32 v4, v2  }
0x72: {  	v4 =	vmax.f32 v7, $0.0e+00;
	v5 =	vadd.f32 v10, v5;
	v0 =	vand.u32 $0xFFFF0000, v3;
	v7 =	vld [tilespmem:s28+$0xFFFF9F30]  }
0x73: {  	v1 =	vmax.f32 v1, $0.0e+00;
	v0 =	vadd.f32 v0, v6;
	v6 =	vld [tilespmem:s28+$0xFFFFBF30]  }
0x74: {  	[tilespmem:s24+$0xFFFFFFB0] =	vst v1;
	v1 =	vmax.f32 v5, $0.0e+00;
	v5 =	vshll.u32 v12, $0x10;
	v12 =	vld [tilespmem:s28+$0xFFFFFF30]  }
0x75: {  	v24 =	vshll.u32 v19, $0x10;
	[tilespmem:s24+$0xFFFFFFA0] =	vst v4;
	v4 =	vand.u32 $0xFFFF0000, v9;
	v10 =	vld [tilespmem:s28+$0xFFFFDF30];
	v2 =	vmax.f32 v2, $0.0e+00  }
0x76: {  	v19 =	vand.u32 $0xFFFF0000, v19;
	v41 =	vshll.u32 v34, $0x10;
	[tilespmem:s24+$0x20] =	vst v2;
	v0 =	vadd.f32 v4, v0;
	v4 =	vld [tilespmem:s28+$0xFFFF9F70]  }
0x77: {  	v21 =	vshll.u32 v17, $0x10;
	v17 =	vand.u32 $0xFFFF0000, v17;
	v2 =	vshll.u32 v8, $0x10;
	v8 =	vld [tilespmem:s28+$0xFFFFBF70];
	[tilespmem:s24+$0x30] =	vst v1  }
0x78: {  	v1 =	vadd.f32 v5, v2;
	v2 =	vld [tilespmem:s28+$0xFFFF9FB0];
	v5 =	vshll.u32 v7, $0x10;
	v7 =	vand.u32 $0xFFFF0000, v7  }
0x79: {  	v11 =	vshll.u32 v6, $0x10;
	v6 =	vand.u32 $0xFFFF0000, v6;
	v16 =	vshll.u32 v12, $0x10  }
0x7a: {  	v13 =	vld [tilespmem:s28+$0xFFFFBFB0];
	v5 =	vadd.f32 v11, v5;
	v11 =	vshll.u32 v10, $0x10;
	v6 =	vadd.f32 v6, v7  }
0x7b: {  	v14 =	vld [tilespmem:s28+$0xFFFFDF70];
	v7 =	vand.u32 $0xFFFF0000, v10;
	v10 =	vshll.u32 v4, $0x10;
	v4 =	vand.u32 $0xFFFF0000, v4  }
0x7c: {  	v5 =	vadd.f32 v11, v5;
	v11 =	vshll.u32 v8, $0x10;
	v8 =	vand.u32 $0xFFFF0000, v8  }
0x7d: {  	v15 =	vld [tilespmem:s28+$0xFFFFDFB0];
	v6 =	vadd.f32 v7, v6;
	v10 =	vadd.f32 v11, v10;
	v11 =	vshll.u32 v2, $0x10  }
0x7e: {  	v4 =	vadd.f32 v8, v4;
	v8 =	vand.u32 $0xFFFF0000, v12;
	v5 =	vadd.f32 v16, v5  }
0x7f: {  	v7 =	vld [tilespmem:s28+$0xFFFFFF70];
	v2 =	vand.u32 $0xFFFF0000, v2;
	v16 =	vshll.u32 v13, $0x10;
	v6 =	vadd.f32 v8, v6  }
0x80: {  	v12 =	vld [tilespmem:s28+$0xFFFFFFB0];
	v13 =	vand.u32 $0xFFFF0000, v13;
	v8 =	vshll.u32 v14, $0x10;
	v5 =	vmax.f32 v5, $0.0e+00  }
0x81: {  	v11 =	vadd.f32 v16, v11;
	v2 =	vadd.f32 v13, v2;
	[tilespmem:s24+$0xFFFFFF40] =	vst v5;
	v5 =	vmax.f32 v6, $0.0e+00  }
0x82: {  	v13 =	vand.u32 $0xFFFF0000, v14;
	v14 =	vand.u32 $0xFFFF0000, v15;
	v8 =	vadd.f32 v8, v10;
	[tilespmem:s24+$0xFFFFFF50] =	vst v5  }
0x83: {  	v4 =	vadd.f32 v13, v4;
	v6 =	vshll.u32 v15, $0x10;
	v2 =	vadd.f32 v14, v2;
	v10 =	vld [tilespmem:s28+$0xFFFF9F40]  }
0x84: {  	v5 =	vadd.f32 v6, v11;
	v6 =	vshll.u32 v7, $0x10;
	v7 =	vand.u32 $0xFFFF0000, v7;
	v13 =	vld [tilespmem:s28+$0xFFFFBF40]  }
0x85: {  	v11 =	vshll.u32 v12, $0x10;
	v12 =	vand.u32 $0xFFFF0000, v12;
	v6 =	vadd.f32 v6, v8;
	v8 =	vld [tilespmem:s25+$0xFFFFBFD0]  }
0x86: {  	v3 =	vshll.u32 v3, $0x10;
	v4 =	vadd.f32 v7, v4;
	v7 =	vld [tilespmem:s25+$0xFFFF9FD0];
	v2 =	vadd.f32 v12, v2  }
0x87: {  	v0 =	vmax.f32 v0, $0.0e+00;
	v1 =	vadd.f32 v3, v1;
	v5 =	vadd.f32 v11, v5  }
0x88: {  	v6 =	vmax.f32 v6, $0.0e+00;
	v12 =	vmax.f32 v2, $0.0e+00;
	v2 =	vshll.u32 v9, $0x10;
	v9 =	vld [tilespmem:s25+$0xFFFFDFD0]  }
0x89: {  	v14 =	vld [tilespmem:s25+$0xFFFF9F50];
	v1 =	vadd.f32 v2, v1;
	v2 =	vshll.u32 v10, $0x10;
	v3 =	vshll.u32 v13, $0x10  }
0x8a: {  	v15 =	vld [tilespmem:s25+$0xFFFFFFD0];
	v10 =	vand.u32 $0xFFFF0000, v10;
	v13 =	vand.u32 $0xFFFF0000, v13;
	v16 =	vshll.u32 v8, $0x10  }
0x8b: {  	v2 =	vadd.f32 v3, v2;
	v3 =	vadd.f32 v13, v10;
	v13 =	vshll.u32 v7, $0x10  }
0x8c: {  	v11 =	vld [tilespmem:s25+$0xFFFFBF10];
	v8 =	vand.u32 $0xFFFF0000, v8;
	v7 =	vand.u32 $0xFFFF0000, v7;
	v13 =	vadd.f32 v16, v13  }
0x8d: {  	v4 =	vmax.f32 v4, $0.0e+00;
	v18 =	vshll.u32 v9, $0x10;
	v7 =	vadd.f32 v8, v7  }
0x8e: {  	v5 =	vmax.f32 v5, $0.0e+00;
	v10 =	vld [tilespmem:s25+$0xFFFFBF50];
	v9 =	vand.u32 $0xFFFF0000, v9;
	v13 =	vadd.f32 v18, v13  }
0x8f: {  	v29 =	vshll.u32 v15, $0x10;
	v20 =	vshll.u32 v14, $0x10;
	v16 =	vld [tilespmem:s25+$0xFFFFBF90];
	v7 =	vadd.f32 v9, v7  }
0x90: {  	v15 =	vand.u32 $0xFFFF0000, v15;
	v14 =	vand.u32 $0xFFFF0000, v14;
	v9 =	vld [tilespmem:s25+$0xFFFFDF10];
	v13 =	vadd.f32 v29, v13  }
0x91: {  	v22 =	vld [tilespmem:s25+$0xFFFFDF90];
	[tilespmem:s24+$0x40] =	vst v5;
	v5 =	vand.u32 $0xFFFF0000, v34;
	v8 =	vshll.u32 v11, $0x10;
	v7 =	vadd.f32 v15, v7  }
0x92: {  	s26 =	simm.s32 $0x10700;
	v11 =	vand.u32 $0xFFFF0000, v11;
	v8 =	vadd.f32 v8, v24;
	v15 =	vld [tilespmem:s25+$0xFFFFDF50];
	v13 =	vmax.f32 v13, $0.0e+00  }
0x93: {  	v11 =	vadd.f32 v11, v19;
	v30 =	vshll.u32 v10, $0x10;
	v7 =	vmax.f32 v7, $0.0e+00;
	[tilespmem:s26+$0x80] =	vst v13  }
0x94: {  	v10 =	vand.u32 $0xFFFF0000, v10;
	v23 =	vshll.u32 v16, $0x10;
	v18 =	vadd.f32 v30, v20;
	v13 =	vld [tilespmem:s25+$0xFFFFFF10];
	[tilespmem:s26+$0x90] =	vst v7  }
0x95: {  	v10 =	vadd.f32 v10, v14;
	v7 =	vand.u32 $0xFFFF0000, v16;
	v16 =	vshll.u32 v9, $0x10;
	v31 =	vld [tilespmem:s25+$0xFFFF9FE0]  }
0x96: {  	v9 =	vand.u32 $0xFFFF0000, v9;
	v14 =	vld [tilespmem:s25+$0xFFFFBFE0];
	v7 =	vadd.f32 v7, v17;
	v8 =	vadd.f32 v16, v8  }
0x97: {  	v16 =	vshll.u32 v22, $0x10;
	v22 =	vand.u32 $0xFFFF0000, v22;
	v33 =	vshll.u32 v15, $0x10  }
0x98: {  	v17 =	vld [tilespmem:s25+$0xFFFFDFE0];
	v9 =	vadd.f32 v9, v11;
	v15 =	vand.u32 $0xFFFF0000, v15;
	v11 =	vadd.f32 v33, v18  }
0x99: {  	v1 =	vmax.f32 v1, $0.0e+00;
	v10 =	vadd.f32 v15, v10;
	v7 =	vadd.f32 v22, v7  }
0x9a: {  	v15 =	vld [tilespmem:s25+$0xFFFFFFE0];
	v35 =	vshll.u32 v13, $0x10;
	v13 =	vand.u32 $0xFFFF0000, v13;
	v11 =	vadd.f32 v41, v11  }
0x9b: {  	[tilespmem:s24+$0xFFFFFFC0] =	vst v6;
	v6 =	vld [tilespmem:s25+$0xFFFFFF90];
	v5 =	vadd.f32 v5, v10;
	v36 =	vshll.u32 v31, $0x10;
	v37 =	vshll.u32 v14, $0x10  }
0x9c: {  	[tilespmem:s24+$0xFFFFFFD0] =	vst v4;
	v38 =	vand.u32 $0xFFFF0000, v31;
	v14 =	vand.u32 $0xFFFF0000, v14;
	v4 =	vadd.f32 v37, v36  }
0x9d: {  	[tilespmem:s24+$0x50] =	vst v12;
	v39 =	vld [tilespmem:s28+$0xFFFF9F80];
	v40 =	vshll.u32 v17, $0x10;
	v17 =	vand.u32 $0xFFFF0000, v17;
	v14 =	vadd.f32 v14, v38  }
0x9e: {  	v43 =	vld [tilespmem:s28+$0xFFFF9FC0];
	v9 =	vadd.f32 v13, v9;
	v5 =	vmax.f32 v5, $0.0e+00;
	v4 =	vadd.f32 v40, v4  }
0x9f: {  	v12 =	vld [tilespmem:s28+$0xFFFFBF80];
	v42 =	vshll.u32 v15, $0x10;
	v15 =	vand.u32 $0xFFFF0000, v15;
	v14 =	vadd.f32 v17, v14  }
0xa0: {  	v10 =	vld [tilespmem:s28+$0xFFFFDF80];
	v17 =	vshll.u32 v6, $0x10;
	v6 =	vand.u32 $0xFFFF0000, v6;
	v4 =	vadd.f32 v42, v4  }
0xa1: {  	v13 =	vld [tilespmem:s28+$0xFFFFDF40];
	[tilespmem:s26+$0xFFFFFF90] =	vst v5;
	v6 =	vadd.f32 v6, v7;
	v7 =	vmax.f32 v11, $0.0e+00;
	v14 =	vadd.f32 v15, v14  }
0xa2: {  	v32 =	vadd.f32 v23, v21;
	v41 =	vld [tilespmem:s28+$0xFFFFDFC0];
	v8 =	vadd.f32 v35, v8;
	[tilespmem:s26+$0xFFFFFF80] =	vst v7;
	v4 =	vmax.f32 v4, $0.0e+00  }
0xa3: {  	v44 =	vshll.u32 v39, $0x10;
	v20 =	vand.u32 $0xFFFF0000, v43;
	v15 =	vld [tilespmem:s28+$0xFFFFBFC0];
	[tilespmem:s26+$0xA0] =	vst v4;
	v4 =	vmax.f32 v14, $0.0e+00  }
0xa4: {  	v16 =	vadd.f32 v16, v32;
	v8 =	vmax.f32 v8, $0.0e+00;
	v11 =	vshll.u32 v12, $0x10;
	v56 =	vld [tilespmem:s25+$0xFFFFDF60];
	[tilespmem:s26+$0xB0] =	vst v4  }
0xa5: {  	[tilespmem:s26+$0xFFFFFF00] =	vst v8;
	v12 =	vand.u32 $0xFFFF0000, v12;
	v11 =	vadd.f32 v11, v44;
	v4 =	vmax.f32 v9, $0.0e+00;
	v8 =	vld [tilespmem:s25+$0xFFFF9FF0]  }
0xa6: {  	v22 =	vshll.u32 v13, $0x10;
	v14 =	vadd.f32 v17, v16;
	[tilespmem:s26+$0xFFFFFF10] =	vst v4;
	v4 =	vmax.f32 v6, $0.0e+00;
	v6 =	vld [tilespmem:s25+$0xFFFFBFF0]  }
0xa7: {  	v13 =	vand.u32 $0xFFFF0000, v13;
	v22 =	vadd.f32 v22, v2;
	v17 =	vshll.u32 v43, $0x10;
	v46 =	vld [tilespmem:s25+$0xFFFFDFF0]  }
0xa8: {  	v9 =	vmax.f32 v14, $0.0e+00;
	v14 =	vand.u32 $0xFFFF0000, v39;
	v45 =	vshll.u32 v15, $0x10;
	v16 =	vld [tilespmem:s25+$0xFFFF9F20]  }
0xa9: {  	v15 =	vand.u32 $0xFFFF0000, v15;
	v47 =	vld [tilespmem:s25+$0xFFFFBF20];
	v12 =	vadd.f32 v12, v14;
	v7 =	vadd.f32 v45, v17  }
0xaa: {  	v14 =	vld [tilespmem:s25+$0xFFFFFFF0];
	v17 =	vshll.u32 v10, $0x10;
	v15 =	vadd.f32 v15, v20;
	[tilespmem:s26+$0x10] =	vst v4;
	v4 =	vand.u32 $0xFFFF0000, v10  }
0xab: {  	[tilespmem:s26+$0x0] =	vst v9;
	v9 =	vld [tilespmem:s25+$0xFFFF9F60];
	v62 =	vshll.u32 v56, $0x10;
	v24 =	vand.u32 $0xFFFF0000, v56;
	v5 =	vshll.u32 v8, $0x10  }
0xac: {  	v55 =	vld [tilespmem:s25+$0xFFFFDF20];
	v48 =	vshll.u32 v6, $0x10;
	v8 =	vand.u32 $0xFFFF0000, v8;
	v6 =	vand.u32 $0xFFFF0000, v6  }
0xad: {  	v27 =	vld [tilespmem:s25+$0xFFFFFF20];
	v49 =	vshll.u32 v46, $0x10;
	v51 =	vand.u32 $0xFFFF0000, v46;
	v46 =	vand.u32 $0xFFFF0000, v41  }
0xae: {  	v50 =	vld [tilespmem:s25+$0xFFFF9FA0];
	v5 =	vadd.f32 v48, v5;
	v6 =	vadd.f32 v6, v8;
	v8 =	vshll.u32 v16, $0x10  }
0xaf: {  	v53 =	vld [tilespmem:s25+$0xFFFFBFA0];
	v52 =	vshll.u32 v47, $0x10;
	v54 =	vshll.u32 v14, $0x10;
	v16 =	vand.u32 $0xFFFF0000, v16  }
0xb0: {  	v14 =	vand.u32 $0xFFFF0000, v14;
	v21 =	vand.u32 $0xFFFF0000, v47;
	v25 =	vshll.u32 v9, $0x10  }
0xb1: {  	v26 =	vld [tilespmem:s25+$0xFFFFDFA0];
	v9 =	vand.u32 $0xFFFF0000, v9;
	v58 =	vshll.u32 v55, $0x10;
	v18 =	vand.u32 $0xFFFF0000, v55  }
0xb2: {  	v60 =	vld [tilespmem:s25+$0xFFFFFFA0];
	v33 =	vshll.u32 v27, $0x10;
	v34 =	vand.u32 $0xFFFF0000, v27;
	v5 =	vadd.f32 v49, v5  }
0xb3: {  	v10 =	vld [tilespmem:s25+$0xFFFFBF60];
	v48 =	vadd.f32 v13, v3;
	v28 =	vshll.u32 v50, $0x10;
	v6 =	vadd.f32 v51, v6  }
0xb4: {  	v29 =	vshll.u32 v53, $0x10;
	v8 =	vadd.f32 v52, v8;
	v5 =	vadd.f32 v54, v5  }
0xb5: {  	v57 =	vand.u32 $0xFFFF0000, v50;
	v16 =	vadd.f32 v21, v16;
	v6 =	vadd.f32 v14, v6  }
0xb6: {  	v63 =	vshll.u32 v26, $0x10;
	v26 =	vand.u32 $0xFFFF0000, v26;
	v5 =	vmax.f32 v5, $0.0e+00  }
0xb7: {  	v39 =	vshll.u32 v60, $0x10;
	v8 =	vadd.f32 v58, v8;
	[tilespmem:s26+$0xC0] =	vst v5;
	v5 =	vmax.f32 v6, $0.0e+00  }
0xb8: {  	v61 =	vadd.f32 v29, v28;
	v16 =	vadd.f32 v18, v16;
	v14 =	vshll.u32 v10, $0x10;
	v6 =	vld [tilespmem:s25+$0xFFFFFF60];
	[tilespmem:s26+$0xD0] =	vst v5  }
0xb9: {  	v10 =	vand.u32 $0xFFFF0000, v10;
	v14 =	vadd.f32 v14, v25;
	v8 =	vadd.f32 v33, v8;
	v59 =	vld [tilespmem:s25+$0xFFFFA000]  }
0xba: {  	v9 =	vadd.f32 v10, v9;
	v16 =	vadd.f32 v34, v16;
	v5 =	vand.u32 $0xFFFF0000, v53;
	v10 =	vld [tilespmem:s25+$0xFFFFC000]  }
0xbb: {  	v19 =	vadd.f32 v63, v61;
	v8 =	vmax.f32 v8, $0.0e+00;
	v5 =	vadd.f32 v5, v57;
	v32 =	vld [tilespmem:s25+$0xFFFFE000]  }
0xbc: {  	v14 =	vadd.f32 v62, v14;
	v9 =	vadd.f32 v24, v9;
	[tilespmem:s26+$0xFFFFFF20] =	vst v8;
	v8 =	vmax.f32 v16, $0.0e+00;
	v35 =	vld [tilespmem:s25+$0x0]  }
0xbd: {  	v16 =	vadd.f32 v39, v19;
	[tilespmem:s26+$0xFFFFFF30] =	vst v8;
	v5 =	vadd.f32 v26, v5;
	v38 =	vshll.u32 v6, $0x10  }
0xbe: {  	v23 =	vand.u32 $0xFFFF0000, v60;
	v44 =	vld [tilespmem:s25+$0xFFFF9F30];
	v6 =	vand.u32 $0xFFFF0000, v6;
	v14 =	vadd.f32 v38, v14  }
0xbf: {  	v16 =	vmax.f32 v16, $0.0e+00;
	v45 =	vld [tilespmem:s25+$0xFFFFBF30];
	v6 =	vadd.f32 v6, v9;
	v5 =	vadd.f32 v23, v5  }
0xc0: {  	v43 =	vld [tilespmem:s28+$0xFFFFFF80];
	v36 =	vand.u32 $0xFFFF0000, v59;
	v37 =	vand.u32 $0xFFFF0000, v10;
	v40 =	vand.u32 $0xFFFF0000, v32  }
0xc1: {  	v52 =	vld [tilespmem:s25+$0xFFFFFF30];
	v21 =	vshll.u32 v59, $0x10;
	v42 =	vand.u32 $0xFFFF0000, v35;
	v8 =	vmax.f32 v14, $0.0e+00  }
0xc2: {  	v9 =	vld [tilespmem:s28+$0xFFFFFF40];
	v10 =	vshll.u32 v10, $0x10;
	v20 =	vshll.u32 v32, $0x10;
	v6 =	vmax.f32 v6, $0.0e+00;
	[tilespmem:s26+$0xFFFFFFA0] =	vst v8  }
0xc3: {  	v47 =	vld [tilespmem:s25+$0xFFFFDF30];
	v25 =	vadd.f32 v37, v36;
	v23 =	vmax.f32 v5, $0.0e+00;
	v5 =	vadd.f32 v17, v11;
	[tilespmem:s26+$0xFFFFFFB0] =	vst v6  }
0xc4: {  	[tilespmem:s26+$0x20] =	vst v16;
	v11 =	vand.u32 $0xFFFF0000, v44;
	v13 =	vshll.u32 v45, $0x10;
	v8 =	vadd.f32 v10, v21;
	v2 =	vld [tilespmem:s25+$0xFFFF9F70]  }
0xc5: {  	v10 =	vshll.u32 v41, $0x10;
	v6 =	vadd.f32 v4, v12;
	[tilespmem:s26+$0x30] =	vst v23;
	v25 =	vadd.f32 v40, v25;
	v3 =	vld [tilespmem:s25+$0xFFFFBF70]  }
0xc6: {  	v60 =	vshll.u32 v52, $0x10;
	v4 =	vadd.f32 v10, v7;
	v7 =	vadd.f32 v46, v15;
	v12 =	vld [tilespmem:s25+$0xFFFF9FB0]  }
0xc7: {  	v10 =	vshll.u32 v44, $0x10;
	v15 =	vand.u32 $0xFFFF0000, v45;
	v49 =	vld [tilespmem:s25+$0xFFFFBFB0];
	v16 =	vshll.u32 v9, $0x10  }
0xc8: {  	v50 =	vld [tilespmem:s25+$0xFFFFDF70];
	v17 =	vand.u32 $0xFFFF0000, v9;
	v8 =	vadd.f32 v20, v8;
	v10 =	vadd.f32 v13, v10  }
0xc9: {  	v23 =	vld [tilespmem:s25+$0xFFFFDFB0];
	v13 =	vshll.u32 v47, $0x10;
	v11 =	vadd.f32 v15, v11;
	v18 =	vadd.f32 v42, v25  }
0xca: {  	v54 =	vld [tilespmem:s25+$0xFFFFFF70];
	v9 =	vshll.u32 v43, $0x10;
	v15 =	vand.u32 $0xFFFF0000, v47;
	v10 =	vadd.f32 v13, v10  }
0xcb: {  	v11 =	vadd.f32 v15, v11;
	v15 =	vand.u32 $0xFFFF0000, v52;
	v14 =	vmax.f32 v18, $0.0e+00  }
0xcc: {  	v55 =	vld [tilespmem:s25+$0xFFFFFFB0];
	v51 =	vshll.u32 v2, $0x10;
	v2 =	vand.u32 $0xFFFF0000, v2;
	v13 =	vshll.u32 v3, $0x10  }
0xcd: {  	v3 =	vand.u32 $0xFFFF0000, v3;
	v53 =	vshll.u32 v12, $0x10;
	v12 =	vand.u32 $0xFFFF0000, v12  }
0xce: {  	v18 =	vand.u32 $0xFFFF0000, v49;
	v56 =	vshll.u32 v50, $0x10;
	v57 =	vand.u32 $0xFFFF0000, v50  }
0xcf: {  	v58 =	vshll.u32 v23, $0x10;
	v59 =	vand.u32 $0xFFFF0000, v23;
	v61 =	vshll.u32 v54, $0x10  }
0xd0: {  	v62 =	vand.u32 $0xFFFF0000, v54;
	v10 =	vadd.f32 v60, v10;
	v11 =	vadd.f32 v15, v11  }
0xd1: {  	[tilespmem:s24+$0xE0] =	vst v1;
	v63 =	vld [tilespmem:s28+$0xFFFFFFC0];
	v1 =	vand.u32 $0xFFFF0000, v55;
	v15 =	vadd.f32 v16, v22;
	v13 =	vadd.f32 v13, v51  }
0xd2: {  	v2 =	vadd.f32 v3, v2;
	v3 =	vshll.u32 v49, $0x10;
	v12 =	vadd.f32 v18, v12  }
0xd3: {  	v3 =	vadd.f32 v3, v53;
	v10 =	vmax.f32 v10, $0.0e+00;
	v13 =	vadd.f32 v56, v13  }
0xd4: {  	[tilespmem:s24+$0xF0] =	vst v0;
	v2 =	vadd.f32 v57, v2;
	v0 =	vadd.f32 v59, v12;
	v12 =	vshll.u32 v55, $0x10  }
0xd5: {  	[tilespmem:s26+$0xFFFFFF40] =	vst v10;
	v10 =	vmax.f32 v11, $0.0e+00;
	v3 =	vadd.f32 v58, v3;
	v13 =	vadd.f32 v61, v13  }
0xd6: {  	v11 =	vshll.u32 v63, $0x10;
	[tilespmem:s26+$0xFFFFFF50] =	vst v10;
	v10 =	vshll.u32 v35, $0x10;
	v2 =	vadd.f32 v62, v2  }
0xd7: {  	[tilespmem:s26+$0xF0] =	vst v14;
	v1 =	vadd.f32 v1, v0;
	v12 =	vadd.f32 v12, v3;
	v13 =	vmax.f32 v13, $0.0e+00  }
0xd8: {  	v0 =	vld [tilespmem:s25+$0xFFFF9F40];
	v3 =	vand.u32 $0xFFFF0000, v43;
	v14 =	vmax.f32 v2, $0.0e+00;
	v2 =	vand.u32 $0xFFFF0000, v63;
	[tilespmem:s26+$0xFFFFFFC0] =	vst v13  }
0xd9: {  	s29 =	simm.s32 $0x66F0;
	s28 =	simm.s32 $0x4;
	v12 =	vmax.f32 v12, $0.0e+00;
	v13 =	vmax.f32 v1, $0.0e+00;
	v1 =	vld [tilespmem:s25+$0xFFFFBF40];
	[tilespmem:s26+$0xFFFFFFD0] =	vst v14;
	v14 =	vadd.f32 v17, v48  }
.LBB2_3:
0xda: {  	v16 =	vld [tilespmem:s29+$0xFFFF9FD0];
	[tilespmem:s26+$0x40] =	vst v12;
	v5 =	vadd.f32 v9, v5;
	v3 =	vadd.f32 v3, v6  }
0xdb: {  	v4 =	vadd.f32 v11, v4;
	v2 =	vadd.f32 v2, v7;
	v6 =	vld [tilespmem:s29+$0xFFFFBFD0];
	[tilespmem:s26+$0x50] =	vst v13;
	v9 =	vmax.f32 v15, $0.0e+00  }
0xdc: {  	v8 =	vadd.f32 v10, v8;
	v7 =	vld [tilespmem:s29+$0xFFFFBF10];
	[tilespmem:s24+$0xFFFFFF60] =	vst v9;
	v9 =	vmax.f32 v14, $0.0e+00;
	v5 =	vmax.f32 v5, $0.0e+00  }
0xdd: {  	v3 =	vmax.f32 v3, $0.0e+00;
	v10 =	vld [tilespmem:s29+$0xFFFFDFD0];
	v11 =	vshll.u32 v0, $0x10;
	v12 =	vand.u32 $0xFFFF0000, v0;
	[tilespmem:s24+$0xFFFFFF70] =	vst v9  }
0xde: {  	v4 =	vmax.f32 v4, $0.0e+00;
	v9 =	vld [tilespmem:s29+$0xFFFF9F50];
	v0 =	vshll.u32 v1, $0x10;
	v1 =	vand.u32 $0xFFFF0000, v1;
	[tilespmem:s24+$0xFFFFFFE0] =	vst v5  }
0xdf: {  	v2 =	vmax.f32 v2, $0.0e+00;
	v5 =	vld [tilespmem:s29+$0xFFFFFFD0];
	v0 =	vadd.f32 v0, v11;
	v1 =	vadd.f32 v1, v12;
	[tilespmem:s24+$0xFFFFFFF0] =	vst v3  }
0xe0: {  	v8 =	vmax.f32 v8, $0.0e+00;
	v11 =	vshll.u32 v16, $0x10;
	v3 =	vld [tilespmem:s29+$0xFFFFBF50];
	v12 =	vshll.u32 v6, $0x10;
	[tilespmem:s24+$0x60] =	vst v4  }
0xe1: {  	s28 =	sadd.s32 $0x4, s28;
	v6 =	vand.u32 $0xFFFF0000, v6;
	v4 =	vld [tilespmem:s29+$0xFFFF9F90];
	v11 =	vadd.f32 v12, v11;
	v12 =	vand.u32 $0xFFFF0000, v16;
	[tilespmem:s24+$0x70] =	vst v2;
	s24 =	smov.u32 s26  }
0xe2: {  	p1 =	slt.u32 s28, $0x7C;
	v2 =	vshll.u32 v7, $0x10;
	v13 =	vld [tilespmem:s29+$0xFFFFBF90];
	v14 =	vshll.u32 v10, $0x10;
	v6 =	vadd.f32 v6, v12;
	[tilespmem:s26+$0xE0] =	vst v8  }
0xe3: {  	v7 =	vand.u32 $0xFFFF0000, v7;
	v10 =	vand.u32 $0xFFFF0000, v10;
	v8 =	vld [tilespmem:s29+$0xFFFF9F10];
	v11 =	vadd.f32 v14, v11  }
0xe4: {  	v14 =	vshll.u32 v9, $0x10;
	v12 =	vld [tilespmem:s29+$0xFFFFDF10];
	v15 =	vshll.u32 v5, $0x10;
	v6 =	vadd.f32 v10, v6  }
0xe5: {  	v5 =	vand.u32 $0xFFFF0000, v5;
	v10 =	vld [tilespmem:s29+$0xFFFFDF50];
	v16 =	vshll.u32 v3, $0x10;
	v11 =	vadd.f32 v15, v11  }
0xe6: {  	v9 =	vand.u32 $0xFFFF0000, v9;
	v3 =	vand.u32 $0xFFFF0000, v3;
	v15 =	vld [tilespmem:s29+$0xFFFFDF90];
	v5 =	vadd.f32 v5, v6  }
0xe7: {  	s26 =	sadd.s32 $0x200, s26;
	v17 =	vshll.u32 v4, $0x10;
	v6 =	vld [tilespmem:s29+$0xFFFFFF10];
	v18 =	vshll.u32 v13, $0x10;
	v11 =	vmax.f32 v11, $0.0e+00  }
0xe8: {  	v19 =	vshll.u32 v8, $0x10;
	v8 =	vand.u32 $0xFFFF0000, v8;
	v20 =	vld [tilespmem:s29+$0xFFFFFF50];
	[tilespmem:s26+$0x80] =	vst v11;
	v5 =	vmax.f32 v5, $0.0e+00  }
0xe9: {  	v4 =	vand.u32 $0xFFFF0000, v4;
	v13 =	vand.u32 $0xFFFF0000, v13;
	v2 =	vadd.f32 v2, v19;
	v11 =	vld [tilespmem:s29+$0xFFFFFF90];
	[tilespmem:s26+$0x90] =	vst v5  }
0xea: {  	v5 =	vshll.u32 v12, $0x10;
	v7 =	vadd.f32 v7, v8;
	v8 =	vadd.f32 v16, v14;
	v14 =	vld [tilespmem:s29+$0xFFFF9FE0]  }
0xeb: {  	v3 =	vadd.f32 v3, v9;
	v9 =	vadd.f32 v18, v17;
	v12 =	vand.u32 $0xFFFF0000, v12;
	v16 =	vld [tilespmem:s29+$0xFFFFBFE0]  }
0xec: {  	v4 =	vadd.f32 v13, v4;
	v17 =	vshll.u32 v10, $0x10;
	v10 =	vand.u32 $0xFFFF0000, v10;
	v13 =	vld [tilespmem:s25+$0xFFFF9F80]  }
0xed: {  	v2 =	vadd.f32 v5, v2;
	v5 =	vshll.u32 v15, $0x10;
	v15 =	vand.u32 $0xFFFF0000, v15;
	v18 =	vld [tilespmem:s29+$0xFFFFDFE0]  }
0xee: {  	v7 =	vadd.f32 v12, v7;
	v8 =	vadd.f32 v17, v8;
	v19 =	vshll.u32 v6, $0x10;
	v12 =	vld [tilespmem:s25+$0xFFFFBF80]  }
0xef: {  	v10 =	vadd.f32 v10, v3;
	v6 =	vand.u32 $0xFFFF0000, v6;
	v9 =	vadd.f32 v5, v9;
	v3 =	vld [tilespmem:s29+$0xFFFFFFE0]  }
0xf0: {  	v15 =	vadd.f32 v15, v4;
	v4 =	vshll.u32 v14, $0x10;
	v5 =	vshll.u32 v16, $0x10;
	v17 =	vld [tilespmem:s25+$0xFFFF9FC0]  }
0xf1: {  	v4 =	vadd.f32 v5, v4;
	v5 =	vand.u32 $0xFFFF0000, v14;
	v14 =	vand.u32 $0xFFFF0000, v16;
	v16 =	vld [tilespmem:s25+$0xFFFFBFC0]  }
0xf2: {  	v21 =	vshll.u32 v20, $0x10;
	v22 =	vshll.u32 v18, $0x10;
	v5 =	vadd.f32 v14, v5;
	v14 =	vld [tilespmem:s25+$0xFFFFDF40]  }
0xf3: {  	v20 =	vand.u32 $0xFFFF0000, v20;
	v18 =	vand.u32 $0xFFFF0000, v18;
	v4 =	vadd.f32 v22, v4;
	v22 =	vld [tilespmem:s25+$0xFFFFDF80]  }
0xf4: {  	v23 =	vshll.u32 v11, $0x10;
	v24 =	vshll.u32 v3, $0x10;
	v18 =	vadd.f32 v18, v5;
	v5 =	vld [tilespmem:s25+$0xFFFFDFC0]  }
0xf5: {  	v11 =	vand.u32 $0xFFFF0000, v11;
	v3 =	vand.u32 $0xFFFF0000, v3;
	v24 =	vadd.f32 v24, v4;
	v4 =	vld [tilespmem:s25+$0xFFFFFF40]  }
0xf6: {  	v19 =	vadd.f32 v19, v2;
	v25 =	vshll.u32 v13, $0x10;
	v18 =	vadd.f32 v3, v18;
	v3 =	vld [tilespmem:s25+$0xFFFFFF80]  }
0xf7: {  	v6 =	vadd.f32 v6, v7;
	v7 =	vadd.f32 v21, v8;
	v8 =	vmax.f32 v24, $0.0e+00;
	v2 =	vld [tilespmem:s25+$0xFFFFFFC0];
	s25 =	smov.u32 s29  }
0xf8: {  	v10 =	vadd.f32 v20, v10;
	v9 =	vadd.f32 v23, v9;
	[tilespmem:s26+$0xA0] =	vst v8;
	v8 =	vmax.f32 v18, $0.0e+00  }
0xf9: {  	v6 =	vmax.f32 v6, $0.0e+00;
	v11 =	vadd.f32 v11, v15;
	v18 =	vmax.f32 v19, $0.0e+00;
	[tilespmem:s26+$0xB0] =	vst v8  }
0xfa: {  	v7 =	vmax.f32 v7, $0.0e+00;
	v9 =	vmax.f32 v9, $0.0e+00;
	v8 =	vmax.f32 v10, $0.0e+00;
	[tilespmem:s26+$0xFFFFFF00] =	vst v18;
	v10 =	vld [tilespmem:s29+$0xFFFF9FF0]  }
0xfb: {  	v15 =	vmax.f32 v11, $0.0e+00;
	v13 =	vand.u32 $0xFFFF0000, v13;
	[tilespmem:s26+$0xFFFFFF10] =	vst v6;
	v18 =	vld [tilespmem:s29+$0xFFFFBFF0];
	v6 =	vshll.u32 v12, $0x10  }
0xfc: {  	v20 =	vshll.u32 v16, $0x10;
	v19 =	vld [tilespmem:s29+$0xFFFF9F20];
	[tilespmem:s26+$0xFFFFFF80] =	vst v7;
	v7 =	vand.u32 $0xFFFF0000, v12;
	v12 =	vshll.u32 v17, $0x10  }
0xfd: {  	v16 =	vand.u32 $0xFFFF0000, v16;
	v6 =	vadd.f32 v6, v25;
	v17 =	vand.u32 $0xFFFF0000, v17;
	[tilespmem:s26+$0xFFFFFF90] =	vst v8;
	v21 =	vld [tilespmem:s29+$0xFFFFDFF0]  }
0xfe: {  	v11 =	vshll.u32 v14, $0x10;
	v8 =	vadd.f32 v7, v13;
	v7 =	vadd.f32 v20, v12;
	v23 =	vld [tilespmem:s29+$0xFFFFBF20];
	[tilespmem:s26+$0x0] =	vst v9  }
0xff: {  	v13 =	vand.u32 $0xFFFF0000, v14;
	v12 =	vshll.u32 v22, $0x10;
	v9 =	vadd.f32 v16, v17;
	[tilespmem:s26+$0x10] =	vst v15;
	v15 =	vld [tilespmem:s29+$0xFFFFFFF0]  }
0x100: {  	v14 =	vand.u32 $0xFFFF0000, v22;
	v17 =	vshll.u32 v10, $0x10;
	v16 =	vld [tilespmem:s29+$0xFFFF9F60];
	v20 =	vshll.u32 v18, $0x10  }
0x101: {  	v10 =	vand.u32 $0xFFFF0000, v10;
	v18 =	vand.u32 $0xFFFF0000, v18;
	v22 =	vld [tilespmem:s29+$0xFFFFBF60];
	v17 =	vadd.f32 v20, v17  }
0x102: {  	v20 =	vshll.u32 v19, $0x10;
	v10 =	vadd.f32 v18, v10;
	v24 =	vld [tilespmem:s29+$0xFFFF9FA0];
	v25 =	vshll.u32 v21, $0x10  }
0x103: {  	v21 =	vand.u32 $0xFFFF0000, v21;
	v18 =	vshll.u32 v23, $0x10;
	v26 =	vld [tilespmem:s29+$0xFFFFBFA0];
	v17 =	vadd.f32 v25, v17  }
0x104: {  	v19 =	vand.u32 $0xFFFF0000, v19;
	v10 =	vadd.f32 v21, v10;
	v25 =	vld [tilespmem:s29+$0xFFFFDF20];
	v27 =	vshll.u32 v15, $0x10  }
0x105: {  	v21 =	vand.u32 $0xFFFF0000, v23;
	v15 =	vand.u32 $0xFFFF0000, v15;
	v23 =	vld [tilespmem:s29+$0xFFFFDF60];
	v17 =	vadd.f32 v27, v17  }
0x106: {  	v27 =	vshll.u32 v16, $0x10;
	v10 =	vadd.f32 v15, v10;
	v28 =	vshll.u32 v22, $0x10;
	v29 =	vld [tilespmem:s29+$0xFFFFDFA0]  }
0x107: {  	v16 =	vand.u32 $0xFFFF0000, v16;
	v22 =	vand.u32 $0xFFFF0000, v22;
	v15 =	vld [tilespmem:s29+$0xFFFFFF20];
	v17 =	vmax.f32 v17, $0.0e+00  }
0x108: {  	v31 =	vshll.u32 v24, $0x10;
	v10 =	vmax.f32 v10, $0.0e+00;
	v30 =	vld [tilespmem:s29+$0xFFFFFF60];
	v32 =	vshll.u32 v26, $0x10;
	[tilespmem:s26+$0xC0] =	vst v17  }
0x109: {  	v17 =	vadd.f32 v18, v20;
	v20 =	vand.u32 $0xFFFF0000, v24;
	v24 =	vand.u32 $0xFFFF0000, v26;
	v18 =	vld [tilespmem:s29+$0xFFFFFFA0];
	[tilespmem:s26+$0xD0] =	vst v10  }
0x10a: {  	v19 =	vadd.f32 v21, v19;
	v21 =	vadd.f32 v28, v27;
	v10 =	vshll.u32 v25, $0x10;
	v26 =	vld [tilespmem:s29+$0xFFFFA000]  }
0x10b: {  	v16 =	vadd.f32 v22, v16;
	v25 =	vand.u32 $0xFFFF0000, v25;
	v22 =	vadd.f32 v32, v31;
	v27 =	vld [tilespmem:s29+$0xFFFFC000]  }
0x10c: {  	v20 =	vadd.f32 v24, v20;
	v28 =	vshll.u32 v23, $0x10;
	v23 =	vand.u32 $0xFFFF0000, v23  }
0x10d: {  	v17 =	vadd.f32 v10, v17;
	v10 =	vshll.u32 v29, $0x10;
	v24 =	vand.u32 $0xFFFF0000, v29;
	v29 =	vld [tilespmem:s29+$0xFFFFE000]  }
0x10e: {  	v19 =	vadd.f32 v25, v19;
	v21 =	vadd.f32 v28, v21;
	v31 =	vshll.u32 v15, $0x10  }
0x10f: {  	v16 =	vadd.f32 v23, v16;
	v15 =	vand.u32 $0xFFFF0000, v15;
	v22 =	vadd.f32 v10, v22;
	v10 =	vld [tilespmem:s29+$0x0]  }
0x110: {  	v20 =	vadd.f32 v24, v20;
	v23 =	vand.u32 $0xFFFF0000, v26;
	v24 =	vand.u32 $0xFFFF0000, v27  }
0x111: {  	v25 =	vshll.u32 v30, $0x10;
	v28 =	vand.u32 $0xFFFF0000, v30;
	v23 =	vadd.f32 v24, v23  }
0x112: {  	v24 =	vshll.u32 v18, $0x10;
	v18 =	vand.u32 $0xFFFF0000, v18;
	v30 =	vand.u32 $0xFFFF0000, v29  }
0x113: {  	v17 =	vadd.f32 v31, v17;
	v26 =	vshll.u32 v26, $0x10;
	v23 =	vadd.f32 v30, v23  }
0x114: {  	v15 =	vadd.f32 v15, v19;
	v19 =	vadd.f32 v25, v21;
	v21 =	vand.u32 $0xFFFF0000, v10  }
0x115: {  	v16 =	vadd.f32 v28, v16;
	v17 =	vmax.f32 v17, $0.0e+00;
	v21 =	vadd.f32 v21, v23  }
0x116: {  	v15 =	vmax.f32 v15, $0.0e+00;
	v18 =	vadd.f32 v18, v20;
	[tilespmem:s26+$0xFFFFFF20] =	vst v17;
	v17 =	vadd.f32 v24, v22  }
0x117: {  	v16 =	vmax.f32 v16, $0.0e+00;
	[tilespmem:s26+$0xFFFFFF30] =	vst v15;
	v15 =	vmax.f32 v19, $0.0e+00;
	v19 =	vmax.f32 v21, $0.0e+00  }
0x118: {  	v18 =	vmax.f32 v18, $0.0e+00;
	v21 =	vshll.u32 v27, $0x10;
	v20 =	vld [tilespmem:s29+$0xFFFF9F30];
	v17 =	vmax.f32 v17, $0.0e+00;
	[tilespmem:s26+$0xF0] =	vst v19  }
0x119: {  	v22 =	vand.u32 $0xFFFF0000, v5;
	v19 =	vld [tilespmem:s29+$0xFFFFBF30];
	[tilespmem:s26+$0xFFFFFFA0] =	vst v15;
	v15 =	vadd.f32 v21, v26;
	v21 =	vshll.u32 v5, $0x10  }
0x11a: {  	v25 =	vadd.f32 v13, v1;
	v24 =	vadd.f32 v11, v0;
	v23 =	vld [tilespmem:s29+$0xFFFFDF30];
	[tilespmem:s26+$0xFFFFFFB0] =	vst v16;
	v16 =	vshll.u32 v29, $0x10  }
0x11b: {  	v5 =	vadd.f32 v12, v6;
	v6 =	vadd.f32 v14, v8;
	v0 =	vld [tilespmem:s29+$0xFFFF9F70];
	[tilespmem:s26+$0x20] =	vst v17;
	v17 =	vshll.u32 v4, $0x10  }
0x11c: {  	v14 =	vand.u32 $0xFFFF0000, v4;
	v4 =	vadd.f32 v21, v7;
	v7 =	vadd.f32 v22, v9;
	v1 =	vld [tilespmem:s29+$0xFFFFBF70];
	[tilespmem:s26+$0x30] =	vst v18  }
0x11d: {  	v8 =	vadd.f32 v16, v15;
	v11 =	vshll.u32 v20, $0x10;
	v12 =	vand.u32 $0xFFFF0000, v20;
	v13 =	vld [tilespmem:s29+$0xFFFF9FB0]  }
0x11e: {  	v9 =	vshll.u32 v3, $0x10;
	v15 =	vshll.u32 v19, $0x10;
	v16 =	vand.u32 $0xFFFF0000, v19;
	v18 =	vld [tilespmem:s29+$0xFFFFBFB0]  }
0x11f: {  	v11 =	vadd.f32 v15, v11;
	v15 =	vshll.u32 v23, $0x10;
	v12 =	vadd.f32 v16, v12;
	v16 =	vld [tilespmem:s29+$0xFFFFDF70]  }
0x120: {  	v19 =	vand.u32 $0xFFFF0000, v23;
	v20 =	vshll.u32 v0, $0x10;
	v0 =	vand.u32 $0xFFFF0000, v0;
	v21 =	vld [tilespmem:s29+$0xFFFFDFB0]  }
0x121: {  	v22 =	vld [tilespmem:s29+$0xFFFFFF30];
	v11 =	vadd.f32 v15, v11;
	v15 =	vshll.u32 v1, $0x10;
	v1 =	vand.u32 $0xFFFF0000, v1  }
0x122: {  	v23 =	vld [tilespmem:s29+$0xFFFFFF70];
	v15 =	vadd.f32 v15, v20;
	v20 =	vshll.u32 v13, $0x10;
	v13 =	vand.u32 $0xFFFF0000, v13  }
0x123: {  	v0 =	vadd.f32 v1, v0;
	v1 =	vld [tilespmem:s29+$0xFFFFFFB0];
	v26 =	vshll.u32 v18, $0x10;
	v18 =	vand.u32 $0xFFFF0000, v18  }
0x124: {  	v27 =	vshll.u32 v16, $0x10;
	v20 =	vadd.f32 v26, v20;
	v13 =	vadd.f32 v18, v13  }
0x125: {  	v16 =	vand.u32 $0xFFFF0000, v16;
	v18 =	vshll.u32 v21, $0x10;
	v21 =	vand.u32 $0xFFFF0000, v21  }
0x126: {  	v12 =	vadd.f32 v19, v12;
	v15 =	vadd.f32 v27, v15;
	v26 =	vshll.u32 v22, $0x10  }
0x127: {  	v0 =	vadd.f32 v16, v0;
	v19 =	vand.u32 $0xFFFF0000, v22;
	v16 =	vadd.f32 v18, v20  }
0x128: {  	v13 =	vadd.f32 v21, v13;
	v18 =	vshll.u32 v23, $0x10;
	v20 =	vand.u32 $0xFFFF0000, v23  }
0x129: {  	v11 =	vadd.f32 v26, v11;
	v21 =	vshll.u32 v1, $0x10;
	v1 =	vand.u32 $0xFFFF0000, v1  }
0x12a: {  	v3 =	vand.u32 $0xFFFF0000, v3;
	v12 =	vadd.f32 v19, v12;
	v15 =	vadd.f32 v18, v15  }
.Ltmp0:
0x12b: {  	v0 =	vadd.f32 v20, v0;
	v11 =	vmax.f32 v11, $0.0e+00;
	v16 =	vadd.f32 v21, v16;
	(pc) =	sbr.rel @p1 .LBB2_3-.Ltmp0, $4  }
0x12c: {  	v1 =	vadd.f32 v1, v13;
	v15 =	vmax.f32 v15, $0.0e+00;
	[tilespmem:s26+$0xFFFFFF40] =	vst v11;
	v11 =	vmax.f32 v12, $0.0e+00  }
0x12d: {  	v18 =	vmax.f32 v0, $0.0e+00;
	v12 =	vmax.f32 v16, $0.0e+00;
	[tilespmem:s26+$0xFFFFFF50] =	vst v11;
	v11 =	vshll.u32 v2, $0x10  }
0x12e: {  	v10 =	vshll.u32 v10, $0x10;
	v13 =	vmax.f32 v1, $0.0e+00;
	v2 =	vand.u32 $0xFFFF0000, v2;
	v0 =	vld [tilespmem:s29+$0xFFFF9F40];
	[tilespmem:s26+$0xFFFFFFC0] =	vst v15  }
0x12f: {  	v14 =	vadd.f32 v14, v25;
	s29 =	sadd.s32 $0x100, s29;
	v15 =	vadd.f32 v17, v24;
	v1 =	vld [tilespmem:s25+$0xFFFFBF40];
	[tilespmem:s26+$0xFFFFFFD0] =	vst v18  }
0x130: {  	v3 =	vadd.f32 v3, v6;
	v6 =	vld [tilespmem:s25+$0xFFFF9F80]  }
0x131: {  	[tilespmem:s26+$0x40] =	vst v12;
	v5 =	vadd.f32 v9, v5;
	v2 =	vadd.f32 v2, v7;
	v7 =	vld [tilespmem:s25+$0xFFFFBF80]  }
0x132: {  	[tilespmem:s26+$0x50] =	vst v13;
	v4 =	vadd.f32 v11, v4;
	v8 =	vadd.f32 v10, v8;
	v19 =	vld [tilespmem:s25+$0xFFFFFF40]  }
0x133: {  	v9 =	vmax.f32 v15, $0.0e+00;
	v10 =	vmax.f32 v14, $0.0e+00;
	v11 =	vld [tilespmem:s25+$0xFFFF9FC0];
	v5 =	vmax.f32 v5, $0.0e+00  }
0x134: {  	v13 =	vld [tilespmem:s25+$0xFFFFBFC0];
	v3 =	vmax.f32 v3, $0.0e+00;
	v4 =	vmax.f32 v4, $0.0e+00;
	v12 =	vshll.u32 v0, $0x10  }
0x135: {  	v15 =	vld [tilespmem:s25+$0xFFFFDF40];
	v0 =	vand.u32 $0xFFFF0000, v0;
	v14 =	vshll.u32 v1, $0x10;
	v1 =	vand.u32 $0xFFFF0000, v1  }
0x136: {  	v8 =	vmax.f32 v8, $0.0e+00;
	v12 =	vadd.f32 v14, v12;
	v0 =	vadd.f32 v1, v0  }
0x137: {  	[tilespmem:s24+$0xFFFFFFE0] =	vst v5;
	v1 =	vmax.f32 v2, $0.0e+00;
	v16 =	vshll.u32 v6, $0x10;
	v17 =	vshll.u32 v7, $0x10  }
0x138: {  	v5 =	vld [tilespmem:s25+$0xFFFFFFC0];
	[tilespmem:s24+$0xFFFFFFF0] =	vst v3;
	v6 =	vand.u32 $0xFFFF0000, v6;
	v7 =	vand.u32 $0xFFFF0000, v7;
	v3 =	vshll.u32 v19, $0x10  }
0x139: {  	[tilespmem:s24+$0x60] =	vst v4;
	v2 =	vld [tilespmem:s25+$0xFFFFDF80];
	v4 =	vand.u32 $0xFFFF0000, v19;
	v18 =	vshll.u32 v11, $0x10;
	v20 =	vshll.u32 v13, $0x10  }
0x13a: {  	v14 =	vld [tilespmem:s25+$0xFFFFDFC0];
	v16 =	vadd.f32 v17, v16;
	v11 =	vand.u32 $0xFFFF0000, v11;
	v17 =	vshll.u32 v15, $0x10  }
0x13b: {  	[tilespmem:s24+$0xFFFFFF60] =	vst v9;
	v6 =	vadd.f32 v7, v6;
	v7 =	vld [tilespmem:s25+$0xFFFFFF80];
	v15 =	vand.u32 $0xFFFF0000, v15;
	v12 =	vadd.f32 v17, v12  }
0x13c: {  	[tilespmem:s24+$0xFFFFFF70] =	vst v10;
	v13 =	vand.u32 $0xFFFF0000, v13;
	v9 =	vadd.f32 v20, v18;
	v0 =	vadd.f32 v15, v0  }
0x13d: {  	[tilespmem:s26+$0xE0] =	vst v8;
	v10 =	vadd.f32 v13, v11;
	v8 =	vshll.u32 v5, $0x10;
	v3 =	vadd.f32 v3, v12  }
0x13e: {  	v0 =	vadd.f32 v4, v0;
	v61 =	vshll.u32 v2, $0x10;
	v2 =	vand.u32 $0xFFFF0000, v2  }
0x13f: {  	v11 =	vshll.u32 v14, $0x10;
	v13 =	vand.u32 $0xFFFF0000, v14;
	v14 =	vadd.f32 v61, v16  }
0x140: {  	v2 =	vadd.f32 v2, v6;
	v6 =	vadd.f32 v11, v9;
	v9 =	vshll.u32 v7, $0x10  }
0x141: {  	[tilespmem:s24+$0x70] =	vst v1;
	v4 =	vand.u32 $0xFFFF0000, v7;
	v3 =	vmax.f32 v3, $0.0e+00;
	v7 =	vadd.f32 v9, v14  }
0x142: {  	v1 =	vadd.f32 v13, v10;
	v0 =	vmax.f32 v0, $0.0e+00;
	[tilespmem:s26+$0xFFFFFF60] =	vst v3;
	v2 =	vadd.f32 v4, v2  }
0x143: {  	v3 =	vand.u32 $0xFFFF0000, v5;
	[tilespmem:s26+$0xFFFFFF70] =	vst v0;
	v4 =	vadd.f32 v8, v6;
	v5 =	vmax.f32 v7, $0.0e+00  }
0x144: {  	v0 =	vadd.f32 v3, v1;
	v1 =	vmax.f32 v2, $0.0e+00;
	[tilespmem:s26+$0xFFFFFFE0] =	vst v5  }
0x145: {  	s25 =	sadd.s32 s4, s11;
	v2 =	vmax.f32 v4, $0.0e+00;
	[tilespmem:s26+$0xFFFFFFF0] =	vst v1  }
0x146: {  	s24 =	sshll.u32 s25, $0xB;
	v0 =	vmax.f32 v0, $0.0e+00;
	[tilespmem:s26+$0x60] =	vst v2  }
0x147: {  	s24 =	sadd.s32 s2, s24;
	[tilespmem:s26+$0x70] =	vst v0  }
0x148: {  	[hbm4b:s24+s3] =	stream.linear.scatter [tilespmem:s0], [sflag:$0x5], $0x4000, $0x38;
	[tilespmem:$0x18400] =	vst v63  }
0x149: {  	_ =	swait.ge [sflag:s1], $0x2000  }
0x14a: {  	[sflag:s1] =	ssyncset.done $0x0  }
0x14b: {  	[sflag:s1] =	ssyncadd.s32 $0xFFFFE000  }
0x14c: {  	_ =	swait.ge [sflag:s1], $0x2000  }
0x14d: {  	[sflag:s1] =	ssyncset.done $0x0  }
0x14e: {  	[sflag:s1] =	ssyncadd.s32 $0xFFFFE000  }
0x14f: {  	_ =	swait.ge [sflag:s1], $0x2000  }
0x150: {  	[sflag:s1] =	ssyncset.done $0x0  }
0x151: {  	s26 =	smin.u32 s11, $0x3C;
	[sflag:s1] =	ssyncadd.s32 $0xFFFFE000  }
0x152: {  	s24 =	sadd.s32 s26, s10;
	_ =	swait.ge [sflag:s1], $0x2000  }
0x153: {  	s24 =	sshll.u32 s24, $0x4;
	[sflag:s1] =	ssyncset.done $0x0  }
0x154: {  	s24 =	sadd.s32 s5, s24;
	[sflag:s1] =	ssyncadd.s32 $0xFFFFE000  }
0x155: {  	[tilespmem:s14], [sflag:$0x2] =	stream.strided.gather [hbm4b:s24+s12], $0x200, s13, s12, $0x38;
	[tilespmem:$0x18400] =	vst v63  }
0x156: {  	_ =	swait.ge [sflag:s15], $0x200  }
0x157: {  	[sflag:s15] =	ssyncset.done $0x0  }
0x158: {  	[sflag:s15] =	ssyncadd.s32 $0xFFFFFE00  }
0x159: {  	[tilespmem:s16], [sflag:$0x3] =	stream.indirect.gather [hbm4b:s6+s12], $0x40, s3, s12, $0xb8;
	[tilespmem:$0x18400] =	vst v63  }
0x15a: {  	_ = 	snop  }
0x15b: {  	[tilespmem:s17], [sflag:$0x3] =	stream.indirect.gather [hbm4b:s6+s12], $0x40, s12, s12, $0xb8;
	[tilespmem:$0x18400] =	vst v63  }
0x15c: {  	_ = 	snop  }
0x15d: {  	[tilespmem:s19], [sflag:$0x3] =	stream.indirect.gather [hbm4b:s6+s12], $0x40, s18, s12, $0xb8;
	[tilespmem:$0x18400] =	vst v63  }
0x15e: {  	s24 =	simm.s32 @!p0 $0x6  }
0x15f: {  	[tilespmem:s21], [sflag:$0x3] =	stream.indirect.gather [hbm4b:s6+s12], $0x40, s20, s12, $0xb8;
	[tilespmem:$0x18400] =	vst v63  }
0x160: {  	_ =	swait.ge @!p0 [sflag:s24], $0x4000  }
0x161: {  	[sflag:s24] =	ssyncset.done @!p0 $0x0  }
0x162: {  	s28 =	simm.s32 $0xE4F0;
	[sflag:s24] =	ssyncadd.s32 @!p0 $0xFFFFC000  }
0x163: {  	v0 =	vld [tilespmem:s28+$0xFFFF9FD0]  }
0x164: {  	v1 =	vld [tilespmem:s28+$0xFFFFBFD0];
	_ =	sdelay $0x1  }
0x165: {  	v2 =	vld [tilespmem:s28+$0xFFFFDFD0];
	_ =	sdelay $0x1  }
0x166: {  	v3 =	vld [tilespmem:s28+$0xFFFFFFD0]  }
0x167: {  	v4 =	vshll.u32 v0, $0x10;
	v5 =	vshll.u32 v1, $0x10  }
0x168: {  	v0 =	vand.u32 $0xFFFF0000, v0;
	v1 =	vand.u32 $0xFFFF0000, v1;
	v4 =	vadd.f32 v5, v4  }
0x169: {  	v6 =	vshll.u32 v2, $0x10;
	v0 =	vadd.f32 v1, v0  }
0x16a: {  	v2 =	vand.u32 $0xFFFF0000, v2;
	v5 =	vld [tilespmem:s28+$0xFFFFBF10];
	v4 =	vadd.f32 v6, v4  }
0x16b: {  	v7 =	vshll.u32 v3, $0x10;
	v1 =	vld [tilespmem:s28+$0xFFFF9F50];
	v0 =	vadd.f32 v2, v0  }
0x16c: {  	v3 =	vand.u32 $0xFFFF0000, v3;
	v6 =	vld [tilespmem:s28+$0xFFFFBF50];
	v4 =	vadd.f32 v7, v4  }
0x16d: {  	v2 =	vld [tilespmem:s28+$0xFFFF9F90];
	v0 =	vadd.f32 v3, v0  }
0x16e: {  	s24 =	simm.s32 $0x14500;
	v3 =	vld [tilespmem:s28+$0xFFFF9F10];
	v4 =	vmax.f32 v4, $0.0e+00  }
0x16f: {  	v7 =	vld [tilespmem:s28+$0xFFFFBF90];
	v0 =	vmax.f32 v0, $0.0e+00;
	[tilespmem:s24+$0x80] =	vst v4  }
0x170: {  	v8 =	vshll.u32 v1, $0x10;
	v4 =	vld [tilespmem:s28+$0xFFFFDF10];
	[tilespmem:s24+$0x90] =	vst v0  }
0x171: {  	v1 =	vand.u32 $0xFFFF0000, v1;
	v0 =	vshll.u32 v5, $0x10;
	v5 =	vand.u32 $0xFFFF0000, v5;
	v9 =	vld [tilespmem:s28+$0xFFFF9FE0]  }
0x172: {  	v10 =	vshll.u32 v6, $0x10;
	v6 =	vand.u32 $0xFFFF0000, v6;
	v13 =	vshll.u32 v2, $0x10;
	v11 =	vld [tilespmem:s28+$0xFFFFBFE0]  }
0x173: {  	v2 =	vand.u32 $0xFFFF0000, v2;
	v1 =	vadd.f32 v6, v1;
	v6 =	vld [tilespmem:s28+$0xFFFFFFE0];
	v15 =	vshll.u32 v3, $0x10  }
0x174: {  	v14 =	vshll.u32 v7, $0x10;
	v3 =	vand.u32 $0xFFFF0000, v3;
	v0 =	vadd.f32 v0, v15;
	v15 =	vld [tilespmem:s28+$0xFFFFDFE0]  }
0x175: {  	v7 =	vand.u32 $0xFFFF0000, v7;
	v3 =	vadd.f32 v5, v3;
	v5 =	vadd.f32 v10, v8  }
0x176: {  	v8 =	vadd.f32 v14, v13;
	v2 =	vadd.f32 v7, v2;
	v16 =	vshll.u32 v4, $0x10  }
0x177: {  	v12 =	vld [tilespmem:s28+$0xFFFFDF50];
	v4 =	vand.u32 $0xFFFF0000, v4;
	v10 =	vshll.u32 v9, $0x10;
	v13 =	vshll.u32 v11, $0x10  }
0x178: {  	v14 =	vld [tilespmem:s28+$0xFFFFFF10];
	v9 =	vand.u32 $0xFFFF0000, v9;
	v11 =	vand.u32 $0xFFFF0000, v11;
	v10 =	vadd.f32 v13, v10  }
0x179: {  	v7 =	vshll.u32 v6, $0x10;
	v9 =	vadd.f32 v11, v9;
	v17 =	vshll.u32 v15, $0x10  }
0x17a: {  	v0 =	vadd.f32 v16, v0;
	v11 =	vld [tilespmem:s28+$0xFFFFDF90];
	v15 =	vand.u32 $0xFFFF0000, v15;
	v10 =	vadd.f32 v17, v10  }
0x17b: {  	v6 =	vand.u32 $0xFFFF0000, v6;
	v3 =	vadd.f32 v4, v3;
	v9 =	vadd.f32 v15, v9  }
0x17c: {  	v13 =	vshll.u32 v12, $0x10;
	v12 =	vand.u32 $0xFFFF0000, v12;
	v15 =	vld [tilespmem:s28+$0xFFFFFF50];
	v7 =	vadd.f32 v7, v10  }
0x17d: {  	v5 =	vadd.f32 v13, v5;
	v10 =	vshll.u32 v14, $0x10;
	v4 =	vadd.f32 v6, v9  }
0x17e: {  	v6 =	vld [tilespmem:s28+$0xFFFFFF90];
	v9 =	vand.u32 $0xFFFF0000, v14;
	v0 =	vadd.f32 v10, v0;
	v7 =	vmax.f32 v7, $0.0e+00  }
0x17f: {  	v10 =	vshll.u32 v11, $0x10;
	v3 =	vadd.f32 v9, v3;
	v4 =	vmax.f32 v4, $0.0e+00;
	[tilespmem:s24+$0xA0] =	vst v7  }
0x180: {  	v1 =	vadd.f32 v12, v1;
	v8 =	vadd.f32 v10, v8;
	v0 =	vmax.f32 v0, $0.0e+00;
	[tilespmem:s24+$0xB0] =	vst v4  }
0x181: {  	v7 =	vand.u32 $0xFFFF0000, v11;
	v4 =	vshll.u32 v15, $0x10;
	v3 =	vmax.f32 v3, $0.0e+00;
	[tilespmem:s24+$0xFFFFFF00] =	vst v0;
	v0 =	vld [tilespmem:s28+$0xFFFF9FF0]  }
0x182: {  	v9 =	vand.u32 $0xFFFF0000, v15;
	v4 =	vadd.f32 v4, v5;
	[tilespmem:s24+$0xFFFFFF10] =	vst v3;
	v3 =	vld [tilespmem:s28+$0xFFFFBFF0];
	v2 =	vadd.f32 v7, v2  }
0x183: {  	v1 =	vadd.f32 v9, v1;
	v5 =	vshll.u32 v6, $0x10;
	v7 =	vld [tilespmem:s28+$0xFFFF9F20];
	v6 =	vand.u32 $0xFFFF0000, v6  }
0x184: {  	v5 =	vadd.f32 v5, v8;
	v4 =	vmax.f32 v4, $0.0e+00;
	v8 =	vld [tilespmem:s28+$0xFFFFDFF0];
	v2 =	vadd.f32 v6, v2  }
0x185: {  	v1 =	vmax.f32 v1, $0.0e+00;
	[tilespmem:s24+$0xFFFFFF80] =	vst v4;
	v4 =	vld [tilespmem:s28+$0xFFFFBF20]  }
0x186: {  	[tilespmem:s24+$0xFFFFFF90] =	vst v1;
	v1 =	vld [tilespmem:s28+$0xFFFFFFF0];
	v5 =	vmax.f32 v5, $0.0e+00;
	v2 =	vmax.f32 v2, $0.0e+00  }
0x187: {  	[tilespmem:s24+$0x0] =	vst v5;
	v5 =	vld [tilespmem:s28+$0xFFFF9F60];
	v6 =	vshll.u32 v0, $0x10;
	v9 =	vshll.u32 v3, $0x10;
	v0 =	vand.u32 $0xFFFF0000, v0  }
0x188: {  	[tilespmem:s24+$0x10] =	vst v2;
	v2 =	vld [tilespmem:s28+$0xFFFFBF60];
	v3 =	vand.u32 $0xFFFF0000, v3;
	v6 =	vadd.f32 v9, v6;
	v9 =	vshll.u32 v7, $0x10  }
0x189: {  	v10 =	vld [tilespmem:s28+$0xFFFF9FA0];
	v0 =	vadd.f32 v3, v0;
	v7 =	vand.u32 $0xFFFF0000, v7;
	v11 =	vshll.u32 v8, $0x10  }
0x18a: {  	v12 =	vld [tilespmem:s28+$0xFFFFBFA0];
	v8 =	vand.u32 $0xFFFF0000, v8;
	v3 =	vshll.u32 v4, $0x10;
	v6 =	vadd.f32 v11, v6  }
0x18b: {  	v13 =	vld [tilespmem:s28+$0xFFFFDF20];
	v11 =	vshll.u32 v1, $0x10;
	v0 =	vadd.f32 v8, v0;
	v4 =	vand.u32 $0xFFFF0000, v4  }
0x18c: {  	v1 =	vand.u32 $0xFFFF0000, v1;
	v3 =	vadd.f32 v3, v9;
	v4 =	vadd.f32 v4, v7  }
0x18d: {  	v6 =	vadd.f32 v11, v6;
	v8 =	vshll.u32 v5, $0x10;
	v11 =	vshll.u32 v2, $0x10  }
0x18e: {  	v14 =	vld [tilespmem:s28+$0xFFFFDF60];
	v0 =	vadd.f32 v1, v0;
	v1 =	vand.u32 $0xFFFF0000, v5;
	v2 =	vand.u32 $0xFFFF0000, v2  }
0x18f: {  	v9 =	vld [tilespmem:s28+$0xFFFFFF20];
	v15 =	vshll.u32 v10, $0x10;
	v16 =	vshll.u32 v12, $0x10;
	v7 =	vadd.f32 v11, v8  }
0x190: {  	v5 =	vld [tilespmem:s28+$0xFFFFDFA0];
	v11 =	vand.u32 $0xFFFF0000, v13;
	v1 =	vadd.f32 v2, v1;
	v6 =	vmax.f32 v6, $0.0e+00  }
0x191: {  	v0 =	vmax.f32 v0, $0.0e+00;
	v2 =	vadd.f32 v16, v15;
	v4 =	vadd.f32 v11, v4;
	[tilespmem:s24+$0xC0] =	vst v6  }
0x192: {  	v15 =	vld [tilespmem:s28+$0xFFFFFF60];
	v6 =	vand.u32 $0xFFFF0000, v10;
	v10 =	vand.u32 $0xFFFF0000, v12;
	[tilespmem:s24+$0xD0] =	vst v0;
	v0 =	vshll.u32 v13, $0x10  }
0x193: {  	v13 =	vshll.u32 v14, $0x10;
	v14 =	vand.u32 $0xFFFF0000, v14;
	v8 =	vld [tilespmem:s28+$0xFFFFA000];
	v6 =	vadd.f32 v10, v6  }
0x194: {  	v12 =	vld [tilespmem:s28+$0xFFFFC000];
	v0 =	vadd.f32 v0, v3;
	v7 =	vadd.f32 v13, v7;
	v11 =	vshll.u32 v9, $0x10  }
0x195: {  	v10 =	vld [tilespmem:s28+$0xFFFFFFA0];
	v1 =	vadd.f32 v14, v1;
	v9 =	vand.u32 $0xFFFF0000, v9;
	v3 =	vshll.u32 v5, $0x10  }
0x196: {  	v5 =	vand.u32 $0xFFFF0000, v5;
	v4 =	vadd.f32 v9, v4;
	v0 =	vadd.f32 v11, v0  }
0x197: {  	s25 =	simm.s32 $0xE5F0;
	v2 =	vadd.f32 v3, v2;
	v3 =	vld [tilespmem:s28+$0xFFFFE000];
	v5 =	vadd.f32 v5, v6  }
0x198: {  	v63 =	vld [tilespmem:s25+$0xFFFF9F10];
	v13 =	vshll.u32 v15, $0x10;
	v14 =	vand.u32 $0xFFFF0000, v15;
	v0 =	vmax.f32 v0, $0.0e+00  }
0x199: {  	v33 =	vld [tilespmem:s25+$0xFFFFFF50];
	v7 =	vadd.f32 v13, v7;
	v1 =	vadd.f32 v14, v1;
	v6 =	vand.u32 $0xFFFF0000, v8  }
0x19a: {  	v9 =	vld [tilespmem:s28+$0x0];
	v11 =	vand.u32 $0xFFFF0000, v12;
	[tilespmem:s24+$0xFFFFFF20] =	vst v0;
	v0 =	vmax.f32 v4, $0.0e+00;
	v4 =	vshll.u32 v10, $0x10  }
0x19b: {  	v17 =	vld [tilespmem:s25+$0xFFFF9F90];
	v10 =	vand.u32 $0xFFFF0000, v10;
	v6 =	vadd.f32 v11, v6;
	[tilespmem:s24+$0xFFFFFF30] =	vst v0;
	v2 =	vadd.f32 v4, v2  }
0x19c: {  	v4 =	vmax.f32 v7, $0.0e+00;
	v5 =	vadd.f32 v10, v5;
	v0 =	vand.u32 $0xFFFF0000, v3;
	v7 =	vld [tilespmem:s28+$0xFFFF9F30]  }
0x19d: {  	v1 =	vmax.f32 v1, $0.0e+00;
	v0 =	vadd.f32 v0, v6;
	v6 =	vld [tilespmem:s28+$0xFFFFBF30]  }
0x19e: {  	[tilespmem:s24+$0xFFFFFFB0] =	vst v1;
	v1 =	vmax.f32 v5, $0.0e+00;
	v5 =	vshll.u32 v12, $0x10;
	v12 =	vld [tilespmem:s28+$0xFFFFFF30]  }
0x19f: {  	v24 =	vshll.u32 v63, $0x10;
	[tilespmem:s24+$0xFFFFFFA0] =	vst v4;
	v4 =	vand.u32 $0xFFFF0000, v9;
	v10 =	vld [tilespmem:s28+$0xFFFFDF30];
	v2 =	vmax.f32 v2, $0.0e+00  }
0x1a0: {  	v19 =	vand.u32 $0xFFFF0000, v63;
	v40 =	vshll.u32 v33, $0x10;
	[tilespmem:s24+$0x20] =	vst v2;
	v0 =	vadd.f32 v4, v0;
	v4 =	vld [tilespmem:s28+$0xFFFF9F70]  }
0x1a1: {  	v21 =	vshll.u32 v17, $0x10;
	v17 =	vand.u32 $0xFFFF0000, v17;
	v2 =	vshll.u32 v8, $0x10;
	v8 =	vld [tilespmem:s28+$0xFFFFBF70];
	[tilespmem:s24+$0x30] =	vst v1  }
0x1a2: {  	v1 =	vadd.f32 v5, v2;
	v2 =	vld [tilespmem:s28+$0xFFFF9FB0];
	v5 =	vshll.u32 v7, $0x10;
	v7 =	vand.u32 $0xFFFF0000, v7  }
0x1a3: {  	v11 =	vshll.u32 v6, $0x10;
	v6 =	vand.u32 $0xFFFF0000, v6;
	v16 =	vshll.u32 v12, $0x10  }
0x1a4: {  	v13 =	vld [tilespmem:s28+$0xFFFFBFB0];
	v5 =	vadd.f32 v11, v5;
	v11 =	vshll.u32 v10, $0x10;
	v6 =	vadd.f32 v6, v7  }
0x1a5: {  	v14 =	vld [tilespmem:s28+$0xFFFFDF70];
	v7 =	vand.u32 $0xFFFF0000, v10;
	v10 =	vshll.u32 v4, $0x10;
	v4 =	vand.u32 $0xFFFF0000, v4  }
0x1a6: {  	v5 =	vadd.f32 v11, v5;
	v11 =	vshll.u32 v8, $0x10;
	v8 =	vand.u32 $0xFFFF0000, v8  }
0x1a7: {  	v15 =	vld [tilespmem:s28+$0xFFFFDFB0];
	v6 =	vadd.f32 v7, v6;
	v10 =	vadd.f32 v11, v10;
	v11 =	vshll.u32 v2, $0x10  }
0x1a8: {  	v4 =	vadd.f32 v8, v4;
	v8 =	vand.u32 $0xFFFF0000, v12;
	v5 =	vadd.f32 v16, v5  }
0x1a9: {  	v7 =	vld [tilespmem:s28+$0xFFFFFF70];
	v2 =	vand.u32 $0xFFFF0000, v2;
	v16 =	vshll.u32 v13, $0x10;
	v6 =	vadd.f32 v8, v6  }
0x1aa: {  	v12 =	vld [tilespmem:s28+$0xFFFFFFB0];
	v13 =	vand.u32 $0xFFFF0000, v13;
	v8 =	vshll.u32 v14, $0x10;
	v5 =	vmax.f32 v5, $0.0e+00  }
0x1ab: {  	v11 =	vadd.f32 v16, v11;
	v2 =	vadd.f32 v13, v2;
	[tilespmem:s24+$0xFFFFFF40] =	vst v5;
	v5 =	vmax.f32 v6, $0.0e+00  }
0x1ac: {  	v13 =	vand.u32 $0xFFFF0000, v14;
	v14 =	vand.u32 $0xFFFF0000, v15;
	v8 =	vadd.f32 v8, v10;
	[tilespmem:s24+$0xFFFFFF50] =	vst v5  }
0x1ad: {  	v4 =	vadd.f32 v13, v4;
	v6 =	vshll.u32 v15, $0x10;
	v2 =	vadd.f32 v14, v2;
	v10 =	vld [tilespmem:s28+$0xFFFF9F40]  }
0x1ae: {  	v5 =	vadd.f32 v6, v11;
	v6 =	vshll.u32 v7, $0x10;
	v7 =	vand.u32 $0xFFFF0000, v7;
	v13 =	vld [tilespmem:s28+$0xFFFFBF40]  }
0x1af: {  	v11 =	vshll.u32 v12, $0x10;
	v12 =	vand.u32 $0xFFFF0000, v12;
	v6 =	vadd.f32 v6, v8;
	v8 =	vld [tilespmem:s25+$0xFFFFBFD0]  }
0x1b0: {  	v3 =	vshll.u32 v3, $0x10;
	v4 =	vadd.f32 v7, v4;
	v7 =	vld [tilespmem:s25+$0xFFFF9FD0];
	v2 =	vadd.f32 v12, v2  }
0x1b1: {  	v0 =	vmax.f32 v0, $0.0e+00;
	v1 =	vadd.f32 v3, v1;
	v5 =	vadd.f32 v11, v5  }
0x1b2: {  	v6 =	vmax.f32 v6, $0.0e+00;
	v12 =	vmax.f32 v2, $0.0e+00;
	v2 =	vshll.u32 v9, $0x10;
	v9 =	vld [tilespmem:s25+$0xFFFFDFD0]  }
0x1b3: {  	v14 =	vld [tilespmem:s25+$0xFFFF9F50];
	v1 =	vadd.f32 v2, v1;
	v2 =	vshll.u32 v10, $0x10;
	v3 =	vshll.u32 v13, $0x10  }
0x1b4: {  	v15 =	vld [tilespmem:s25+$0xFFFFFFD0];
	v10 =	vand.u32 $0xFFFF0000, v10;
	v13 =	vand.u32 $0xFFFF0000, v13;
	v16 =	vshll.u32 v8, $0x10  }
0x1b5: {  	v2 =	vadd.f32 v3, v2;
	v3 =	vadd.f32 v13, v10;
	v13 =	vshll.u32 v7, $0x10  }
0x1b6: {  	v11 =	vld [tilespmem:s25+$0xFFFFBF10];
	v8 =	vand.u32 $0xFFFF0000, v8;
	v7 =	vand.u32 $0xFFFF0000, v7;
	v13 =	vadd.f32 v16, v13  }
0x1b7: {  	v4 =	vmax.f32 v4, $0.0e+00;
	v62 =	vshll.u32 v9, $0x10;
	v7 =	vadd.f32 v8, v7  }
0x1b8: {  	v5 =	vmax.f32 v5, $0.0e+00;
	v10 =	vld [tilespmem:s25+$0xFFFFBF50];
	v9 =	vand.u32 $0xFFFF0000, v9;
	v13 =	vadd.f32 v62, v13  }
0x1b9: {  	v27 =	vshll.u32 v15, $0x10;
	v28 =	vshll.u32 v14, $0x10;
	v16 =	vld [tilespmem:s25+$0xFFFFBF90];
	v7 =	vadd.f32 v9, v7  }
0x1ba: {  	v15 =	vand.u32 $0xFFFF0000, v15;
	v14 =	vand.u32 $0xFFFF0000, v14;
	v9 =	vld [tilespmem:s25+$0xFFFFDF10];
	v13 =	vadd.f32 v27, v13  }
0x1bb: {  	v22 =	vld [tilespmem:s25+$0xFFFFDF90];
	v8 =	vshll.u32 v11, $0x10;
	v11 =	vand.u32 $0xFFFF0000, v11;
	v7 =	vadd.f32 v15, v7  }
0x1bc: {  	s26 =	simm.s32 $0x14700;
	v8 =	vadd.f32 v8, v24;
	v11 =	vadd.f32 v11, v19;
	v15 =	vld [tilespmem:s25+$0xFFFFDF50];
	v13 =	vmax.f32 v13, $0.0e+00  }
0x1bd: {  	v29 =	vshll.u32 v10, $0x10;
	v10 =	vand.u32 $0xFFFF0000, v10;
	v7 =	vmax.f32 v7, $0.0e+00;
	[tilespmem:s26+$0x80] =	vst v13  }
0x1be: {  	v23 =	vshll.u32 v16, $0x10;
	v18 =	vadd.f32 v29, v28;
	v10 =	vadd.f32 v10, v14;
	v13 =	vld [tilespmem:s25+$0xFFFFFF10];
	[tilespmem:s26+$0x90] =	vst v7  }
0x1bf: {  	v31 =	vadd.f32 v23, v21;
	v7 =	vand.u32 $0xFFFF0000, v16;
	v16 =	vshll.u32 v9, $0x10;
	v30 =	vld [tilespmem:s25+$0xFFFF9FE0]  }
0x1c0: {  	v9 =	vand.u32 $0xFFFF0000, v9;
	v14 =	vld [tilespmem:s25+$0xFFFFBFE0];
	v7 =	vadd.f32 v7, v17;
	v8 =	vadd.f32 v16, v8  }
0x1c1: {  	v16 =	vshll.u32 v22, $0x10;
	v22 =	vand.u32 $0xFFFF0000, v22;
	v32 =	vshll.u32 v15, $0x10  }
0x1c2: {  	v17 =	vld [tilespmem:s25+$0xFFFFDFE0];
	v9 =	vadd.f32 v9, v11;
	v15 =	vand.u32 $0xFFFF0000, v15;
	v11 =	vadd.f32 v32, v18  }
0x1c3: {  	[tilespmem:s24+$0x40] =	vst v5;
	v5 =	vand.u32 $0xFFFF0000, v33;
	v10 =	vadd.f32 v15, v10;
	v7 =	vadd.f32 v22, v7  }
0x1c4: {  	[tilespmem:s24+$0xFFFFFFC0] =	vst v6;
	v15 =	vld [tilespmem:s25+$0xFFFFFFE0];
	v34 =	vshll.u32 v13, $0x10;
	v13 =	vand.u32 $0xFFFF0000, v13;
	v11 =	vadd.f32 v40, v11  }
0x1c5: {  	v6 =	vld [tilespmem:s25+$0xFFFFFF90];
	[tilespmem:s24+$0xFFFFFFD0] =	vst v4;
	v5 =	vadd.f32 v5, v10;
	v35 =	vshll.u32 v30, $0x10;
	v36 =	vshll.u32 v14, $0x10  }
0x1c6: {  	v38 =	vld [tilespmem:s28+$0xFFFF9F80];
	v37 =	vand.u32 $0xFFFF0000, v30;
	v14 =	vand.u32 $0xFFFF0000, v14;
	v4 =	vadd.f32 v36, v35  }
0x1c7: {  	[tilespmem:s24+$0x50] =	vst v12;
	v12 =	vld [tilespmem:s28+$0xFFFFBF80];
	v39 =	vshll.u32 v17, $0x10;
	v17 =	vand.u32 $0xFFFF0000, v17;
	v14 =	vadd.f32 v14, v37  }
0x1c8: {  	v42 =	vld [tilespmem:s28+$0xFFFF9FC0];
	v9 =	vadd.f32 v13, v9;
	v5 =	vmax.f32 v5, $0.0e+00;
	v4 =	vadd.f32 v39, v4  }
0x1c9: {  	v10 =	vld [tilespmem:s28+$0xFFFFDF80];
	v41 =	vshll.u32 v15, $0x10;
	v15 =	vand.u32 $0xFFFF0000, v15;
	v14 =	vadd.f32 v17, v14  }
0x1ca: {  	v40 =	vld [tilespmem:s28+$0xFFFFDFC0];
	v17 =	vshll.u32 v6, $0x10;
	v6 =	vand.u32 $0xFFFF0000, v6;
	v4 =	vadd.f32 v41, v4  }
0x1cb: {  	v13 =	vld [tilespmem:s28+$0xFFFFDF40];
	[tilespmem:s26+$0xFFFFFF90] =	vst v5;
	v6 =	vadd.f32 v6, v7;
	v7 =	vmax.f32 v11, $0.0e+00;
	v14 =	vadd.f32 v15, v14  }
0x1cc: {  	v16 =	vadd.f32 v16, v31;
	v8 =	vadd.f32 v34, v8;
	v15 =	vld [tilespmem:s28+$0xFFFFBFC0];
	[tilespmem:s26+$0xFFFFFF80] =	vst v7;
	v4 =	vmax.f32 v4, $0.0e+00  }
0x1cd: {  	v1 =	vmax.f32 v1, $0.0e+00;
	v20 =	vand.u32 $0xFFFF0000, v42;
	v55 =	vld [tilespmem:s25+$0xFFFFDF60];
	[tilespmem:s26+$0xA0] =	vst v4;
	v4 =	vmax.f32 v14, $0.0e+00  }
0x1ce: {  	v8 =	vmax.f32 v8, $0.0e+00;
	v14 =	vadd.f32 v17, v16;
	v17 =	vshll.u32 v42, $0x10;
	v42 =	vld [tilespmem:s28+$0xFFFFFF80];
	[tilespmem:s26+$0xB0] =	vst v4  }
0x1cf: {  	v43 =	vshll.u32 v38, $0x10;
	[tilespmem:s26+$0xFFFFFF00] =	vst v8;
	v11 =	vshll.u32 v12, $0x10;
	v4 =	vmax.f32 v9, $0.0e+00;
	v8 =	vld [tilespmem:s25+$0xFFFF9FF0]  }
0x1d0: {  	v12 =	vand.u32 $0xFFFF0000, v12;
	v22 =	vshll.u32 v13, $0x10;
	[tilespmem:s26+$0xFFFFFF10] =	vst v4;
	v4 =	vmax.f32 v6, $0.0e+00;
	v6 =	vld [tilespmem:s25+$0xFFFFBFF0]  }
0x1d1: {  	v11 =	vadd.f32 v11, v43;
	v13 =	vand.u32 $0xFFFF0000, v13;
	v22 =	vadd.f32 v22, v2;
	v45 =	vld [tilespmem:s25+$0xFFFFDFF0]  }
0x1d2: {  	v9 =	vmax.f32 v14, $0.0e+00;
	v14 =	vand.u32 $0xFFFF0000, v38;
	v44 =	vshll.u32 v15, $0x10;
	v16 =	vld [tilespmem:s25+$0xFFFF9F20]  }
0x1d3: {  	[tilespmem:s24+$0xE0] =	vst v1;
	v15 =	vand.u32 $0xFFFF0000, v15;
	v46 =	vld [tilespmem:s25+$0xFFFFBF20];
	v12 =	vadd.f32 v12, v14;
	v7 =	vadd.f32 v44, v17  }
0x1d4: {  	v14 =	vld [tilespmem:s25+$0xFFFFFFF0];
	v17 =	vshll.u32 v10, $0x10;
	v15 =	vadd.f32 v15, v20;
	[tilespmem:s26+$0x10] =	vst v4;
	v4 =	vand.u32 $0xFFFF0000, v10  }
0x1d5: {  	[tilespmem:s26+$0x0] =	vst v9;
	v9 =	vld [tilespmem:s25+$0xFFFF9F60];
	v61 =	vshll.u32 v55, $0x10;
	v24 =	vand.u32 $0xFFFF0000, v55;
	v1 =	vand.u32 $0xFFFF0000, v42  }
0x1d6: {  	v54 =	vld [tilespmem:s25+$0xFFFFDF20];
	v5 =	vshll.u32 v8, $0x10;
	v47 =	vshll.u32 v6, $0x10;
	v8 =	vand.u32 $0xFFFF0000, v8  }
0x1d7: {  	v27 =	vld [tilespmem:s25+$0xFFFFFF20];
	v6 =	vand.u32 $0xFFFF0000, v6;
	v48 =	vshll.u32 v45, $0x10;
	v50 =	vand.u32 $0xFFFF0000, v45  }
0x1d8: {  	v49 =	vld [tilespmem:s25+$0xFFFF9FA0];
	v45 =	vand.u32 $0xFFFF0000, v40;
	v5 =	vadd.f32 v47, v5;
	v6 =	vadd.f32 v6, v8  }
0x1d9: {  	v52 =	vld [tilespmem:s25+$0xFFFFBFA0];
	v8 =	vshll.u32 v16, $0x10;
	v51 =	vshll.u32 v46, $0x10;
	v53 =	vshll.u32 v14, $0x10  }
0x1da: {  	v16 =	vand.u32 $0xFFFF0000, v16;
	v14 =	vand.u32 $0xFFFF0000, v14;
	v21 =	vand.u32 $0xFFFF0000, v46  }
0x1db: {  	v26 =	vld [tilespmem:s25+$0xFFFFDFA0];
	v25 =	vshll.u32 v9, $0x10;
	v9 =	vand.u32 $0xFFFF0000, v9;
	v57 =	vshll.u32 v54, $0x10  }
0x1dc: {  	v18 =	vand.u32 $0xFFFF0000, v54;
	v32 =	vshll.u32 v27, $0x10;
	v5 =	vadd.f32 v48, v5  }
0x1dd: {  	v10 =	vld [tilespmem:s25+$0xFFFFBF60];
	v33 =	vand.u32 $0xFFFF0000, v27;
	v47 =	vadd.f32 v13, v3;
	v6 =	vadd.f32 v50, v6  }
0x1de: {  	v28 =	vshll.u32 v49, $0x10;
	v29 =	vshll.u32 v52, $0x10;
	v5 =	vadd.f32 v53, v5  }
0x1df: {  	v59 =	vld [tilespmem:s25+$0xFFFFFFA0];
	v8 =	vadd.f32 v51, v8;
	v56 =	vand.u32 $0xFFFF0000, v49;
	v6 =	vadd.f32 v14, v6  }
0x1e0: {  	v16 =	vadd.f32 v21, v16;
	v62 =	vshll.u32 v26, $0x10;
	v5 =	vmax.f32 v5, $0.0e+00  }
0x1e1: {  	v26 =	vand.u32 $0xFFFF0000, v26;
	v8 =	vadd.f32 v57, v8;
	[tilespmem:s26+$0xC0] =	vst v5;
	v5 =	vmax.f32 v6, $0.0e+00  }
0x1e2: {  	v60 =	vadd.f32 v29, v28;
	v16 =	vadd.f32 v18, v16;
	v14 =	vshll.u32 v10, $0x10;
	v6 =	vld [tilespmem:s25+$0xFFFFFF60];
	[tilespmem:s26+$0xD0] =	vst v5  }
0x1e3: {  	v10 =	vand.u32 $0xFFFF0000, v10;
	v14 =	vadd.f32 v14, v25;
	v8 =	vadd.f32 v32, v8;
	v58 =	vld [tilespmem:s25+$0xFFFFA000]  }
0x1e4: {  	v38 =	vshll.u32 v59, $0x10;
	v9 =	vadd.f32 v10, v9;
	v16 =	vadd.f32 v33, v16;
	v10 =	vld [tilespmem:s25+$0xFFFFC000]  }
0x1e5: {  	v19 =	vadd.f32 v62, v60;
	v8 =	vmax.f32 v8, $0.0e+00;
	v5 =	vand.u32 $0xFFFF0000, v52;
	v63 =	vld [tilespmem:s25+$0xFFFFE000]  }
0x1e6: {  	v14 =	vadd.f32 v61, v14;
	[tilespmem:s26+$0xFFFFFF20] =	vst v8;
	v8 =	vmax.f32 v16, $0.0e+00;
	v5 =	vadd.f32 v5, v56;
	v34 =	vld [tilespmem:s25+$0x0]  }
0x1e7: {  	v23 =	vand.u32 $0xFFFF0000, v59;
	v9 =	vadd.f32 v24, v9;
	v16 =	vadd.f32 v38, v19;
	[tilespmem:s26+$0xFFFFFF30] =	vst v8  }
0x1e8: {  	v43 =	vld [tilespmem:s25+$0xFFFF9F30];
	v5 =	vadd.f32 v26, v5;
	v37 =	vshll.u32 v6, $0x10;
	v6 =	vand.u32 $0xFFFF0000, v6  }
0x1e9: {  	v16 =	vmax.f32 v16, $0.0e+00;
	v44 =	vld [tilespmem:s25+$0xFFFFBF30];
	v14 =	vadd.f32 v37, v14;
	v6 =	vadd.f32 v6, v9  }
0x1ea: {  	v5 =	vadd.f32 v23, v5;
	v35 =	vand.u32 $0xFFFF0000, v58;
	v36 =	vand.u32 $0xFFFF0000, v10  }
0x1eb: {  	v51 =	vld [tilespmem:s25+$0xFFFFFF30];
	v39 =	vand.u32 $0xFFFF0000, v63;
	v21 =	vshll.u32 v58, $0x10;
	v41 =	vand.u32 $0xFFFF0000, v34  }
0x1ec: {  	v10 =	vshll.u32 v10, $0x10;
	v20 =	vshll.u32 v63, $0x10;
	v8 =	vmax.f32 v14, $0.0e+00  }
0x1ed: {  	v9 =	vld [tilespmem:s28+$0xFFFFFF40];
	v25 =	vadd.f32 v36, v35;
	v6 =	vmax.f32 v6, $0.0e+00;
	v23 =	vmax.f32 v5, $0.0e+00;
	[tilespmem:s26+$0xFFFFFFA0] =	vst v8  }
0x1ee: {  	v46 =	vld [tilespmem:s25+$0xFFFFDF30];
	v5 =	vadd.f32 v17, v11;
	v11 =	vand.u32 $0xFFFF0000, v43;
	v13 =	vshll.u32 v44, $0x10;
	[tilespmem:s26+$0xFFFFFFB0] =	vst v6  }
0x1ef: {  	[tilespmem:s26+$0x20] =	vst v16;
	v8 =	vadd.f32 v10, v21;
	v10 =	vshll.u32 v40, $0x10;
	v6 =	vadd.f32 v4, v12;
	v2 =	vld [tilespmem:s25+$0xFFFF9F70]  }
0x1f0: {  	v59 =	vshll.u32 v51, $0x10;
	[tilespmem:s26+$0x30] =	vst v23;
	v25 =	vadd.f32 v39, v25;
	v3 =	vld [tilespmem:s25+$0xFFFFBF70];
	v4 =	vadd.f32 v10, v7  }
0x1f1: {  	v7 =	vadd.f32 v45, v15;
	v10 =	vshll.u32 v43, $0x10;
	v12 =	vld [tilespmem:s25+$0xFFFF9FB0];
	v15 =	vand.u32 $0xFFFF0000, v44  }
0x1f2: {  	v48 =	vld [tilespmem:s25+$0xFFFFBFB0];
	v16 =	vshll.u32 v9, $0x10;
	v17 =	vand.u32 $0xFFFF0000, v9;
	v8 =	vadd.f32 v20, v8  }
0x1f3: {  	v49 =	vld [tilespmem:s25+$0xFFFFDF70];
	v9 =	vshll.u32 v42, $0x10;
	v10 =	vadd.f32 v13, v10;
	v11 =	vadd.f32 v15, v11  }
0x1f4: {  	v23 =	vld [tilespmem:s25+$0xFFFFDFB0];
	v13 =	vshll.u32 v46, $0x10;
	v15 =	vand.u32 $0xFFFF0000, v46;
	v18 =	vadd.f32 v41, v25  }
0x1f5: {  	v53 =	vld [tilespmem:s25+$0xFFFFFF70];
	v10 =	vadd.f32 v13, v10;
	v11 =	vadd.f32 v15, v11;
	v15 =	vand.u32 $0xFFFF0000, v51  }
0x1f6: {  	v14 =	vmax.f32 v18, $0.0e+00;
	v50 =	vshll.u32 v2, $0x10;
	v2 =	vand.u32 $0xFFFF0000, v2  }
0x1f7: {  	v13 =	vshll.u32 v3, $0x10;
	v3 =	vand.u32 $0xFFFF0000, v3;
	v52 =	vshll.u32 v12, $0x10  }
0x1f8: {  	v54 =	vld [tilespmem:s25+$0xFFFFFFB0];
	v12 =	vand.u32 $0xFFFF0000, v12;
	v18 =	vand.u32 $0xFFFF0000, v48;
	v55 =	vshll.u32 v49, $0x10  }
0x1f9: {  	v56 =	vand.u32 $0xFFFF0000, v49;
	v57 =	vshll.u32 v23, $0x10;
	v58 =	vand.u32 $0xFFFF0000, v23  }
0x1fa: {  	v60 =	vshll.u32 v53, $0x10;
	v10 =	vadd.f32 v59, v10;
	v11 =	vadd.f32 v15, v11  }
0x1fb: {  	v13 =	vadd.f32 v13, v50;
	v2 =	vadd.f32 v3, v2;
	v3 =	vshll.u32 v48, $0x10  }
0x1fc: {  	v61 =	vand.u32 $0xFFFF0000, v53;
	v15 =	vadd.f32 v16, v22;
	v3 =	vadd.f32 v3, v52  }
0x1fd: {  	v62 =	vld [tilespmem:s28+$0xFFFFFFC0];
	v63 =	vand.u32 $0xFFFF0000, v54;
	v12 =	vadd.f32 v18, v12;
	v13 =	vadd.f32 v55, v13  }
0x1fe: {  	[tilespmem:s24+$0xF0] =	vst v0;
	v10 =	vmax.f32 v10, $0.0e+00;
	v2 =	vadd.f32 v56, v2;
	v3 =	vadd.f32 v57, v3  }
0x1ff: {  	[tilespmem:s26+$0xF0] =	vst v14;
	v0 =	vadd.f32 v58, v12;
	v12 =	vshll.u32 v54, $0x10;
	v13 =	vadd.f32 v60, v13  }
0x200: {  	[tilespmem:s26+$0xFFFFFF40] =	vst v10;
	v10 =	vmax.f32 v11, $0.0e+00;
	v2 =	vadd.f32 v61, v2;
	v3 =	vadd.f32 v12, v3  }
0x201: {  	[tilespmem:s26+$0xFFFFFF50] =	vst v10;
	v10 =	vshll.u32 v34, $0x10;
	v11 =	vadd.f32 v63, v0;
	v13 =	vmax.f32 v13, $0.0e+00  }
0x202: {  	v0 =	vld [tilespmem:s25+$0xFFFF9F40];
	v14 =	vmax.f32 v2, $0.0e+00;
	v12 =	vmax.f32 v3, $0.0e+00;
	v3 =	vshll.u32 v62, $0x10;
	[tilespmem:s26+$0xFFFFFFC0] =	vst v13  }
0x203: {  	s29 =	simm.s32 $0xE6F0;
	s11 =	sor.u32 $0x1, s11;
	s28 =	simm.s32 $0x4;
	v2 =	vld [tilespmem:s25+$0xFFFFBF40];
	v13 =	vmax.f32 v11, $0.0e+00;
	v11 =	vand.u32 $0xFFFF0000, v62;
	[tilespmem:s26+$0xFFFFFFD0] =	vst v14;
	v14 =	vadd.f32 v17, v47  }
.LBB2_5:
0x204: {  	v16 =	vld [tilespmem:s29+$0xFFFF9FD0];
	[tilespmem:s26+$0x40] =	vst v12;
	v5 =	vadd.f32 v9, v5;
	v1 =	vadd.f32 v1, v6  }
0x205: {  	v3 =	vadd.f32 v3, v4;
	v4 =	vadd.f32 v11, v7;
	v6 =	vld [tilespmem:s29+$0xFFFFBFD0];
	[tilespmem:s26+$0x50] =	vst v13;
	v9 =	vmax.f32 v15, $0.0e+00  }
0x206: {  	v8 =	vadd.f32 v10, v8;
	v7 =	vld [tilespmem:s29+$0xFFFFBF10];
	[tilespmem:s24+$0xFFFFFF60] =	vst v9;
	v9 =	vmax.f32 v14, $0.0e+00;
	v5 =	vmax.f32 v5, $0.0e+00  }
0x207: {  	v10 =	vld [tilespmem:s29+$0xFFFFDFD0];
	v11 =	vshll.u32 v0, $0x10;
	v12 =	vand.u32 $0xFFFF0000, v0;
	[tilespmem:s24+$0xFFFFFF70] =	vst v9;
	v9 =	vmax.f32 v1, $0.0e+00  }
0x208: {  	v13 =	vld [tilespmem:s29+$0xFFFF9F50];
	v0 =	vshll.u32 v2, $0x10;
	v1 =	vand.u32 $0xFFFF0000, v2;
	[tilespmem:s24+$0xFFFFFFE0] =	vst v5;
	v2 =	vmax.f32 v3, $0.0e+00  }
0x209: {  	v4 =	vmax.f32 v4, $0.0e+00;
	v3 =	vld [tilespmem:s29+$0xFFFFFFD0];
	v0 =	vadd.f32 v0, v11;
	v1 =	vadd.f32 v1, v12;
	[tilespmem:s24+$0xFFFFFFF0] =	vst v9  }
0x20a: {  	v8 =	vmax.f32 v8, $0.0e+00;
	v9 =	vshll.u32 v16, $0x10;
	v5 =	vld [tilespmem:s29+$0xFFFFBF50];
	v11 =	vshll.u32 v6, $0x10;
	[tilespmem:s24+$0x60] =	vst v2  }
0x20b: {  	s28 =	sadd.s32 $0x4, s28;
	v6 =	vand.u32 $0xFFFF0000, v6;
	v2 =	vld [tilespmem:s29+$0xFFFF9F90];
	v9 =	vadd.f32 v11, v9;
	v11 =	vand.u32 $0xFFFF0000, v16;
	[tilespmem:s24+$0x70] =	vst v4;
	s24 =	smov.u32 s26  }
0x20c: {  	p0 =	slt.u32 s28, $0x7C;
	v4 =	vshll.u32 v7, $0x10;
	v12 =	vld [tilespmem:s29+$0xFFFFBF90];
	v14 =	vshll.u32 v10, $0x10;
	v6 =	vadd.f32 v6, v11;
	[tilespmem:s26+$0xE0] =	vst v8  }
0x20d: {  	v7 =	vand.u32 $0xFFFF0000, v7;
	v10 =	vand.u32 $0xFFFF0000, v10;
	v8 =	vld [tilespmem:s29+$0xFFFF9F10];
	v9 =	vadd.f32 v14, v9  }
0x20e: {  	v14 =	vshll.u32 v13, $0x10;
	v11 =	vld [tilespmem:s29+$0xFFFFDF10];
	v15 =	vshll.u32 v3, $0x10;
	v6 =	vadd.f32 v10, v6  }
0x20f: {  	v3 =	vand.u32 $0xFFFF0000, v3;
	v10 =	vld [tilespmem:s29+$0xFFFFDF50];
	v16 =	vshll.u32 v5, $0x10;
	v9 =	vadd.f32 v15, v9  }
0x210: {  	v13 =	vand.u32 $0xFFFF0000, v13;
	v5 =	vand.u32 $0xFFFF0000, v5;
	v15 =	vld [tilespmem:s29+$0xFFFFDF90];
	v3 =	vadd.f32 v3, v6  }
0x211: {  	s26 =	sadd.s32 $0x200, s26;
	v17 =	vshll.u32 v2, $0x10;
	v6 =	vld [tilespmem:s29+$0xFFFFFF10];
	v18 =	vshll.u32 v12, $0x10;
	v9 =	vmax.f32 v9, $0.0e+00  }
0x212: {  	v19 =	vshll.u32 v8, $0x10;
	v8 =	vand.u32 $0xFFFF0000, v8;
	v20 =	vld [tilespmem:s29+$0xFFFFFF50];
	[tilespmem:s26+$0x80] =	vst v9;
	v3 =	vmax.f32 v3, $0.0e+00  }
0x213: {  	v2 =	vand.u32 $0xFFFF0000, v2;
	v12 =	vand.u32 $0xFFFF0000, v12;
	v4 =	vadd.f32 v4, v19;
	v9 =	vld [tilespmem:s29+$0xFFFFFF90];
	[tilespmem:s26+$0x90] =	vst v3  }
0x214: {  	v3 =	vshll.u32 v11, $0x10;
	v7 =	vadd.f32 v7, v8;
	v8 =	vadd.f32 v16, v14;
	v14 =	vld [tilespmem:s29+$0xFFFF9FE0]  }
0x215: {  	v5 =	vadd.f32 v5, v13;
	v13 =	vadd.f32 v18, v17;
	v11 =	vand.u32 $0xFFFF0000, v11;
	v16 =	vld [tilespmem:s29+$0xFFFFBFE0]  }
0x216: {  	v2 =	vadd.f32 v12, v2;
	v17 =	vshll.u32 v10, $0x10;
	v10 =	vand.u32 $0xFFFF0000, v10;
	v12 =	vld [tilespmem:s25+$0xFFFF9F80]  }
0x217: {  	v3 =	vadd.f32 v3, v4;
	v4 =	vshll.u32 v15, $0x10;
	v15 =	vand.u32 $0xFFFF0000, v15;
	v18 =	vld [tilespmem:s29+$0xFFFFDFE0]  }
0x218: {  	v7 =	vadd.f32 v11, v7;
	v8 =	vadd.f32 v17, v8;
	v19 =	vshll.u32 v6, $0x10;
	v11 =	vld [tilespmem:s25+$0xFFFFBF80]  }
0x219: {  	v10 =	vadd.f32 v10, v5;
	v6 =	vand.u32 $0xFFFF0000, v6;
	v13 =	vadd.f32 v4, v13;
	v4 =	vld [tilespmem:s29+$0xFFFFFFE0]  }
0x21a: {  	v15 =	vadd.f32 v15, v2;
	v2 =	vshll.u32 v14, $0x10;
	v5 =	vshll.u32 v16, $0x10;
	v17 =	vld [tilespmem:s25+$0xFFFF9FC0]  }
0x21b: {  	v2 =	vadd.f32 v5, v2;
	v5 =	vand.u32 $0xFFFF0000, v14;
	v14 =	vand.u32 $0xFFFF0000, v16;
	v16 =	vld [tilespmem:s25+$0xFFFFBFC0]  }
0x21c: {  	v21 =	vshll.u32 v20, $0x10;
	v22 =	vshll.u32 v18, $0x10;
	v5 =	vadd.f32 v14, v5;
	v14 =	vld [tilespmem:s25+$0xFFFFDF40]  }
0x21d: {  	v20 =	vand.u32 $0xFFFF0000, v20;
	v18 =	vand.u32 $0xFFFF0000, v18;
	v2 =	vadd.f32 v22, v2;
	v22 =	vld [tilespmem:s25+$0xFFFFDF80]  }
0x21e: {  	v23 =	vshll.u32 v9, $0x10;
	v24 =	vshll.u32 v4, $0x10;
	v18 =	vadd.f32 v18, v5;
	v5 =	vld [tilespmem:s25+$0xFFFFDFC0]  }
0x21f: {  	v9 =	vand.u32 $0xFFFF0000, v9;
	v2 =	vadd.f32 v24, v2;
	v24 =	vand.u32 $0xFFFF0000, v4;
	v4 =	vld [tilespmem:s25+$0xFFFFFF40]  }
0x220: {  	v19 =	vadd.f32 v19, v3;
	v18 =	vadd.f32 v24, v18;
	v3 =	vld [tilespmem:s25+$0xFFFFFF80];
	v24 =	vshll.u32 v12, $0x10  }
0x221: {  	v6 =	vadd.f32 v6, v7;
	v7 =	vadd.f32 v21, v8;
	v8 =	vmax.f32 v2, $0.0e+00;
	v2 =	vld [tilespmem:s25+$0xFFFFFFC0];
	s25 =	smov.u32 s29  }
0x222: {  	v10 =	vadd.f32 v20, v10;
	v13 =	vadd.f32 v23, v13;
	[tilespmem:s26+$0xA0] =	vst v8;
	v8 =	vmax.f32 v18, $0.0e+00  }
0x223: {  	v6 =	vmax.f32 v6, $0.0e+00;
	v9 =	vadd.f32 v9, v15;
	v18 =	vmax.f32 v19, $0.0e+00;
	[tilespmem:s26+$0xB0] =	vst v8  }
0x224: {  	v7 =	vmax.f32 v7, $0.0e+00;
	v8 =	vmax.f32 v10, $0.0e+00;
	v10 =	vmax.f32 v13, $0.0e+00;
	[tilespmem:s26+$0xFFFFFF00] =	vst v18;
	v15 =	vld [tilespmem:s29+$0xFFFF9FF0]  }
0x225: {  	v9 =	vmax.f32 v9, $0.0e+00;
	v12 =	vand.u32 $0xFFFF0000, v12;
	[tilespmem:s26+$0xFFFFFF10] =	vst v6;
	v18 =	vld [tilespmem:s29+$0xFFFFBFF0];
	v6 =	vshll.u32 v11, $0x10  }
0x226: {  	v20 =	vshll.u32 v16, $0x10;
	v13 =	vshll.u32 v17, $0x10;
	v19 =	vld [tilespmem:s29+$0xFFFF9F20];
	[tilespmem:s26+$0xFFFFFF80] =	vst v7;
	v7 =	vand.u32 $0xFFFF0000, v11  }
0x227: {  	v16 =	vand.u32 $0xFFFF0000, v16;
	v17 =	vand.u32 $0xFFFF0000, v17;
	v6 =	vadd.f32 v6, v24;
	[tilespmem:s26+$0xFFFFFF90] =	vst v8;
	v21 =	vld [tilespmem:s29+$0xFFFFDFF0]  }
0x228: {  	v11 =	vshll.u32 v14, $0x10;
	v8 =	vadd.f32 v7, v12;
	v7 =	vadd.f32 v20, v13;
	v23 =	vld [tilespmem:s29+$0xFFFFBF20];
	[tilespmem:s26+$0x0] =	vst v10  }
0x229: {  	v13 =	vand.u32 $0xFFFF0000, v14;
	v12 =	vshll.u32 v22, $0x10;
	[tilespmem:s26+$0x10] =	vst v9;
	v10 =	vld [tilespmem:s29+$0xFFFFFFF0];
	v9 =	vadd.f32 v16, v17  }
0x22a: {  	v14 =	vand.u32 $0xFFFF0000, v22;
	v17 =	vshll.u32 v15, $0x10;
	v16 =	vld [tilespmem:s29+$0xFFFF9F60];
	v20 =	vshll.u32 v18, $0x10  }
0x22b: {  	v15 =	vand.u32 $0xFFFF0000, v15;
	v18 =	vand.u32 $0xFFFF0000, v18;
	v22 =	vld [tilespmem:s29+$0xFFFFBF60];
	v17 =	vadd.f32 v20, v17  }
0x22c: {  	v20 =	vshll.u32 v19, $0x10;
	v15 =	vadd.f32 v18, v15;
	v24 =	vld [tilespmem:s29+$0xFFFF9FA0];
	v25 =	vshll.u32 v21, $0x10  }
0x22d: {  	v21 =	vand.u32 $0xFFFF0000, v21;
	v18 =	vshll.u32 v23, $0x10;
	v26 =	vld [tilespmem:s29+$0xFFFFBFA0];
	v17 =	vadd.f32 v25, v17  }
0x22e: {  	v19 =	vand.u32 $0xFFFF0000, v19;
	v15 =	vadd.f32 v21, v15;
	v25 =	vld [tilespmem:s29+$0xFFFFDF20];
	v27 =	vshll.u32 v10, $0x10  }
0x22f: {  	v21 =	vand.u32 $0xFFFF0000, v23;
	v10 =	vand.u32 $0xFFFF0000, v10;
	v23 =	vld [tilespmem:s29+$0xFFFFDF60];
	v17 =	vadd.f32 v27, v17  }
0x230: {  	v27 =	vshll.u32 v16, $0x10;
	v10 =	vadd.f32 v10, v15;
	v28 =	vshll.u32 v22, $0x10;
	v29 =	vld [tilespmem:s29+$0xFFFFDFA0]  }
0x231: {  	v16 =	vand.u32 $0xFFFF0000, v16;
	v22 =	vand.u32 $0xFFFF0000, v22;
	v15 =	vld [tilespmem:s29+$0xFFFFFF20];
	v17 =	vmax.f32 v17, $0.0e+00  }
0x232: {  	v31 =	vshll.u32 v24, $0x10;
	v10 =	vmax.f32 v10, $0.0e+00;
	v30 =	vld [tilespmem:s29+$0xFFFFFF60];
	v32 =	vshll.u32 v26, $0x10;
	[tilespmem:s26+$0xC0] =	vst v17  }
0x233: {  	v17 =	vadd.f32 v18, v20;
	v20 =	vand.u32 $0xFFFF0000, v24;
	v24 =	vand.u32 $0xFFFF0000, v26;
	v18 =	vld [tilespmem:s29+$0xFFFFFFA0];
	[tilespmem:s26+$0xD0] =	vst v10  }
0x234: {  	v19 =	vadd.f32 v21, v19;
	v21 =	vadd.f32 v28, v27;
	v10 =	vshll.u32 v25, $0x10;
	v26 =	vld [tilespmem:s29+$0xFFFFA000]  }
0x235: {  	v16 =	vadd.f32 v22, v16;
	v25 =	vand.u32 $0xFFFF0000, v25;
	v22 =	vadd.f32 v32, v31;
	v27 =	vld [tilespmem:s29+$0xFFFFC000]  }
0x236: {  	v20 =	vadd.f32 v24, v20;
	v28 =	vshll.u32 v23, $0x10;
	v23 =	vand.u32 $0xFFFF0000, v23  }
0x237: {  	v17 =	vadd.f32 v10, v17;
	v10 =	vshll.u32 v29, $0x10;
	v24 =	vand.u32 $0xFFFF0000, v29;
	v29 =	vld [tilespmem:s29+$0xFFFFE000]  }
0x238: {  	v19 =	vadd.f32 v25, v19;
	v21 =	vadd.f32 v28, v21;
	v31 =	vshll.u32 v15, $0x10  }
0x239: {  	v16 =	vadd.f32 v23, v16;
	v15 =	vand.u32 $0xFFFF0000, v15;
	v22 =	vadd.f32 v10, v22;
	v10 =	vld [tilespmem:s29+$0x0]  }
0x23a: {  	v20 =	vadd.f32 v24, v20;
	v23 =	vand.u32 $0xFFFF0000, v26;
	v24 =	vand.u32 $0xFFFF0000, v27  }
0x23b: {  	v25 =	vshll.u32 v30, $0x10;
	v28 =	vand.u32 $0xFFFF0000, v30;
	v23 =	vadd.f32 v24, v23  }
0x23c: {  	v24 =	vshll.u32 v18, $0x10;
	v18 =	vand.u32 $0xFFFF0000, v18;
	v30 =	vand.u32 $0xFFFF0000, v29  }
0x23d: {  	v17 =	vadd.f32 v31, v17;
	v26 =	vshll.u32 v26, $0x10;
	v23 =	vadd.f32 v30, v23  }
0x23e: {  	v15 =	vadd.f32 v15, v19;
	v19 =	vadd.f32 v25, v21;
	v21 =	vand.u32 $0xFFFF0000, v10  }
0x23f: {  	v16 =	vadd.f32 v28, v16;
	v17 =	vmax.f32 v17, $0.0e+00;
	v21 =	vadd.f32 v21, v23  }
0x240: {  	v15 =	vmax.f32 v15, $0.0e+00;
	v18 =	vadd.f32 v18, v20;
	[tilespmem:s26+$0xFFFFFF20] =	vst v17;
	v17 =	vadd.f32 v24, v22  }
0x241: {  	v16 =	vmax.f32 v16, $0.0e+00;
	[tilespmem:s26+$0xFFFFFF30] =	vst v15;
	v15 =	vmax.f32 v19, $0.0e+00;
	v19 =	vmax.f32 v21, $0.0e+00  }
0x242: {  	v18 =	vmax.f32 v18, $0.0e+00;
	v21 =	vshll.u32 v27, $0x10;
	v20 =	vld [tilespmem:s29+$0xFFFF9F30];
	v17 =	vmax.f32 v17, $0.0e+00;
	[tilespmem:s26+$0xF0] =	vst v19  }
0x243: {  	v22 =	vand.u32 $0xFFFF0000, v5;
	v19 =	vld [tilespmem:s29+$0xFFFFBF30];
	[tilespmem:s26+$0xFFFFFFA0] =	vst v15;
	v15 =	vadd.f32 v21, v26;
	v21 =	vshll.u32 v5, $0x10  }
0x244: {  	v25 =	vadd.f32 v13, v1;
	v24 =	vadd.f32 v11, v0;
	v23 =	vld [tilespmem:s29+$0xFFFFDF30];
	[tilespmem:s26+$0xFFFFFFB0] =	vst v16;
	v16 =	vshll.u32 v29, $0x10  }
0x245: {  	v5 =	vadd.f32 v12, v6;
	v6 =	vadd.f32 v14, v8;
	v0 =	vld [tilespmem:s29+$0xFFFF9F70];
	[tilespmem:s26+$0x20] =	vst v17;
	v17 =	vshll.u32 v4, $0x10  }
0x246: {  	v14 =	vand.u32 $0xFFFF0000, v4;
	v4 =	vadd.f32 v21, v7;
	v7 =	vadd.f32 v22, v9;
	v1 =	vld [tilespmem:s29+$0xFFFFBF70];
	[tilespmem:s26+$0x30] =	vst v18  }
0x247: {  	v8 =	vadd.f32 v16, v15;
	v11 =	vshll.u32 v20, $0x10;
	v12 =	vand.u32 $0xFFFF0000, v20;
	v13 =	vld [tilespmem:s29+$0xFFFF9FB0]  }
0x248: {  	v9 =	vshll.u32 v3, $0x10;
	v15 =	vshll.u32 v19, $0x10;
	v16 =	vand.u32 $0xFFFF0000, v19;
	v18 =	vld [tilespmem:s29+$0xFFFFBFB0]  }
0x249: {  	v11 =	vadd.f32 v15, v11;
	v15 =	vshll.u32 v23, $0x10;
	v12 =	vadd.f32 v16, v12;
	v16 =	vld [tilespmem:s29+$0xFFFFDF70]  }
0x24a: {  	v19 =	vand.u32 $0xFFFF0000, v23;
	v20 =	vshll.u32 v0, $0x10;
	v0 =	vand.u32 $0xFFFF0000, v0;
	v21 =	vld [tilespmem:s29+$0xFFFFDFB0]  }
0x24b: {  	v22 =	vld [tilespmem:s29+$0xFFFFFF30];
	v11 =	vadd.f32 v15, v11;
	v15 =	vshll.u32 v1, $0x10;
	v1 =	vand.u32 $0xFFFF0000, v1  }
0x24c: {  	v23 =	vld [tilespmem:s29+$0xFFFFFF70];
	v15 =	vadd.f32 v15, v20;
	v20 =	vshll.u32 v13, $0x10;
	v13 =	vand.u32 $0xFFFF0000, v13  }
0x24d: {  	v0 =	vadd.f32 v1, v0;
	v1 =	vld [tilespmem:s29+$0xFFFFFFB0];
	v26 =	vshll.u32 v18, $0x10;
	v18 =	vand.u32 $0xFFFF0000, v18  }
0x24e: {  	v27 =	vshll.u32 v16, $0x10;
	v20 =	vadd.f32 v26, v20;
	v13 =	vadd.f32 v18, v13  }
0x24f: {  	v16 =	vand.u32 $0xFFFF0000, v16;
	v18 =	vshll.u32 v21, $0x10;
	v21 =	vand.u32 $0xFFFF0000, v21  }
0x250: {  	v12 =	vadd.f32 v19, v12;
	v15 =	vadd.f32 v27, v15;
	v26 =	vshll.u32 v22, $0x10  }
0x251: {  	v0 =	vadd.f32 v16, v0;
	v19 =	vand.u32 $0xFFFF0000, v22;
	v16 =	vadd.f32 v18, v20  }
0x252: {  	v13 =	vadd.f32 v21, v13;
	v18 =	vshll.u32 v23, $0x10;
	v20 =	vand.u32 $0xFFFF0000, v23  }
0x253: {  	v11 =	vadd.f32 v26, v11;
	v21 =	vshll.u32 v1, $0x10;
	v22 =	vand.u32 $0xFFFF0000, v1  }
0x254: {  	v12 =	vadd.f32 v19, v12;
	v15 =	vadd.f32 v18, v15;
	v1 =	vand.u32 $0xFFFF0000, v3  }
.Ltmp1:
0x255: {  	v0 =	vadd.f32 v20, v0;
	v3 =	vmax.f32 v11, $0.0e+00;
	v11 =	vadd.f32 v21, v16;
	(pc) =	sbr.rel @p0 .LBB2_5-.Ltmp1, $4  }
0x256: {  	v13 =	vadd.f32 v22, v13;
	v15 =	vmax.f32 v15, $0.0e+00;
	[tilespmem:s26+$0xFFFFFF40] =	vst v3;
	v3 =	vmax.f32 v12, $0.0e+00  }
0x257: {  	v16 =	vmax.f32 v0, $0.0e+00;
	v12 =	vmax.f32 v11, $0.0e+00;
	[tilespmem:s26+$0xFFFFFF50] =	vst v3;
	v3 =	vshll.u32 v2, $0x10  }
0x258: {  	v10 =	vshll.u32 v10, $0x10;
	v13 =	vmax.f32 v13, $0.0e+00;
	v11 =	vand.u32 $0xFFFF0000, v2;
	v0 =	vld [tilespmem:s29+$0xFFFF9F40];
	[tilespmem:s26+$0xFFFFFFC0] =	vst v15  }
0x259: {  	v14 =	vadd.f32 v14, v25;
	s29 =	sadd.s32 $0x100, s29;
	v15 =	vadd.f32 v17, v24;
	v2 =	vld [tilespmem:s25+$0xFFFFBF40];
	[tilespmem:s26+$0xFFFFFFD0] =	vst v16  }
0x25a: {  	v30 =	vld [tilespmem:s25+$0xFFFF9F80];
	v5 =	vadd.f32 v9, v5  }
0x25b: {  	v1 =	vadd.f32 v1, v6;
	v31 =	vld [tilespmem:s25+$0xFFFFBF80];
	v3 =	vadd.f32 v3, v4  }
0x25c: {  	v33 =	vadd.f32 v11, v7;
	v8 =	vadd.f32 v10, v8;
	v41 =	vld [tilespmem:s25+$0xFFFFDF40]  }
0x25d: {  	v16 =	vld [tilespmem:s25+$0xFFFFDF80];
	v32 =	vmax.f32 v15, $0.0e+00;
	v35 =	vmax.f32 v14, $0.0e+00;
	v5 =	vmax.f32 v5, $0.0e+00  }
0x25e: {  	[tilespmem:s26+$0x40] =	vst v12;
	v46 =	vld [tilespmem:s25+$0xFFFFFF40];
	v1 =	vmax.f32 v1, $0.0e+00;
	v3 =	vmax.f32 v3, $0.0e+00;
	v4 =	vmax.f32 v33, $0.0e+00  }
0x25f: {  	[tilespmem:s26+$0x50] =	vst v13;
	v47 =	vld [tilespmem:s25+$0xFFFFFF80];
	v8 =	vmax.f32 v8, $0.0e+00;
	v37 =	vshll.u32 v0, $0x10;
	v39 =	vshll.u32 v2, $0x10  }
0x260: {  	v34 =	vld [tilespmem:s25+$0xFFFF9FC0];
	v38 =	vand.u32 $0xFFFF0000, v0;
	v40 =	vand.u32 $0xFFFF0000, v2;
	v13 =	vadd.f32 v39, v37  }
0x261: {  	v36 =	vld [tilespmem:s25+$0xFFFFBFC0];
	v0 =	vadd.f32 v40, v38;
	v42 =	vshll.u32 v30, $0x10;
	v43 =	vshll.u32 v31, $0x10  }
0x262: {  	v12 =	vand.u32 $0xFFFF0000, v30;
	v6 =	vand.u32 $0xFFFF0000, v31;
	v48 =	vshll.u32 v41, $0x10  }
0x263: {  	v44 =	vld [tilespmem:s25+$0xFFFFDFC0];
	v2 =	vand.u32 $0xFFFF0000, v41;
	v50 =	vshll.u32 v16, $0x10;
	v51 =	vand.u32 $0xFFFF0000, v16  }
0x264: {  	v55 =	vshll.u32 v46, $0x10;
	v56 =	vand.u32 $0xFFFF0000, v46;
	v58 =	vshll.u32 v47, $0x10  }
0x265: {  	v52 =	vld [tilespmem:s25+$0xFFFFFFC0];
	[tilespmem:s24+$0xFFFFFF60] =	vst v32;
	v59 =	vand.u32 $0xFFFF0000, v47;
	v14 =	vadd.f32 v43, v42;
	v17 =	vshll.u32 v34, $0x10  }
0x266: {  	[tilespmem:s24+$0xFFFFFF70] =	vst v35;
	v6 =	vadd.f32 v6, v12;
	v45 =	vshll.u32 v36, $0x10;
	v7 =	vand.u32 $0xFFFF0000, v34  }
0x267: {  	[tilespmem:s24+$0xFFFFFFE0] =	vst v5;
	v11 =	vand.u32 $0xFFFF0000, v36;
	v12 =	vadd.f32 v45, v17;
	v49 =	vadd.f32 v48, v13  }
0x268: {  	[tilespmem:s24+$0xFFFFFFF0] =	vst v1;
	v53 =	vshll.u32 v44, $0x10;
	v7 =	vadd.f32 v11, v7;
	v0 =	vadd.f32 v2, v0  }
0x269: {  	[tilespmem:s24+$0x60] =	vst v3;
	v15 =	vand.u32 $0xFFFF0000, v44;
	v54 =	vadd.f32 v50, v14;
	v10 =	vadd.f32 v55, v49  }
0x26a: {  	[tilespmem:s24+$0x70] =	vst v4;
	v61 =	vshll.u32 v52, $0x10;
	v6 =	vadd.f32 v51, v6;
	v0 =	vadd.f32 v56, v0  }
0x26b: {  	[tilespmem:s26+$0xE0] =	vst v8;
	v2 =	vadd.f32 v53, v12;
	v1 =	vadd.f32 v58, v54;
	v60 =	vmax.f32 v10, $0.0e+00  }
0x26c: {  	s7 =	sadd.s32 $0x1, s7;
	v57 =	vadd.f32 v15, v7;
	v3 =	vadd.f32 v59, v6;
	v0 =	vmax.f32 v0, $0.0e+00;
	[tilespmem:s26+$0xFFFFFF60] =	vst v60  }
0x26d: {  	p0 =	sne.s32 s7, $0x20;
	v5 =	vand.u32 $0xFFFF0000, v52;
	v2 =	vadd.f32 v61, v2;
	v1 =	vmax.f32 v1, $0.0e+00;
	[tilespmem:s26+$0xFFFFFF70] =	vst v0  }
.Ltmp2:
0x26e: {  	v62 =	vadd.f32 v5, v57;
	v3 =	vmax.f32 v3, $0.0e+00;
	[tilespmem:s26+$0xFFFFFFE0] =	vst v1;
	(pc) =	sbr.rel @p0 .LBB2_2-.Ltmp2, $4  }
0x26f: {  	s11 =	sadd.s32 s4, s11;
	v63 =	vmax.f32 v2, $0.0e+00;
	[tilespmem:s26+$0xFFFFFFF0] =	vst v3  }
0x270: {  	s11 =	sshll.u32 s11, $0xB;
	v0 =	vmax.f32 v62, $0.0e+00;
	[tilespmem:s26+$0x60] =	vst v63  }
0x271: {  	s11 =	sadd.s32 s2, s11;
	[tilespmem:s26+$0x70] =	vst v0  }
0x272: {  	[hbm4b:s11+s3] =	stream.linear.scatter [tilespmem:s8], [sflag:$0x6], $0x4000, $0x38;
	[tilespmem:$0x18400] =	vst v63  }
0x273: {  	_ =	swait.ge [sflag:s22], $0x2000  }
0x274: {  	[sflag:s22] =	ssyncset.done $0x0  }
0x275: {  	[sflag:s22] =	ssyncadd.s32 $0xFFFFE000  }
0x276: {  	_ =	swait.ge [sflag:s22], $0x2000  }
0x277: {  	[sflag:s22] =	ssyncset.done $0x0  }
0x278: {  	[sflag:s22] =	ssyncadd.s32 $0xFFFFE000  }
0x279: {  	_ =	swait.ge [sflag:s22], $0x2000  }
0x27a: {  	[sflag:s22] =	ssyncset.done $0x0  }
0x27b: {  	[sflag:s22] =	ssyncadd.s32 $0xFFFFE000  }
0x27c: {  	_ =	swait.ge [sflag:s22], $0x2000  }
0x27d: {  	[sflag:s22] =	ssyncset.done $0x0  }
0x27e: {  	[sflag:s22] =	ssyncadd.s32 $0xFFFFE000  }
0x27f: {  	_ =	swait.ge [sflag:s23], $0x200  }
0x280: {  	[sflag:s23] =	ssyncset.done $0x0  }
0x281: {  	s7 =	simm.s32 $0x5;
	[sflag:s23] =	ssyncadd.s32 $0xFFFFFE00  }
0x282: {  	_ =	swait.ge [sflag:s7], $0x4000  }
0x283: {  	[sflag:s7] =	ssyncset.done $0x0  }
0x284: {  	s11 =	simm.s32 $0x6;
	[sflag:s7] =	ssyncadd.s32 $0xFFFFC000  }
0x285: {  	_ =	swait.ge [sflag:s11], $0x4000  }
0x286: {  	s24 =	rddreg [dreg:$0x6]  }
0x287: {  	s29 =	rddreg [dreg:$0x5];
	s24 =	sadd.s32 $0x1, s24  }
0x288: {  	p0 =	sne.s32 s24, s29  }
.Ltmp3:
0x289: {  	_ = 	snop;
	(pc) =	sbr.rel @p0 .LBB2_1-.Ltmp3, $3  }
0x28a: {  	_ =	sdelay $0x1  }
0x28b: {  	[sflag:s11] =	ssyncset.done $0x0  }
0x28c: {  	[sflag:s11] =	ssyncadd.s32 $0xFFFFC000  }
0x28d: {  	_ =	sfence.sel $0x180000  }
0x28e: {  	[bflag:$0x0] =	sbarrier.arrive $0xFFFF  }
0x28f: {  	_ =	strace $0x90000047  }
0x290: {  	s0 =	stileid.u32;
	[bflag:$0x2] =	sbarrier.arrive $0xFFFF  }
0x291: {  	p0 =	sne.s32 s0, $0x0;
	s0 =	rddreg [dreg:$0x2]  }
0x292: {  	s0 =	sadd.s32 @!p0 $0x100000, s0  }
0x293: {  	[sflag:s0] =	ssyncadd.tile.s32 @!p0 $0x1;
	_ =	shalt  }
.Lfunc_end2:
_tile_overlayer_lowered:
.L_overlay_start_2:
0x294: {  	(tag) =	ssettag $0x2  }
0x295: {  	s0 =	rddreg [dreg:$0x0];
	s2 =	stileid.u32  }
0x296: {  	s1 =	rddreg [dreg:$0x1];
	p0 =	sne.s32 s2, $0x0  }
0x297: {  	s3 =	rddreg [dreg:$0x2];
	[bflag:$0x3] =	sbarrier.arrive $0xFFFF;
	s2 =	simm.s32 @!p0 $0x1C07  }
0x298: {  	[timem:s3], [sflag:s2] =	dma.local @!p0 [hbm:s0], s1  }
0x299: {  	s0 =	simm.s32 @!p0 $0x7  }
0x29a: {  	_ =	swait.ge @!p0 [sflag:s0], s1  }
0x29b: {  	s1 =	ssub.s32 @!p0 $0x0, s1;
	[sflag:s0] =	ssyncset.done @!p0 $0x0  }
0x29c: {  	[sflag:s0] =	ssyncadd.s32 @!p0 s1  }
0x29d: {  	[bflag:$0x3] =	sbarrier.arrive $0xFFFF  }
0x29e: {  	_ =	shalt  }

</sc_bundles>
